<compile_context>
chip_gen: v7x
topology: tpu7x:2x2x1
jax: 0.10.2.dev20260603
libtpu: 0.0.44.dev20260713+nightly
codegen_flags: <defaults>
</compile_context>

<pallas_src>
import functools

import jax
import jax.numpy as jnp
from jax import lax
from jax.experimental import pallas as pl
from jax.experimental.pallas import tpu as pltpu
from jax.experimental.pallas import tpu_sc as plsc

DIM = 768
E = 1536
S = 16
B = 2
L = 4096
K = 1228
KP = 1280
T = 64
NC = KP // T
ETILE = 512
NET = E // ETILE
NROWS = B * L
NSCAT = B * KP


def _l2n(v):
    n = jnp.linalg.norm(v, axis=-1, keepdims=True)
    return v / jnp.maximum(n, 1e-12)



def _rank_body(p_ref, pt_ref, rank_ref, gid3_ref):
    b = pl.program_id(0)
    it = pl.program_id(1)
    pfull = p_ref[0, 0, :]
    pi = pt_ref[0, 0, :]
    JT = 1024
    pic = jax.lax.broadcast_in_dim(pi, (ETILE, JT), (0,))
    ii = lax.broadcasted_iota(jnp.int32, (ETILE, JT), 0) + it * ETILE
    rank = jnp.zeros((ETILE,), jnp.int32)
    for jt in range(L // JT):
        pj = jax.lax.broadcast_in_dim(pfull[jt * JT:(jt + 1) * JT],
                                      (ETILE, JT), (1,))
        jj = lax.broadcasted_iota(jnp.int32, (ETILE, JT), 1) + jt * JT
        cnt = (pj > pic) | ((pj == pic) & (jj < ii))
        rank = rank + jnp.sum(cnt.astype(jnp.int32), axis=1)
    labs = lax.broadcasted_iota(jnp.int32, (ETILE,), 0) + it * ETILE
    gid3 = jnp.where(rank < K, b * KP + rank, NSCAT + b * L + labs)
    rank_ref[0, 0, :] = rank
    gid3_ref[0, 0, :] = gid3


def _rank_call(p):
    p3 = p.reshape(B, 1, L)
    return pl.pallas_call(
        _rank_body,
        grid=(B, L // ETILE),
        in_specs=[pl.BlockSpec((1, 1, L), lambda b, it: (b, 0, 0)),
                  pl.BlockSpec((1, 1, ETILE), lambda b, it: (b, 0, it))],
        out_specs=[pl.BlockSpec((1, 1, ETILE), lambda b, it: (b, 0, it)),
                   pl.BlockSpec((1, 1, ETILE), lambda b, it: (b, 0, it))],
        out_shape=[jax.ShapeDtypeStruct((B, 1, L), jnp.int32),
                   jax.ShapeDtypeStruct((B, 1, L), jnp.int32)],
    )(p3, p3)



def _extract_body(rank_ref, gidx_ref):
    b = pl.program_id(0)
    rt = pl.program_id(1)
    rfull = rank_ref[0, 0, :]
    rr = lax.broadcasted_iota(jnp.int32, (128, L), 0) + rt * 128
    rj = jax.lax.broadcast_in_dim(rfull, (128, L), (1,))
    jj = lax.broadcasted_iota(jnp.int32, (128, L), 1)
    hit = (rj == rr)
    idx = jnp.sum(jnp.where(hit, jj, 0), axis=1)
    rglob = lax.broadcasted_iota(jnp.int32, (128,), 0) + rt * 128
    gidx = jnp.where(rglob < K, idx + b * L, 0)
    gidx_ref[0, 0, :] = gidx


def _extract_call(rank):
    return pl.pallas_call(
        _extract_body,
        grid=(B, KP // 128),
        in_specs=[pl.BlockSpec((1, 1, L), lambda b, rt: (b, 0, 0))],
        out_specs=pl.BlockSpec((1, 1, 128), lambda b, rt: (b, 0, rt)),
        out_shape=jax.ShapeDtypeStruct((B, 1, KP), jnp.int32),
    )(rank)



def _prep_body(a_ref, bp_ref, cp_ref, pw_ref, ap_ref, sc_ref):
    a = a_ref[...]
    u = jax.nn.sigmoid(bp_ref[0, :]).reshape(1, S)
    sc_ref[...] = jax.nn.sigmoid(cp_ref[...])
    eye = (lax.broadcasted_iota(jnp.int32, (S, S), 0) ==
           lax.broadcasted_iota(jnp.int32, (S, S), 1)).astype(jnp.float32)
    at = lax.dot_general(eye, a, (((1,), (1,)), ((), ())),
                         preferred_element_type=jnp.float32)
    pw_ref[0:1, :] = u
    ap_ref[0:S, :] = at

    def body(d, carry):
        pw_prev, ap_prev = carry
        pw_d = lax.dot_general(pw_prev, a, (((1,), (1,)), ((), ())),
                               preferred_element_type=jnp.float32)
        ap_d = lax.dot_general(ap_prev, a, (((1,), (1,)), ((), ())),
                               preferred_element_type=jnp.float32)
        pw_ref[pl.ds(d, 1), :] = pw_d
        ap_ref[pl.ds(d * S, S), :] = ap_d
        return pw_d, ap_d

    lax.fori_loop(1, T, body, (u, at))


def _prep_call(A, Bp, Cp):
    return pl.pallas_call(
        _prep_body,
        in_specs=[pl.BlockSpec((S, S), lambda: (0, 0)),
                  pl.BlockSpec((1, S), lambda: (0, 0)),
                  pl.BlockSpec((E, S), lambda: (0, 0))],
        out_specs=[pl.BlockSpec((T, S), lambda: (0, 0)),
                   pl.BlockSpec((T * S, S), lambda: (0, 0)),
                   pl.BlockSpec((E, S), lambda: (0, 0))],
        out_shape=[jax.ShapeDtypeStruct((T, S), jnp.float32),
                   jax.ShapeDtypeStruct((T * S, S), jnp.float32),
                   jax.ShapeDtypeStruct((E, S), jnp.float32)],
    )(A, Bp.reshape(1, S), Cp)



SSTEPS = B * NC


def _scan_body(xs_ref, xg_ref, cw_ref, toep_ref, ap3_ref, prev_ref,
               mmatt_ref, sct_ref, wout_ref, bout_ref, out_ref,
               h_ref, tail_ref):
    i = pl.program_id(0)
    c = i % NC

    @pl.when(c == 0)
    def _():
        h_ref[...] = jnp.zeros((S, E), jnp.float32)
        tail_ref[...] = jnp.zeros((8, E), jnp.float32)

    if True:
        xsb = xs_ref[...]
        w = cw_ref[...]
        tail = tail_ref[0:3, :]
        ext = jnp.concatenate([tail, xsb], axis=0)
        xc = (w[3:4, :] * xsb
              + w[2:3, :] * ext[2:T + 2, :]
              + w[1:2, :] * ext[1:T + 1, :]
              + w[0:1, :] * ext[0:T, :])
        tail_ref[0:3, :] = xsb[T - 3:T, :]
        xcb = xc.astype(jnp.bfloat16)

        out_acc = jnp.zeros((T, E), jnp.float32)
        for s in range(S):
            ys = jnp.dot(toep_ref[s], xcb, preferred_element_type=jnp.float32)
            out_acc = out_acc + ys * sct_ref[s:s + 1, :]

        h_et = h_ref[...]
        v = jnp.concatenate(
            [h_et[s:s + 1, :] * sct_ref[...] for s in range(S)], axis=0)
        out_acc = out_acc + jnp.dot(ap3_ref[...], v,
                                    preferred_element_type=jnp.float32)

        h_ref[...] = (
            jnp.dot(mmatt_ref[...], h_et, preferred_element_type=jnp.float32)
            + lax.dot_general(prev_ref[...], xc, (((0,), (0,)), ((), ())),
                              preferred_element_type=jnp.float32))

        part = jnp.dot(out_acc.astype(jnp.bfloat16), wout_ref[...],
                       preferred_element_type=jnp.float32)
        out_ref[...] = part + bout_ref[...] + xg_ref[...]

def _scan_call(xs, xg, cwT, toep, ap3, prev, mmatT, sCT, W_out, b_out):
    return pl.pallas_call(
        _scan_body,
        grid=(SSTEPS,),
        in_specs=[
            pl.BlockSpec((T, E), lambda i: (i, 0)),
            pl.BlockSpec((T, DIM), lambda i: (i, 0)),
            pl.BlockSpec((4, E), lambda i: (0, 0)),
            pl.BlockSpec((S, T, T), lambda i: (0, 0, 0)),
            pl.BlockSpec((T, S * S), lambda i: (0, 0)),
            pl.BlockSpec((T, S), lambda i: (0, 0)),
            pl.BlockSpec((S, S), lambda i: (0, 0)),
            pl.BlockSpec((S, E), lambda i: (0, 0)),
            pl.BlockSpec((E, DIM), lambda i: (0, 0)),
            pl.BlockSpec((1, DIM), lambda i: (0, 0)),
        ],
        out_specs=pl.BlockSpec((T, DIM), lambda i: (i, 0)),
        out_shape=jax.ShapeDtypeStruct((NSCAT, DIM), jnp.float32),
        scratch_shapes=[pltpu.VMEM((S, E), jnp.float32),
                        pltpu.VMEM((8, E), jnp.float32)],
        compiler_params=pltpu.CompilerParams(
            dimension_semantics=("arbitrary",)),
    )(xs, xg, cwT, toep, ap3, prev, mmatT, sCT, W_out, b_out)



def _in_gather(xp2d, x2d, gidx):
    info = plsc.get_sparse_core_info()
    nw = info.num_cores * info.num_subcores
    rows_w = NSCAT // nw
    half = 16
    nr = rows_w // half
    mesh = plsc.VectorSubcoreMesh(core_axis_name="c", subcore_axis_name="s")

    @functools.partial(
        pl.kernel,
        out_type=[jax.ShapeDtypeStruct((NSCAT, E), jnp.float32),
                  jax.ShapeDtypeStruct((NSCAT, DIM), jnp.float32)],
        mesh=mesh,
        scratch_types=[pltpu.VMEM((half,), jnp.int32),
                       pltpu.VMEM((half,), jnp.int32),
                       pltpu.VMEM((half, E), jnp.float32),
                       pltpu.VMEM((half, E), jnp.float32),
                       pltpu.VMEM((half, DIM), jnp.float32),
                       pltpu.VMEM((half, DIM), jnp.float32),
                       pltpu.SemaphoreType.DMA,
                       pltpu.SemaphoreType.DMA,
                       pltpu.SemaphoreType.DMA,
                       pltpu.SemaphoreType.DMA],
    )
    def k(xp_hbm, x_hbm, idx_hbm, xs_hbm, xg_hbm,
          ia_v, ib_v, pa_v, pb_v, xa_v, xb_v, s0, s1, s2, s3):
        wid = lax.axis_index("s") * info.num_cores + lax.axis_index("c")
        base0 = wid * rows_w
        bufs = ((ia_v, pa_v, xa_v, s0, s1), (ib_v, pb_v, xb_v, s2, s3))

        def start(r):
            iv, pv, xv, sp, sx = bufs[r % 2]
            pltpu.sync_copy(idx_hbm.at[pl.ds(base0 + r * half, half)], iv)
            c1 = pltpu.async_copy(xp_hbm.at[iv], pv, sp)
            c2 = pltpu.async_copy(x_hbm.at[iv], xv, sx)
            return c1, c2

        cs = start(0)
        for r in range(nr):
            nxt = start(r + 1) if r + 1 < nr else None
            cs[0].wait()
            cs[1].wait()
            _, pv, xv, _, _ = bufs[r % 2]
            pltpu.sync_copy(pv, xs_hbm.at[pl.ds(base0 + r * half, half)])
            pltpu.sync_copy(xv, xg_hbm.at[pl.ds(base0 + r * half, half)])
            cs = nxt

    return k(xp2d, x2d, gidx)


def _out_gather(table, gid3):
    info = plsc.get_sparse_core_info()
    nw = info.num_cores * info.num_subcores
    rows_w = NROWS // nw
    chunk = 64
    nr = rows_w // chunk
    mesh = plsc.VectorSubcoreMesh(core_axis_name="c", subcore_axis_name="s")

    @functools.partial(
        pl.kernel,
        out_type=jax.ShapeDtypeStruct((NROWS, DIM), jnp.float32),
        mesh=mesh,
        scratch_types=[pltpu.VMEM((chunk,), jnp.int32),
                       pltpu.VMEM((chunk,), jnp.int32),
                       pltpu.VMEM((chunk, DIM), jnp.float32),
                       pltpu.VMEM((chunk, DIM), jnp.float32),
                       pltpu.SemaphoreType.DMA,
                       pltpu.SemaphoreType.DMA],
    )
    def k(tab_hbm, idx_hbm, out_hbm, ia_v, ib_v, ra_v, rb_v, s0, s1):
        wid = lax.axis_index("s") * info.num_cores + lax.axis_index("c")
        base0 = wid * rows_w
        bufs = ((ia_v, ra_v, s0), (ib_v, rb_v, s1))

        def start(r):
            iv, rv, sm = bufs[r % 2]
            pltpu.sync_copy(idx_hbm.at[pl.ds(base0 + r * chunk, chunk)], iv)
            return pltpu.async_copy(tab_hbm.at[iv], rv, sm)

        c = start(0)
        for r in range(nr):
            nxt = start(r + 1) if r + 1 < nr else None
            c.wait()
            _, rv, _ = bufs[r % 2]
            pltpu.sync_copy(rv, out_hbm.at[pl.ds(base0 + r * chunk, chunk)])
            c = nxt

    return k(table, gid3)



def kernel(x, norm_w, W_in, b_in, W_out, b_out, A, Bp, Cp, conv_w):
    xn = x * jax.lax.rsqrt(jnp.mean(x * x, axis=-1, keepdims=True) + 1e-6) * norm_w
    x_proj = xn @ W_in + b_in
    center = x_proj[:, L // 2:L // 2 + 1, :]
    sim = jnp.squeeze(jnp.matmul(_l2n(x_proj), jnp.swapaxes(_l2n(center), -1, -2)), -1)
    p = jax.nn.softmax(sim, axis=-1)

    rank, gid3 = _rank_call(p)
    gidx = _extract_call(rank)

    xp2d = x_proj.reshape(NROWS, E)
    x2d = x.reshape(NROWS, DIM)
    xs, xg = _in_gather(xp2d, x2d, gidx.reshape(NSCAT))

    pw, apflat, sC = _prep_call(A, Bp, Cp)
    ap = apflat.reshape(T, S, S)
    ap3 = ap.reshape(T, S * S)
    tt = jnp.arange(T)[:, None]
    jjj = jnp.arange(T)[None, :]
    d = tt - jjj
    toep = jnp.where((d >= 0)[:, :, None],
                     jnp.take(pw, jnp.clip(d, 0, T - 1), axis=0),
                     0.0).transpose(2, 0, 1).astype(jnp.bfloat16)
    prevm = pw[::-1]
    mmatT = ap[T - 1].T
    cwT = conv_w.reshape(E, 4).T

    x_scat = _scan_call(xs, xg, cwT, toep, ap3, prevm, mmatT,
                        sC.T, W_out.astype(jnp.bfloat16), b_out.reshape(1, DIM))

    table = jnp.concatenate([x_scat, x2d], axis=0)
    out2d = _out_gather(table, gid3.reshape(NROWS))
    return out2d.reshape(B, L, DIM)

# --- scband reference (transcript-rebuilt; emitter-appended) ---
"""Pipeline reference for scband-sparse-deformable-mamba-block-85676007620946 (READ-ONLY COPY).

The authoritative reference and input builder live on the scoring server;
editing this copy changes nothing except your own understanding.
"""

import jax, jax.numpy as jnp
import numpy as np

DIM = 768
D_STATE = 16
D_CONV = 4
EXPAND = 2
E_DIM = DIM * EXPAND
SPARSITY = 0.3
B = 2
L = 4096


def setup_inputs(seed: int = 0) -> dict:
    key = jax.random.key(seed)
    ks = jax.random.split(key, 8)
    x = jax.random.normal(ks[0], (B, L, DIM), dtype=jnp.float32)
    norm_w = jnp.ones((DIM,), dtype=jnp.float32)
    W_in = jax.random.normal(ks[1], (DIM, E_DIM), dtype=jnp.float32) * 0.02
    b_in = jnp.zeros((E_DIM,), dtype=jnp.float32)
    W_out = jax.random.normal(ks[2], (E_DIM, DIM), dtype=jnp.float32) * 0.02
    b_out = jnp.zeros((DIM,), dtype=jnp.float32)
    A = jax.random.normal(ks[3], (D_STATE, D_STATE), dtype=jnp.float32) * 0.02
    Bp = jax.random.normal(ks[4], (1, 1, D_STATE), dtype=jnp.float32) * 0.02
    Cp = jax.random.normal(ks[5], (E_DIM, D_STATE), dtype=jnp.float32) * 0.02
    conv_w = jax.random.normal(ks[6], (E_DIM, 1, D_CONV), dtype=jnp.float32) * 0.1
    return {"x": x, "norm_w": norm_w, "W_in": W_in, "b_in": b_in, "W_out": W_out, "b_out": b_out, "A": A, "Bp": Bp, "Cp": Cp, "conv_w": conv_w}


def _l2norm(v):
    n = jnp.linalg.norm(v, axis=-1, keepdims=True)
    return v / jnp.maximum(n, 1e-12)


def reference(x, norm_w, W_in, b_in, W_out, b_out, A, Bp, Cp, conv_w):
    Bsz, Lseq, C = x.shape
    # RMSNorm
    xn = x * jax.lax.rsqrt(jnp.mean(x * x, axis=-1, keepdims=True) + 1e-6) * norm_w
    x_proj = xn @ W_in + b_in  # [B, L, E]
    center_idx = Lseq // 2
    center = x_proj[:, center_idx:center_idx + 1, :]
    sim = jnp.squeeze(jnp.matmul(_l2norm(x_proj), jnp.swapaxes(_l2norm(center), -1, -2)), -1)  # [B, L]
    sim = jax.nn.softmax(sim, axis=-1)
    k = max(1, int(Lseq * SPARSITY))
    _, topk_idx = jax.lax.top_k(sim, k)  # [B, k]
    x_sparse = jnp.take_along_axis(x_proj, topk_idx[:, :, None], axis=1)  # [B, k, E]
    # depthwise causal-ish conv, pad both sides by d_conv-1 then slice to k
    xc = jnp.swapaxes(x_sparse, 1, 2)  # [B, E, k]
    xc = jax.lax.conv_general_dilated(xc, conv_w, window_strides=(1,), padding=[(D_CONV - 1, D_CONV - 1)], dimension_numbers=("NCH", "OIH", "NCH"), feature_group_count=E_DIM)[..., :k]
    xc = jnp.swapaxes(xc, 1, 2)  # [B, k, E]
    sB = jax.nn.sigmoid(Bp)  # [1, 1, S]
    sC = jax.nn.sigmoid(Cp)  # [E, S]
    AT = A.T

    def step(h, xt):  # h: [B, E, S], xt: [B, E]
        Bx = sB * xt[:, :, None]
        h = jnp.matmul(h, AT) + Bx
        out_t = jnp.sum(h * sC[None, :, :], axis=-1)  # [B, E]
        return h, out_t

    h0 = jnp.zeros((Bsz, E_DIM, D_STATE), dtype=x.dtype)
    _, outs = jax.lax.scan(step, h0, jnp.swapaxes(xc, 0, 1))  # outs: [k, B, E]
    x_processed = jnp.swapaxes(outs, 0, 1) @ W_out + b_out  # [B, k, C]
    bidx = jnp.arange(Bsz)[:, None]
    output = jnp.zeros((Bsz, Lseq, C), dtype=x.dtype).at[bidx, topk_idx].set(x_processed)
    return output + x

if __name__ == "__main__":
    import jax
    _d = setup_inputs()
    print(jax.jit(kernel)(*tuple(_d.values())))

</pallas_src>

<mosaic_0001>
#map = affine_map<(d0, d1) -> (0, 0)>
#map1 = affine_map<(d0, d1) -> (0)>
module attributes {stable_mosaic.version = 14 : i64} {
  func.func @k(%arg0: i32, %arg1: i32, %arg2: memref<8192x1536xf32, #tpu.memory_space<hbm>>, %arg3: memref<8192x768xf32, #tpu.memory_space<hbm>>, %arg4: memref<2560xi32, #tpu.memory_space<hbm>>, %arg5: memref<2560x1536xf32, #tpu.memory_space<hbm>>, %arg6: memref<2560x768xf32, #tpu.memory_space<hbm>>, %arg7: memref<16xi32, #tpu.memory_space<vmem>>, %arg8: memref<16xi32, #tpu.memory_space<vmem>>, %arg9: memref<16x1536xf32, #tpu.memory_space<vmem>>, %arg10: memref<16x1536xf32, #tpu.memory_space<vmem>>, %arg11: memref<16x768xf32, #tpu.memory_space<vmem>>, %arg12: memref<16x768xf32, #tpu.memory_space<vmem>>, %arg13: memref<!tpu.dma_semaphore, #tpu.memory_space<semaphore_mem>>, %arg14: memref<!tpu.dma_semaphore, #tpu.memory_space<semaphore_mem>>, %arg15: memref<!tpu.dma_semaphore, #tpu.memory_space<semaphore_mem>>, %arg16: memref<!tpu.dma_semaphore, #tpu.memory_space<semaphore_mem>>) attributes {dimension_semantics = [#tpu.dimension_semantics<core_parallel>, #tpu.dimension_semantics<subcore_parallel>], iteration_bounds = array<i64: 2, 16>, scalar_prefetch = 0 : i64, scratch_operands = 10 : i64, tpu.core_type = #tpu.core_type<sc_vector_subcore>, window_params = [{transform_indices = #map}, {transform_indices = #map}, {transform_indices = #map1}, {transform_indices = #map}, {transform_indices = #map}]} {
    %mul3A = arith.constant 2 : i32
    %mul3A_0 = arith.muli %arg1, %mul3A : i32
    %add3A = arith.addi %mul3A_0, %arg0 : i32
    %mul3A_1 = arith.constant 80 : i32
    %mul3A_2 = arith.muli %add3A, %mul3A_1 : i32
    %add3A_3 = arith.constant 0 : i32
    %add3A_4 = arith.addi %mul3A_2, %add3A_3 : i32
    "tpu.region"() ({
      %run_scoped3A = tpu.sem_alloc : memref<!tpu.dma_semaphore, #tpu.memory_space<semaphore_mem>>
      %dma_start3A_91 = tpu.memref_slice %arg4[%add3A_4] : memref<2560xi32, #tpu.memory_space<hbm>> -> memref<16xi32, #tpu.memory_space<hbm>>
      %dma_start3A_92 = tpu.memref_slice %arg4[%add3A_4] : memref<2560xi32, #tpu.memory_space<hbm>> -> memref<16xi32, #tpu.memory_space<hbm>>
      tpu.enqueue_dma source(%dma_start3A_92 : memref<16xi32, #tpu.memory_space<hbm>>) target(%arg7 : memref<16xi32, #tpu.memory_space<vmem>>) target_semaphore(%run_scoped3A : memref<!tpu.dma_semaphore, #tpu.memory_space<semaphore_mem>>)
      %dma_wait3A_93 = tpu.memref_slice %arg4[%add3A_4] : memref<2560xi32, #tpu.memory_space<hbm>> -> memref<16xi32, #tpu.memory_space<hbm>>
      %dma_wait3A_94 = tpu.memref_slice %arg4[%add3A_4] : memref<2560xi32, #tpu.memory_space<hbm>> -> memref<16xi32, #tpu.memory_space<hbm>>
      tpu.wait_dma2 semaphore(%run_scoped3A : memref<!tpu.dma_semaphore, #tpu.memory_space<semaphore_mem>>) src(%dma_wait3A_94 : memref<16xi32, #tpu.memory_space<hbm>>) dst(%arg7 : memref<16xi32, #tpu.memory_space<vmem>>)
      tpu.yield
    }) : () -> ()
    %dma_start3A = arith.constant 0 : i32
    %dma_start3A_5 = arith.constant 0 : i32
    %dma_start3A_6 = tpu.memref_slice %arg2[%dma_start3A, %dma_start3A_5] : memref<8192x1536xf32, #tpu.memory_space<hbm>> -> memref<8192x1536xf32, #tpu.memory_space<hbm>>
    tpu.enqueue_indirect_dma source(%dma_start3A_6 : memref<8192x1536xf32, #tpu.memory_space<hbm>>) target(%arg9 : memref<16x1536xf32, #tpu.memory_space<vmem>>) offsets(%arg7 : memref<16xi32, #tpu.memory_space<vmem>>) semaphore(%arg13 : memref<!tpu.dma_semaphore, #tpu.memory_space<semaphore_mem>>)
    %dma_start3A_7 = arith.constant 0 : i32
    %dma_start3A_8 = arith.constant 0 : i32
    %dma_start3A_9 = tpu.memref_slice %arg3[%dma_start3A_7, %dma_start3A_8] : memref<8192x768xf32, #tpu.memory_space<hbm>> -> memref<8192x768xf32, #tpu.memory_space<hbm>>
    tpu.enqueue_indirect_dma source(%dma_start3A_9 : memref<8192x768xf32, #tpu.memory_space<hbm>>) target(%arg11 : memref<16x768xf32, #tpu.memory_space<vmem>>) offsets(%arg7 : memref<16xi32, #tpu.memory_space<vmem>>) semaphore(%arg14 : memref<!tpu.dma_semaphore, #tpu.memory_space<semaphore_mem>>)
    %add3A_10 = arith.constant 16 : i32
    %add3A_11 = arith.addi %mul3A_2, %add3A_10 : i32
    "tpu.region"() ({
      %run_scoped3A = tpu.sem_alloc : memref<!tpu.dma_semaphore, #tpu.memory_space<semaphore_mem>>
      %dma_start3A_91 = tpu.memref_slice %arg4[%add3A_11] : memref<2560xi32, #tpu.memory_space<hbm>> -> memref<16xi32, #tpu.memory_space<hbm>>
      %dma_start3A_92 = tpu.memref_slice %arg4[%add3A_11] : memref<2560xi32, #tpu.memory_space<hbm>> -> memref<16xi32, #tpu.memory_space<hbm>>
      tpu.enqueue_dma source(%dma_start3A_92 : memref<16xi32, #tpu.memory_space<hbm>>) target(%arg8 : memref<16xi32, #tpu.memory_space<vmem>>) target_semaphore(%run_scoped3A : memref<!tpu.dma_semaphore, #tpu.memory_space<semaphore_mem>>)
      %dma_wait3A_93 = tpu.memref_slice %arg4[%add3A_11] : memref<2560xi32, #tpu.memory_space<hbm>> -> memref<16xi32, #tpu.memory_space<hbm>>
      %dma_wait3A_94 = tpu.memref_slice %arg4[%add3A_11] : memref<2560xi32, #tpu.memory_space<hbm>> -> memref<16xi32, #tpu.memory_space<hbm>>
      tpu.wait_dma2 semaphore(%run_scoped3A : memref<!tpu.dma_semaphore, #tpu.memory_space<semaphore_mem>>) src(%dma_wait3A_94 : memref<16xi32, #tpu.memory_space<hbm>>) dst(%arg8 : memref<16xi32, #tpu.memory_space<vmem>>)
      tpu.yield
    }) : () -> ()
    %dma_start3A_12 = arith.constant 0 : i32
    %dma_start3A_13 = arith.constant 0 : i32
    %dma_start3A_14 = tpu.memref_slice %arg2[%dma_start3A_12, %dma_start3A_13] : memref<8192x1536xf32, #tpu.memory_space<hbm>> -> memref<8192x1536xf32, #tpu.memory_space<hbm>>
    tpu.enqueue_indirect_dma source(%dma_start3A_14 : memref<8192x1536xf32, #tpu.memory_space<hbm>>) target(%arg10 : memref<16x1536xf32, #tpu.memory_space<vmem>>) offsets(%arg8 : memref<16xi32, #tpu.memory_space<vmem>>) semaphore(%arg15 : memref<!tpu.dma_semaphore, #tpu.memory_space<semaphore_mem>>)
    %dma_start3A_15 = arith.constant 0 : i32
    %dma_start3A_16 = arith.constant 0 : i32
    %dma_start3A_17 = tpu.memref_slice %arg3[%dma_start3A_15, %dma_start3A_16] : memref<8192x768xf32, #tpu.memory_space<hbm>> -> memref<8192x768xf32, #tpu.memory_space<hbm>>
    tpu.enqueue_indirect_dma source(%dma_start3A_17 : memref<8192x768xf32, #tpu.memory_space<hbm>>) target(%arg12 : memref<16x768xf32, #tpu.memory_space<vmem>>) offsets(%arg8 : memref<16xi32, #tpu.memory_space<vmem>>) semaphore(%arg16 : memref<!tpu.dma_semaphore, #tpu.memory_space<semaphore_mem>>)
    %dma_wait3A = arith.constant 0 : i32
    %dma_wait3A_18 = arith.constant 0 : i32
    %dma_wait3A_19 = tpu.memref_slice %arg2[%dma_wait3A, %dma_wait3A_18] : memref<8192x1536xf32, #tpu.memory_space<hbm>> -> memref<8192x1536xf32, #tpu.memory_space<hbm>>
    tpu.wait_indirect_dma semaphore(%arg13 : memref<!tpu.dma_semaphore, #tpu.memory_space<semaphore_mem>>) src(%dma_wait3A_19 : memref<8192x1536xf32, #tpu.memory_space<hbm>>) dst(%arg9 : memref<16x1536xf32, #tpu.memory_space<vmem>>)
    %dma_wait3A_20 = arith.constant 0 : i32
    %dma_wait3A_21 = arith.constant 0 : i32
    %dma_wait3A_22 = tpu.memref_slice %arg3[%dma_wait3A_20, %dma_wait3A_21] : memref<8192x768xf32, #tpu.memory_space<hbm>> -> memref<8192x768xf32, #tpu.memory_space<hbm>>
    tpu.wait_indirect_dma semaphore(%arg14 : memref<!tpu.dma_semaphore, #tpu.memory_space<semaphore_mem>>) src(%dma_wait3A_22 : memref<8192x768xf32, #tpu.memory_space<hbm>>) dst(%arg11 : memref<16x768xf32, #tpu.memory_space<vmem>>)
    %add3A_23 = arith.constant 0 : i32
    %add3A_24 = arith.addi %mul3A_2, %add3A_23 : i32
    "tpu.region"() ({
      %run_scoped3A = tpu.sem_alloc : memref<!tpu.dma_semaphore, #tpu.memory_space<semaphore_mem>>
      %dma_start3A_91 = arith.constant 0 : i32
      %dma_start3A_92 = tpu.memref_slice %arg5[%add3A_24, %dma_start3A_91] : memref<2560x1536xf32, #tpu.memory_space<hbm>> -> memref<16x1536xf32, #tpu.memory_space<hbm>>
      %dma_start3A_93 = arith.constant 0 : i32
      %dma_start3A_94 = tpu.memref_slice %arg5[%add3A_24, %dma_start3A_93] : memref<2560x1536xf32, #tpu.memory_space<hbm>> -> memref<16x1536xf32, #tpu.memory_space<hbm>>
      tpu.enqueue_dma source(%arg9 : memref<16x1536xf32, #tpu.memory_space<vmem>>) target(%dma_start3A_94 : memref<16x1536xf32, #tpu.memory_space<hbm>>) target_semaphore(%run_scoped3A : memref<!tpu.dma_semaphore, #tpu.memory_space<semaphore_mem>>)
      %dma_wait3A_95 = arith.constant 0 : i32
      %dma_wait3A_96 = tpu.memref_slice %arg5[%add3A_24, %dma_wait3A_95] : memref<2560x1536xf32, #tpu.memory_space<hbm>> -> memref<16x1536xf32, #tpu.memory_space<hbm>>
      %dma_wait3A_97 = arith.constant 0 : i32
      %dma_wait3A_98 = tpu.memref_slice %arg5[%add3A_24, %dma_wait3A_97] : memref<2560x1536xf32, #tpu.memory_space<hbm>> -> memref<16x1536xf32, #tpu.memory_space<hbm>>
      tpu.wait_dma2 semaphore(%run_scoped3A : memref<!tpu.dma_semaphore, #tpu.memory_space<semaphore_mem>>) src(%arg9 : memref<16x1536xf32, #tpu.memory_space<vmem>>) dst(%dma_wait3A_98 : memref<16x1536xf32, #tpu.memory_space<hbm>>)
      tpu.yield
    }) : () -> ()
    %add3A_25 = arith.constant 0 : i32
    %add3A_26 = arith.addi %mul3A_2, %add3A_25 : i32
    "tpu.region"() ({
      %run_scoped3A = tpu.sem_alloc : memref<!tpu.dma_semaphore, #tpu.memory_space<semaphore_mem>>
      %dma_start3A_91 = arith.constant 0 : i32
      %dma_start3A_92 = tpu.memref_slice %arg6[%add3A_26, %dma_start3A_91] : memref<2560x768xf32, #tpu.memory_space<hbm>> -> memref<16x768xf32, #tpu.memory_space<hbm>>
      %dma_start3A_93 = arith.constant 0 : i32
      %dma_start3A_94 = tpu.memref_slice %arg6[%add3A_26, %dma_start3A_93] : memref<2560x768xf32, #tpu.memory_space<hbm>> -> memref<16x768xf32, #tpu.memory_space<hbm>>
      tpu.enqueue_dma source(%arg11 : memref<16x768xf32, #tpu.memory_space<vmem>>) target(%dma_start3A_94 : memref<16x768xf32, #tpu.memory_space<hbm>>) target_semaphore(%run_scoped3A : memref<!tpu.dma_semaphore, #tpu.memory_space<semaphore_mem>>)
      %dma_wait3A_95 = arith.constant 0 : i32
      %dma_wait3A_96 = tpu.memref_slice %arg6[%add3A_26, %dma_wait3A_95] : memref<2560x768xf32, #tpu.memory_space<hbm>> -> memref<16x768xf32, #tpu.memory_space<hbm>>
      %dma_wait3A_97 = arith.constant 0 : i32
      %dma_wait3A_98 = tpu.memref_slice %arg6[%add3A_26, %dma_wait3A_97] : memref<2560x768xf32, #tpu.memory_space<hbm>> -> memref<16x768xf32, #tpu.memory_space<hbm>>
      tpu.wait_dma2 semaphore(%run_scoped3A : memref<!tpu.dma_semaphore, #tpu.memory_space<semaphore_mem>>) src(%arg11 : memref<16x768xf32, #tpu.memory_space<vmem>>) dst(%dma_wait3A_98 : memref<16x768xf32, #tpu.memory_space<hbm>>)
      tpu.yield
    }) : () -> ()
    %add3A_27 = arith.constant 32 : i32
    %add3A_28 = arith.addi %mul3A_2, %add3A_27 : i32
    "tpu.region"() ({
      %run_scoped3A = tpu.sem_alloc : memref<!tpu.dma_semaphore, #tpu.memory_space<semaphore_mem>>
      %dma_start3A_91 = tpu.memref_slice %arg4[%add3A_28] : memref<2560xi32, #tpu.memory_space<hbm>> -> memref<16xi32, #tpu.memory_space<hbm>>
      %dma_start3A_92 = tpu.memref_slice %arg4[%add3A_28] : memref<2560xi32, #tpu.memory_space<hbm>> -> memref<16xi32, #tpu.memory_space<hbm>>
      tpu.enqueue_dma source(%dma_start3A_92 : memref<16xi32, #tpu.memory_space<hbm>>) target(%arg7 : memref<16xi32, #tpu.memory_space<vmem>>) target_semaphore(%run_scoped3A : memref<!tpu.dma_semaphore, #tpu.memory_space<semaphore_mem>>)
      %dma_wait3A_93 = tpu.memref_slice %arg4[%add3A_28] : memref<2560xi32, #tpu.memory_space<hbm>> -> memref<16xi32, #tpu.memory_space<hbm>>
      %dma_wait3A_94 = tpu.memref_slice %arg4[%add3A_28] : memref<2560xi32, #tpu.memory_space<hbm>> -> memref<16xi32, #tpu.memory_space<hbm>>
      tpu.wait_dma2 semaphore(%run_scoped3A : memref<!tpu.dma_semaphore, #tpu.memory_space<semaphore_mem>>) src(%dma_wait3A_94 : memref<16xi32, #tpu.memory_space<hbm>>) dst(%arg7 : memref<16xi32, #tpu.memory_space<vmem>>)
      tpu.yield
    }) : () -> ()
    %dma_start3A_29 = arith.constant 0 : i32
    %dma_start3A_30 = arith.constant 0 : i32
    %dma_start3A_31 = tpu.memref_slice %arg2[%dma_start3A_29, %dma_start3A_30] : memref<8192x1536xf32, #tpu.memory_space<hbm>> -> memref<8192x1536xf32, #tpu.memory_space<hbm>>
    tpu.enqueue_indirect_dma source(%dma_start3A_31 : memref<8192x1536xf32, #tpu.memory_space<hbm>>) target(%arg9 : memref<16x1536xf32, #tpu.memory_space<vmem>>) offsets(%arg7 : memref<16xi32, #tpu.memory_space<vmem>>) semaphore(%arg13 : memref<!tpu.dma_semaphore, #tpu.memory_space<semaphore_mem>>)
    %dma_start3A_32 = arith.constant 0 : i32
    %dma_start3A_33 = arith.constant 0 : i32
    %dma_start3A_34 = tpu.memref_slice %arg3[%dma_start3A_32, %dma_start3A_33] : memref<8192x768xf32, #tpu.memory_space<hbm>> -> memref<8192x768xf32, #tpu.memory_space<hbm>>
    tpu.enqueue_indirect_dma source(%dma_start3A_34 : memref<8192x768xf32, #tpu.memory_space<hbm>>) target(%arg11 : memref<16x768xf32, #tpu.memory_space<vmem>>) offsets(%arg7 : memref<16xi32, #tpu.memory_space<vmem>>) semaphore(%arg14 : memref<!tpu.dma_semaphore, #tpu.memory_space<semaphore_mem>>)
    %dma_wait3A_35 = arith.constant 0 : i32
    %dma_wait3A_36 = arith.constant 0 : i32
    %dma_wait3A_37 = tpu.memref_slice %arg2[%dma_wait3A_35, %dma_wait3A_36] : memref<8192x1536xf32, #tpu.memory_space<hbm>> -> memref<8192x1536xf32, #tpu.memory_space<hbm>>
    tpu.wait_indirect_dma semaphore(%arg15 : memref<!tpu.dma_semaphore, #tpu.memory_space<semaphore_mem>>) src(%dma_wait3A_37 : memref<8192x1536xf32, #tpu.memory_space<hbm>>) dst(%arg10 : memref<16x1536xf32, #tpu.memory_space<vmem>>)
    %dma_wait3A_38 = arith.constant 0 : i32
    %dma_wait3A_39 = arith.constant 0 : i32
    %dma_wait3A_40 = tpu.memref_slice %arg3[%dma_wait3A_38, %dma_wait3A_39] : memref<8192x768xf32, #tpu.memory_space<hbm>> -> memref<8192x768xf32, #tpu.memory_space<hbm>>
    tpu.wait_indirect_dma semaphore(%arg16 : memref<!tpu.dma_semaphore, #tpu.memory_space<semaphore_mem>>) src(%dma_wait3A_40 : memref<8192x768xf32, #tpu.memory_space<hbm>>) dst(%arg12 : memref<16x768xf32, #tpu.memory_space<vmem>>)
    %add3A_41 = arith.constant 16 : i32
    %add3A_42 = arith.addi %mul3A_2, %add3A_41 : i32
    "tpu.region"() ({
      %run_scoped3A = tpu.sem_alloc : memref<!tpu.dma_semaphore, #tpu.memory_space<semaphore_mem>>
      %dma_start3A_91 = arith.constant 0 : i32
      %dma_start3A_92 = tpu.memref_slice %arg5[%add3A_42, %dma_start3A_91] : memref<2560x1536xf32, #tpu.memory_space<hbm>> -> memref<16x1536xf32, #tpu.memory_space<hbm>>
      %dma_start3A_93 = arith.constant 0 : i32
      %dma_start3A_94 = tpu.memref_slice %arg5[%add3A_42, %dma_start3A_93] : memref<2560x1536xf32, #tpu.memory_space<hbm>> -> memref<16x1536xf32, #tpu.memory_space<hbm>>
      tpu.enqueue_dma source(%arg10 : memref<16x1536xf32, #tpu.memory_space<vmem>>) target(%dma_start3A_94 : memref<16x1536xf32, #tpu.memory_space<hbm>>) target_semaphore(%run_scoped3A : memref<!tpu.dma_semaphore, #tpu.memory_space<semaphore_mem>>)
      %dma_wait3A_95 = arith.constant 0 : i32
      %dma_wait3A_96 = tpu.memref_slice %arg5[%add3A_42, %dma_wait3A_95] : memref<2560x1536xf32, #tpu.memory_space<hbm>> -> memref<16x1536xf32, #tpu.memory_space<hbm>>
      %dma_wait3A_97 = arith.constant 0 : i32
      %dma_wait3A_98 = tpu.memref_slice %arg5[%add3A_42, %dma_wait3A_97] : memref<2560x1536xf32, #tpu.memory_space<hbm>> -> memref<16x1536xf32, #tpu.memory_space<hbm>>
      tpu.wait_dma2 semaphore(%run_scoped3A : memref<!tpu.dma_semaphore, #tpu.memory_space<semaphore_mem>>) src(%arg10 : memref<16x1536xf32, #tpu.memory_space<vmem>>) dst(%dma_wait3A_98 : memref<16x1536xf32, #tpu.memory_space<hbm>>)
      tpu.yield
    }) : () -> ()
    %add3A_43 = arith.constant 16 : i32
    %add3A_44 = arith.addi %mul3A_2, %add3A_43 : i32
    "tpu.region"() ({
      %run_scoped3A = tpu.sem_alloc : memref<!tpu.dma_semaphore, #tpu.memory_space<semaphore_mem>>
      %dma_start3A_91 = arith.constant 0 : i32
      %dma_start3A_92 = tpu.memref_slice %arg6[%add3A_44, %dma_start3A_91] : memref<2560x768xf32, #tpu.memory_space<hbm>> -> memref<16x768xf32, #tpu.memory_space<hbm>>
      %dma_start3A_93 = arith.constant 0 : i32
      %dma_start3A_94 = tpu.memref_slice %arg6[%add3A_44, %dma_start3A_93] : memref<2560x768xf32, #tpu.memory_space<hbm>> -> memref<16x768xf32, #tpu.memory_space<hbm>>
      tpu.enqueue_dma source(%arg12 : memref<16x768xf32, #tpu.memory_space<vmem>>) target(%dma_start3A_94 : memref<16x768xf32, #tpu.memory_space<hbm>>) target_semaphore(%run_scoped3A : memref<!tpu.dma_semaphore, #tpu.memory_space<semaphore_mem>>)
      %dma_wait3A_95 = arith.constant 0 : i32
      %dma_wait3A_96 = tpu.memref_slice %arg6[%add3A_44, %dma_wait3A_95] : memref<2560x768xf32, #tpu.memory_space<hbm>> -> memref<16x768xf32, #tpu.memory_space<hbm>>
      %dma_wait3A_97 = arith.constant 0 : i32
      %dma_wait3A_98 = tpu.memref_slice %arg6[%add3A_44, %dma_wait3A_97] : memref<2560x768xf32, #tpu.memory_space<hbm>> -> memref<16x768xf32, #tpu.memory_space<hbm>>
      tpu.wait_dma2 semaphore(%run_scoped3A : memref<!tpu.dma_semaphore, #tpu.memory_space<semaphore_mem>>) src(%arg12 : memref<16x768xf32, #tpu.memory_space<vmem>>) dst(%dma_wait3A_98 : memref<16x768xf32, #tpu.memory_space<hbm>>)
      tpu.yield
    }) : () -> ()
    %add3A_45 = arith.constant 48 : i32
    %add3A_46 = arith.addi %mul3A_2, %add3A_45 : i32
    "tpu.region"() ({
      %run_scoped3A = tpu.sem_alloc : memref<!tpu.dma_semaphore, #tpu.memory_space<semaphore_mem>>
      %dma_start3A_91 = tpu.memref_slice %arg4[%add3A_46] : memref<2560xi32, #tpu.memory_space<hbm>> -> memref<16xi32, #tpu.memory_space<hbm>>
      %dma_start3A_92 = tpu.memref_slice %arg4[%add3A_46] : memref<2560xi32, #tpu.memory_space<hbm>> -> memref<16xi32, #tpu.memory_space<hbm>>
      tpu.enqueue_dma source(%dma_start3A_92 : memref<16xi32, #tpu.memory_space<hbm>>) target(%arg8 : memref<16xi32, #tpu.memory_space<vmem>>) target_semaphore(%run_scoped3A : memref<!tpu.dma_semaphore, #tpu.memory_space<semaphore_mem>>)
      %dma_wait3A_93 = tpu.memref_slice %arg4[%add3A_46] : memref<2560xi32, #tpu.memory_space<hbm>> -> memref<16xi32, #tpu.memory_space<hbm>>
      %dma_wait3A_94 = tpu.memref_slice %arg4[%add3A_46] : memref<2560xi32, #tpu.memory_space<hbm>> -> memref<16xi32, #tpu.memory_space<hbm>>
      tpu.wait_dma2 semaphore(%run_scoped3A : memref<!tpu.dma_semaphore, #tpu.memory_space<semaphore_mem>>) src(%dma_wait3A_94 : memref<16xi32, #tpu.memory_space<hbm>>) dst(%arg8 : memref<16xi32, #tpu.memory_space<vmem>>)
      tpu.yield
    }) : () -> ()
    %dma_start3A_47 = arith.constant 0 : i32
    %dma_start3A_48 = arith.constant 0 : i32
    %dma_start3A_49 = tpu.memref_slice %arg2[%dma_start3A_47, %dma_start3A_48] : memref<8192x1536xf32, #tpu.memory_space<hbm>> -> memref<8192x1536xf32, #tpu.memory_space<hbm>>
    tpu.enqueue_indirect_dma source(%dma_start3A_49 : memref<8192x1536xf32, #tpu.memory_space<hbm>>) target(%arg10 : memref<16x1536xf32, #tpu.memory_space<vmem>>) offsets(%arg8 : memref<16xi32, #tpu.memory_space<vmem>>) semaphore(%arg15 : memref<!tpu.dma_semaphore, #tpu.memory_space<semaphore_mem>>)
    %dma_start3A_50 = arith.constant 0 : i32
    %dma_start3A_51 = arith.constant 0 : i32
    %dma_start3A_52 = tpu.memref_slice %arg3[%dma_start3A_50, %dma_start3A_51] : memref<8192x768xf32, #tpu.memory_space<hbm>> -> memref<8192x768xf32, #tpu.memory_space<hbm>>
    tpu.enqueue_indirect_dma source(%dma_start3A_52 : memref<8192x768xf32, #tpu.memory_space<hbm>>) target(%arg12 : memref<16x768xf32, #tpu.memory_space<vmem>>) offsets(%arg8 : memref<16xi32, #tpu.memory_space<vmem>>) semaphore(%arg16 : memref<!tpu.dma_semaphore, #tpu.memory_space<semaphore_mem>>)
    %dma_wait3A_53 = arith.constant 0 : i32
    %dma_wait3A_54 = arith.constant 0 : i32
    %dma_wait3A_55 = tpu.memref_slice %arg2[%dma_wait3A_53, %dma_wait3A_54] : memref<8192x1536xf32, #tpu.memory_space<hbm>> -> memref<8192x1536xf32, #tpu.memory_space<hbm>>
    tpu.wait_indirect_dma semaphore(%arg13 : memref<!tpu.dma_semaphore, #tpu.memory_space<semaphore_mem>>) src(%dma_wait3A_55 : memref<8192x1536xf32, #tpu.memory_space<hbm>>) dst(%arg9 : memref<16x1536xf32, #tpu.memory_space<vmem>>)
    %dma_wait3A_56 = arith.constant 0 : i32
    %dma_wait3A_57 = arith.constant 0 : i32
    %dma_wait3A_58 = tpu.memref_slice %arg3[%dma_wait3A_56, %dma_wait3A_57] : memref<8192x768xf32, #tpu.memory_space<hbm>> -> memref<8192x768xf32, #tpu.memory_space<hbm>>
    tpu.wait_indirect_dma semaphore(%arg14 : memref<!tpu.dma_semaphore, #tpu.memory_space<semaphore_mem>>) src(%dma_wait3A_58 : memref<8192x768xf32, #tpu.memory_space<hbm>>) dst(%arg11 : memref<16x768xf32, #tpu.memory_space<vmem>>)
    %add3A_59 = arith.constant 32 : i32
    %add3A_60 = arith.addi %mul3A_2, %add3A_59 : i32
    "tpu.region"() ({
      %run_scoped3A = tpu.sem_alloc : memref<!tpu.dma_semaphore, #tpu.memory_space<semaphore_mem>>
      %dma_start3A_91 = arith.constant 0 : i32
      %dma_start3A_92 = tpu.memref_slice %arg5[%add3A_60, %dma_start3A_91] : memref<2560x1536xf32, #tpu.memory_space<hbm>> -> memref<16x1536xf32, #tpu.memory_space<hbm>>
      %dma_start3A_93 = arith.constant 0 : i32
      %dma_start3A_94 = tpu.memref_slice %arg5[%add3A_60, %dma_start3A_93] : memref<2560x1536xf32, #tpu.memory_space<hbm>> -> memref<16x1536xf32, #tpu.memory_space<hbm>>
      tpu.enqueue_dma source(%arg9 : memref<16x1536xf32, #tpu.memory_space<vmem>>) target(%dma_start3A_94 : memref<16x1536xf32, #tpu.memory_space<hbm>>) target_semaphore(%run_scoped3A : memref<!tpu.dma_semaphore, #tpu.memory_space<semaphore_mem>>)
      %dma_wait3A_95 = arith.constant 0 : i32
      %dma_wait3A_96 = tpu.memref_slice %arg5[%add3A_60, %dma_wait3A_95] : memref<2560x1536xf32, #tpu.memory_space<hbm>> -> memref<16x1536xf32, #tpu.memory_space<hbm>>
      %dma_wait3A_97 = arith.constant 0 : i32
      %dma_wait3A_98 = tpu.memref_slice %arg5[%add3A_60, %dma_wait3A_97] : memref<2560x1536xf32, #tpu.memory_space<hbm>> -> memref<16x1536xf32, #tpu.memory_space<hbm>>
      tpu.wait_dma2 semaphore(%run_scoped3A : memref<!tpu.dma_semaphore, #tpu.memory_space<semaphore_mem>>) src(%arg9 : memref<16x1536xf32, #tpu.memory_space<vmem>>) dst(%dma_wait3A_98 : memref<16x1536xf32, #tpu.memory_space<hbm>>)
      tpu.yield
    }) : () -> ()
    %add3A_61 = arith.constant 32 : i32
    %add3A_62 = arith.addi %mul3A_2, %add3A_61 : i32
    "tpu.region"() ({
      %run_scoped3A = tpu.sem_alloc : memref<!tpu.dma_semaphore, #tpu.memory_space<semaphore_mem>>
      %dma_start3A_91 = arith.constant 0 : i32
      %dma_start3A_92 = tpu.memref_slice %arg6[%add3A_62, %dma_start3A_91] : memref<2560x768xf32, #tpu.memory_space<hbm>> -> memref<16x768xf32, #tpu.memory_space<hbm>>
      %dma_start3A_93 = arith.constant 0 : i32
      %dma_start3A_94 = tpu.memref_slice %arg6[%add3A_62, %dma_start3A_93] : memref<2560x768xf32, #tpu.memory_space<hbm>> -> memref<16x768xf32, #tpu.memory_space<hbm>>
      tpu.enqueue_dma source(%arg11 : memref<16x768xf32, #tpu.memory_space<vmem>>) target(%dma_start3A_94 : memref<16x768xf32, #tpu.memory_space<hbm>>) target_semaphore(%run_scoped3A : memref<!tpu.dma_semaphore, #tpu.memory_space<semaphore_mem>>)
      %dma_wait3A_95 = arith.constant 0 : i32
      %dma_wait3A_96 = tpu.memref_slice %arg6[%add3A_62, %dma_wait3A_95] : memref<2560x768xf32, #tpu.memory_space<hbm>> -> memref<16x768xf32, #tpu.memory_space<hbm>>
      %dma_wait3A_97 = arith.constant 0 : i32
      %dma_wait3A_98 = tpu.memref_slice %arg6[%add3A_62, %dma_wait3A_97] : memref<2560x768xf32, #tpu.memory_space<hbm>> -> memref<16x768xf32, #tpu.memory_space<hbm>>
      tpu.wait_dma2 semaphore(%run_scoped3A : memref<!tpu.dma_semaphore, #tpu.memory_space<semaphore_mem>>) src(%arg11 : memref<16x768xf32, #tpu.memory_space<vmem>>) dst(%dma_wait3A_98 : memref<16x768xf32, #tpu.memory_space<hbm>>)
      tpu.yield
    }) : () -> ()
    %add3A_63 = arith.constant 64 : i32
    %add3A_64 = arith.addi %mul3A_2, %add3A_63 : i32
    "tpu.region"() ({
      %run_scoped3A = tpu.sem_alloc : memref<!tpu.dma_semaphore, #tpu.memory_space<semaphore_mem>>
      %dma_start3A_91 = tpu.memref_slice %arg4[%add3A_64] : memref<2560xi32, #tpu.memory_space<hbm>> -> memref<16xi32, #tpu.memory_space<hbm>>
      %dma_start3A_92 = tpu.memref_slice %arg4[%add3A_64] : memref<2560xi32, #tpu.memory_space<hbm>> -> memref<16xi32, #tpu.memory_space<hbm>>
      tpu.enqueue_dma source(%dma_start3A_92 : memref<16xi32, #tpu.memory_space<hbm>>) target(%arg7 : memref<16xi32, #tpu.memory_space<vmem>>) target_semaphore(%run_scoped3A : memref<!tpu.dma_semaphore, #tpu.memory_space<semaphore_mem>>)
      %dma_wait3A_93 = tpu.memref_slice %arg4[%add3A_64] : memref<2560xi32, #tpu.memory_space<hbm>> -> memref<16xi32, #tpu.memory_space<hbm>>
      %dma_wait3A_94 = tpu.memref_slice %arg4[%add3A_64] : memref<2560xi32, #tpu.memory_space<hbm>> -> memref<16xi32, #tpu.memory_space<hbm>>
      tpu.wait_dma2 semaphore(%run_scoped3A : memref<!tpu.dma_semaphore, #tpu.memory_space<semaphore_mem>>) src(%dma_wait3A_94 : memref<16xi32, #tpu.memory_space<hbm>>) dst(%arg7 : memref<16xi32, #tpu.memory_space<vmem>>)
      tpu.yield
    }) : () -> ()
    %dma_start3A_65 = arith.constant 0 : i32
    %dma_start3A_66 = arith.constant 0 : i32
    %dma_start3A_67 = tpu.memref_slice %arg2[%dma_start3A_65, %dma_start3A_66] : memref<8192x1536xf32, #tpu.memory_space<hbm>> -> memref<8192x1536xf32, #tpu.memory_space<hbm>>
    tpu.enqueue_indirect_dma source(%dma_start3A_67 : memref<8192x1536xf32, #tpu.memory_space<hbm>>) target(%arg9 : memref<16x1536xf32, #tpu.memory_space<vmem>>) offsets(%arg7 : memref<16xi32, #tpu.memory_space<vmem>>) semaphore(%arg13 : memref<!tpu.dma_semaphore, #tpu.memory_space<semaphore_mem>>)
    %dma_start3A_68 = arith.constant 0 : i32
    %dma_start3A_69 = arith.constant 0 : i32
    %dma_start3A_70 = tpu.memref_slice %arg3[%dma_start3A_68, %dma_start3A_69] : memref<8192x768xf32, #tpu.memory_space<hbm>> -> memref<8192x768xf32, #tpu.memory_space<hbm>>
    tpu.enqueue_indirect_dma source(%dma_start3A_70 : memref<8192x768xf32, #tpu.memory_space<hbm>>) target(%arg11 : memref<16x768xf32, #tpu.memory_space<vmem>>) offsets(%arg7 : memref<16xi32, #tpu.memory_space<vmem>>) semaphore(%arg14 : memref<!tpu.dma_semaphore, #tpu.memory_space<semaphore_mem>>)
    %dma_wait3A_71 = arith.constant 0 : i32
    %dma_wait3A_72 = arith.constant 0 : i32
    %dma_wait3A_73 = tpu.memref_slice %arg2[%dma_wait3A_71, %dma_wait3A_72] : memref<8192x1536xf32, #tpu.memory_space<hbm>> -> memref<8192x1536xf32, #tpu.memory_space<hbm>>
    tpu.wait_indirect_dma semaphore(%arg15 : memref<!tpu.dma_semaphore, #tpu.memory_space<semaphore_mem>>) src(%dma_wait3A_73 : memref<8192x1536xf32, #tpu.memory_space<hbm>>) dst(%arg10 : memref<16x1536xf32, #tpu.memory_space<vmem>>)
    %dma_wait3A_74 = arith.constant 0 : i32
    %dma_wait3A_75 = arith.constant 0 : i32
    %dma_wait3A_76 = tpu.memref_slice %arg3[%dma_wait3A_74, %dma_wait3A_75] : memref<8192x768xf32, #tpu.memory_space<hbm>> -> memref<8192x768xf32, #tpu.memory_space<hbm>>
    tpu.wait_indirect_dma semaphore(%arg16 : memref<!tpu.dma_semaphore, #tpu.memory_space<semaphore_mem>>) src(%dma_wait3A_76 : memref<8192x768xf32, #tpu.memory_space<hbm>>) dst(%arg12 : memref<16x768xf32, #tpu.memory_space<vmem>>)
    %add3A_77 = arith.constant 48 : i32
    %add3A_78 = arith.addi %mul3A_2, %add3A_77 : i32
    "tpu.region"() ({
      %run_scoped3A = tpu.sem_alloc : memref<!tpu.dma_semaphore, #tpu.memory_space<semaphore_mem>>
      %dma_start3A_91 = arith.constant 0 : i32
      %dma_start3A_92 = tpu.memref_slice %arg5[%add3A_78, %dma_start3A_91] : memref<2560x1536xf32, #tpu.memory_space<hbm>> -> memref<16x1536xf32, #tpu.memory_space<hbm>>
      %dma_start3A_93 = arith.constant 0 : i32
      %dma_start3A_94 = tpu.memref_slice %arg5[%add3A_78, %dma_start3A_93] : memref<2560x1536xf32, #tpu.memory_space<hbm>> -> memref<16x1536xf32, #tpu.memory_space<hbm>>
      tpu.enqueue_dma source(%arg10 : memref<16x1536xf32, #tpu.memory_space<vmem>>) target(%dma_start3A_94 : memref<16x1536xf32, #tpu.memory_space<hbm>>) target_semaphore(%run_scoped3A : memref<!tpu.dma_semaphore, #tpu.memory_space<semaphore_mem>>)
      %dma_wait3A_95 = arith.constant 0 : i32
      %dma_wait3A_96 = tpu.memref_slice %arg5[%add3A_78, %dma_wait3A_95] : memref<2560x1536xf32, #tpu.memory_space<hbm>> -> memref<16x1536xf32, #tpu.memory_space<hbm>>
      %dma_wait3A_97 = arith.constant 0 : i32
      %dma_wait3A_98 = tpu.memref_slice %arg5[%add3A_78, %dma_wait3A_97] : memref<2560x1536xf32, #tpu.memory_space<hbm>> -> memref<16x1536xf32, #tpu.memory_space<hbm>>
      tpu.wait_dma2 semaphore(%run_scoped3A : memref<!tpu.dma_semaphore, #tpu.memory_space<semaphore_mem>>) src(%arg10 : memref<16x1536xf32, #tpu.memory_space<vmem>>) dst(%dma_wait3A_98 : memref<16x1536xf32, #tpu.memory_space<hbm>>)
      tpu.yield
    }) : () -> ()
    %add3A_79 = arith.constant 48 : i32
    %add3A_80 = arith.addi %mul3A_2, %add3A_79 : i32
    "tpu.region"() ({
      %run_scoped3A = tpu.sem_alloc : memref<!tpu.dma_semaphore, #tpu.memory_space<semaphore_mem>>
      %dma_start3A_91 = arith.constant 0 : i32
      %dma_start3A_92 = tpu.memref_slice %arg6[%add3A_80, %dma_start3A_91] : memref<2560x768xf32, #tpu.memory_space<hbm>> -> memref<16x768xf32, #tpu.memory_space<hbm>>
      %dma_start3A_93 = arith.constant 0 : i32
      %dma_start3A_94 = tpu.memref_slice %arg6[%add3A_80, %dma_start3A_93] : memref<2560x768xf32, #tpu.memory_space<hbm>> -> memref<16x768xf32, #tpu.memory_space<hbm>>
      tpu.enqueue_dma source(%arg12 : memref<16x768xf32, #tpu.memory_space<vmem>>) target(%dma_start3A_94 : memref<16x768xf32, #tpu.memory_space<hbm>>) target_semaphore(%run_scoped3A : memref<!tpu.dma_semaphore, #tpu.memory_space<semaphore_mem>>)
      %dma_wait3A_95 = arith.constant 0 : i32
      %dma_wait3A_96 = tpu.memref_slice %arg6[%add3A_80, %dma_wait3A_95] : memref<2560x768xf32, #tpu.memory_space<hbm>> -> memref<16x768xf32, #tpu.memory_space<hbm>>
      %dma_wait3A_97 = arith.constant 0 : i32
      %dma_wait3A_98 = tpu.memref_slice %arg6[%add3A_80, %dma_wait3A_97] : memref<2560x768xf32, #tpu.memory_space<hbm>> -> memref<16x768xf32, #tpu.memory_space<hbm>>
      tpu.wait_dma2 semaphore(%run_scoped3A : memref<!tpu.dma_semaphore, #tpu.memory_space<semaphore_mem>>) src(%arg12 : memref<16x768xf32, #tpu.memory_space<vmem>>) dst(%dma_wait3A_98 : memref<16x768xf32, #tpu.memory_space<hbm>>)
      tpu.yield
    }) : () -> ()
    %dma_wait3A_81 = arith.constant 0 : i32
    %dma_wait3A_82 = arith.constant 0 : i32
    %dma_wait3A_83 = tpu.memref_slice %arg2[%dma_wait3A_81, %dma_wait3A_82] : memref<8192x1536xf32, #tpu.memory_space<hbm>> -> memref<8192x1536xf32, #tpu.memory_space<hbm>>
    tpu.wait_indirect_dma semaphore(%arg13 : memref<!tpu.dma_semaphore, #tpu.memory_space<semaphore_mem>>) src(%dma_wait3A_83 : memref<8192x1536xf32, #tpu.memory_space<hbm>>) dst(%arg9 : memref<16x1536xf32, #tpu.memory_space<vmem>>)
    %dma_wait3A_84 = arith.constant 0 : i32
    %dma_wait3A_85 = arith.constant 0 : i32
    %dma_wait3A_86 = tpu.memref_slice %arg3[%dma_wait3A_84, %dma_wait3A_85] : memref<8192x768xf32, #tpu.memory_space<hbm>> -> memref<8192x768xf32, #tpu.memory_space<hbm>>
    tpu.wait_indirect_dma semaphore(%arg14 : memref<!tpu.dma_semaphore, #tpu.memory_space<semaphore_mem>>) src(%dma_wait3A_86 : memref<8192x768xf32, #tpu.memory_space<hbm>>) dst(%arg11 : memref<16x768xf32, #tpu.memory_space<vmem>>)
    %add3A_87 = arith.constant 64 : i32
    %add3A_88 = arith.addi %mul3A_2, %add3A_87 : i32
    "tpu.region"() ({
      %run_scoped3A = tpu.sem_alloc : memref<!tpu.dma_semaphore, #tpu.memory_space<semaphore_mem>>
      %dma_start3A_91 = arith.constant 0 : i32
      %dma_start3A_92 = tpu.memref_slice %arg5[%add3A_88, %dma_start3A_91] : memref<2560x1536xf32, #tpu.memory_space<hbm>> -> memref<16x1536xf32, #tpu.memory_space<hbm>>
      %dma_start3A_93 = arith.constant 0 : i32
      %dma_start3A_94 = tpu.memref_slice %arg5[%add3A_88, %dma_start3A_93] : memref<2560x1536xf32, #tpu.memory_space<hbm>> -> memref<16x1536xf32, #tpu.memory_space<hbm>>
      tpu.enqueue_dma source(%arg9 : memref<16x1536xf32, #tpu.memory_space<vmem>>) target(%dma_start3A_94 : memref<16x1536xf32, #tpu.memory_space<hbm>>) target_semaphore(%run_scoped3A : memref<!tpu.dma_semaphore, #tpu.memory_space<semaphore_mem>>)
      %dma_wait3A_95 = arith.constant 0 : i32
      %dma_wait3A_96 = tpu.memref_slice %arg5[%add3A_88, %dma_wait3A_95] : memref<2560x1536xf32, #tpu.memory_space<hbm>> -> memref<16x1536xf32, #tpu.memory_space<hbm>>
      %dma_wait3A_97 = arith.constant 0 : i32
      %dma_wait3A_98 = tpu.memref_slice %arg5[%add3A_88, %dma_wait3A_97] : memref<2560x1536xf32, #tpu.memory_space<hbm>> -> memref<16x1536xf32, #tpu.memory_space<hbm>>
      tpu.wait_dma2 semaphore(%run_scoped3A : memref<!tpu.dma_semaphore, #tpu.memory_space<semaphore_mem>>) src(%arg9 : memref<16x1536xf32, #tpu.memory_space<vmem>>) dst(%dma_wait3A_98 : memref<16x1536xf32, #tpu.memory_space<hbm>>)
      tpu.yield
    }) : () -> ()
    %add3A_89 = arith.constant 64 : i32
    %add3A_90 = arith.addi %mul3A_2, %add3A_89 : i32
    "tpu.region"() ({
      %run_scoped3A = tpu.sem_alloc : memref<!tpu.dma_semaphore, #tpu.memory_space<semaphore_mem>>
      %dma_start3A_91 = arith.constant 0 : i32
      %dma_start3A_92 = tpu.memref_slice %arg6[%add3A_90, %dma_start3A_91] : memref<2560x768xf32, #tpu.memory_space<hbm>> -> memref<16x768xf32, #tpu.memory_space<hbm>>
      %dma_start3A_93 = arith.constant 0 : i32
      %dma_start3A_94 = tpu.memref_slice %arg6[%add3A_90, %dma_start3A_93] : memref<2560x768xf32, #tpu.memory_space<hbm>> -> memref<16x768xf32, #tpu.memory_space<hbm>>
      tpu.enqueue_dma source(%arg11 : memref<16x768xf32, #tpu.memory_space<vmem>>) target(%dma_start3A_94 : memref<16x768xf32, #tpu.memory_space<hbm>>) target_semaphore(%run_scoped3A : memref<!tpu.dma_semaphore, #tpu.memory_space<semaphore_mem>>)
      %dma_wait3A_95 = arith.constant 0 : i32
      %dma_wait3A_96 = tpu.memref_slice %arg6[%add3A_90, %dma_wait3A_95] : memref<2560x768xf32, #tpu.memory_space<hbm>> -> memref<16x768xf32, #tpu.memory_space<hbm>>
      %dma_wait3A_97 = arith.constant 0 : i32
      %dma_wait3A_98 = tpu.memref_slice %arg6[%add3A_90, %dma_wait3A_97] : memref<2560x768xf32, #tpu.memory_space<hbm>> -> memref<16x768xf32, #tpu.memory_space<hbm>>
      tpu.wait_dma2 semaphore(%run_scoped3A : memref<!tpu.dma_semaphore, #tpu.memory_space<semaphore_mem>>) src(%arg11 : memref<16x768xf32, #tpu.memory_space<vmem>>) dst(%dma_wait3A_98 : memref<16x768xf32, #tpu.memory_space<hbm>>)
      tpu.yield
    }) : () -> ()
    return
  }
}

#map = affine_map<(d0, d1) -> (0, 0)>
#map1 = affine_map<(d0, d1) -> (0)>
module attributes {stable_mosaic.version = 14 : i64} {
  func.func @k(%arg0: i32, %arg1: i32, %arg2: memref<10752x768xf32, #tpu.memory_space<hbm>>, %arg3: memref<8192xi32, #tpu.memory_space<hbm>>, %arg4: memref<8192x768xf32, #tpu.memory_space<hbm>>, %arg5: memref<64xi32, #tpu.memory_space<vmem>>, %arg6: memref<64xi32, #tpu.memory_space<vmem>>, %arg7: memref<64x768xf32, #tpu.memory_space<vmem>>, %arg8: memref<64x768xf32, #tpu.memory_space<vmem>>, %arg9: memref<!tpu.dma_semaphore, #tpu.memory_space<semaphore_mem>>, %arg10: memref<!tpu.dma_semaphore, #tpu.memory_space<semaphore_mem>>) attributes {dimension_semantics = [#tpu.dimension_semantics<core_parallel>, #tpu.dimension_semantics<subcore_parallel>], iteration_bounds = array<i64: 2, 16>, scalar_prefetch = 0 : i64, scratch_operands = 6 : i64, tpu.core_type = #tpu.core_type<sc_vector_subcore>, window_params = [{transform_indices = #map}, {transform_indices = #map1}, {transform_indices = #map}]} {
    %mul3A = arith.constant 2 : i32
    %mul3A_0 = arith.muli %arg1, %mul3A : i32
    %add3A = arith.addi %mul3A_0, %arg0 : i32
    %mul3A_1 = arith.constant 256 : i32
    %mul3A_2 = arith.muli %add3A, %mul3A_1 : i32
    %add3A_3 = arith.constant 0 : i32
    %add3A_4 = arith.addi %mul3A_2, %add3A_3 : i32
    "tpu.region"() ({
      %run_scoped3A = tpu.sem_alloc : memref<!tpu.dma_semaphore, #tpu.memory_space<semaphore_mem>>
      %dma_start3A_41 = tpu.memref_slice %arg3[%add3A_4] : memref<8192xi32, #tpu.memory_space<hbm>> -> memref<64xi32, #tpu.memory_space<hbm>>
      %dma_start3A_42 = tpu.memref_slice %arg3[%add3A_4] : memref<8192xi32, #tpu.memory_space<hbm>> -> memref<64xi32, #tpu.memory_space<hbm>>
      tpu.enqueue_dma source(%dma_start3A_42 : memref<64xi32, #tpu.memory_space<hbm>>) target(%arg5 : memref<64xi32, #tpu.memory_space<vmem>>) target_semaphore(%run_scoped3A : memref<!tpu.dma_semaphore, #tpu.memory_space<semaphore_mem>>)
      %dma_wait3A_43 = tpu.memref_slice %arg3[%add3A_4] : memref<8192xi32, #tpu.memory_space<hbm>> -> memref<64xi32, #tpu.memory_space<hbm>>
      %dma_wait3A_44 = tpu.memref_slice %arg3[%add3A_4] : memref<8192xi32, #tpu.memory_space<hbm>> -> memref<64xi32, #tpu.memory_space<hbm>>
      tpu.wait_dma2 semaphore(%run_scoped3A : memref<!tpu.dma_semaphore, #tpu.memory_space<semaphore_mem>>) src(%dma_wait3A_44 : memref<64xi32, #tpu.memory_space<hbm>>) dst(%arg5 : memref<64xi32, #tpu.memory_space<vmem>>)
      tpu.yield
    }) : () -> ()
    %dma_start3A = arith.constant 0 : i32
    %dma_start3A_5 = arith.constant 0 : i32
    %dma_start3A_6 = tpu.memref_slice %arg2[%dma_start3A, %dma_start3A_5] : memref<10752x768xf32, #tpu.memory_space<hbm>> -> memref<10752x768xf32, #tpu.memory_space<hbm>>
    tpu.enqueue_indirect_dma source(%dma_start3A_6 : memref<10752x768xf32, #tpu.memory_space<hbm>>) target(%arg7 : memref<64x768xf32, #tpu.memory_space<vmem>>) offsets(%arg5 : memref<64xi32, #tpu.memory_space<vmem>>) semaphore(%arg9 : memref<!tpu.dma_semaphore, #tpu.memory_space<semaphore_mem>>)
    %add3A_7 = arith.constant 64 : i32
    %add3A_8 = arith.addi %mul3A_2, %add3A_7 : i32
    "tpu.region"() ({
      %run_scoped3A = tpu.sem_alloc : memref<!tpu.dma_semaphore, #tpu.memory_space<semaphore_mem>>
      %dma_start3A_41 = tpu.memref_slice %arg3[%add3A_8] : memref<8192xi32, #tpu.memory_space<hbm>> -> memref<64xi32, #tpu.memory_space<hbm>>
      %dma_start3A_42 = tpu.memref_slice %arg3[%add3A_8] : memref<8192xi32, #tpu.memory_space<hbm>> -> memref<64xi32, #tpu.memory_space<hbm>>
      tpu.enqueue_dma source(%dma_start3A_42 : memref<64xi32, #tpu.memory_space<hbm>>) target(%arg6 : memref<64xi32, #tpu.memory_space<vmem>>) target_semaphore(%run_scoped3A : memref<!tpu.dma_semaphore, #tpu.memory_space<semaphore_mem>>)
      %dma_wait3A_43 = tpu.memref_slice %arg3[%add3A_8] : memref<8192xi32, #tpu.memory_space<hbm>> -> memref<64xi32, #tpu.memory_space<hbm>>
      %dma_wait3A_44 = tpu.memref_slice %arg3[%add3A_8] : memref<8192xi32, #tpu.memory_space<hbm>> -> memref<64xi32, #tpu.memory_space<hbm>>
      tpu.wait_dma2 semaphore(%run_scoped3A : memref<!tpu.dma_semaphore, #tpu.memory_space<semaphore_mem>>) src(%dma_wait3A_44 : memref<64xi32, #tpu.memory_space<hbm>>) dst(%arg6 : memref<64xi32, #tpu.memory_space<vmem>>)
      tpu.yield
    }) : () -> ()
    %dma_start3A_9 = arith.constant 0 : i32
    %dma_start3A_10 = arith.constant 0 : i32
    %dma_start3A_11 = tpu.memref_slice %arg2[%dma_start3A_9, %dma_start3A_10] : memref<10752x768xf32, #tpu.memory_space<hbm>> -> memref<10752x768xf32, #tpu.memory_space<hbm>>
    tpu.enqueue_indirect_dma source(%dma_start3A_11 : memref<10752x768xf32, #tpu.memory_space<hbm>>) target(%arg8 : memref<64x768xf32, #tpu.memory_space<vmem>>) offsets(%arg6 : memref<64xi32, #tpu.memory_space<vmem>>) semaphore(%arg10 : memref<!tpu.dma_semaphore, #tpu.memory_space<semaphore_mem>>)
    %dma_wait3A = arith.constant 0 : i32
    %dma_wait3A_12 = arith.constant 0 : i32
    %dma_wait3A_13 = tpu.memref_slice %arg2[%dma_wait3A, %dma_wait3A_12] : memref<10752x768xf32, #tpu.memory_space<hbm>> -> memref<10752x768xf32, #tpu.memory_space<hbm>>
    tpu.wait_indirect_dma semaphore(%arg9 : memref<!tpu.dma_semaphore, #tpu.memory_space<semaphore_mem>>) src(%dma_wait3A_13 : memref<10752x768xf32, #tpu.memory_space<hbm>>) dst(%arg7 : memref<64x768xf32, #tpu.memory_space<vmem>>)
    %add3A_14 = arith.constant 0 : i32
    %add3A_15 = arith.addi %mul3A_2, %add3A_14 : i32
    "tpu.region"() ({
      %run_scoped3A = tpu.sem_alloc : memref<!tpu.dma_semaphore, #tpu.memory_space<semaphore_mem>>
      %dma_start3A_41 = arith.constant 0 : i32
      %dma_start3A_42 = tpu.memref_slice %arg4[%add3A_15, %dma_start3A_41] : memref<8192x768xf32, #tpu.memory_space<hbm>> -> memref<64x768xf32, #tpu.memory_space<hbm>>
      %dma_start3A_43 = arith.constant 0 : i32
      %dma_start3A_44 = tpu.memref_slice %arg4[%add3A_15, %dma_start3A_43] : memref<8192x768xf32, #tpu.memory_space<hbm>> -> memref<64x768xf32, #tpu.memory_space<hbm>>
      tpu.enqueue_dma source(%arg7 : memref<64x768xf32, #tpu.memory_space<vmem>>) target(%dma_start3A_44 : memref<64x768xf32, #tpu.memory_space<hbm>>) target_semaphore(%run_scoped3A : memref<!tpu.dma_semaphore, #tpu.memory_space<semaphore_mem>>)
      %dma_wait3A_45 = arith.constant 0 : i32
      %dma_wait3A_46 = tpu.memref_slice %arg4[%add3A_15, %dma_wait3A_45] : memref<8192x768xf32, #tpu.memory_space<hbm>> -> memref<64x768xf32, #tpu.memory_space<hbm>>
      %dma_wait3A_47 = arith.constant 0 : i32
      %dma_wait3A_48 = tpu.memref_slice %arg4[%add3A_15, %dma_wait3A_47] : memref<8192x768xf32, #tpu.memory_space<hbm>> -> memref<64x768xf32, #tpu.memory_space<hbm>>
      tpu.wait_dma2 semaphore(%run_scoped3A : memref<!tpu.dma_semaphore, #tpu.memory_space<semaphore_mem>>) src(%arg7 : memref<64x768xf32, #tpu.memory_space<vmem>>) dst(%dma_wait3A_48 : memref<64x768xf32, #tpu.memory_space<hbm>>)
      tpu.yield
    }) : () -> ()
    %add3A_16 = arith.constant 128 : i32
    %add3A_17 = arith.addi %mul3A_2, %add3A_16 : i32
    "tpu.region"() ({
      %run_scoped3A = tpu.sem_alloc : memref<!tpu.dma_semaphore, #tpu.memory_space<semaphore_mem>>
      %dma_start3A_41 = tpu.memref_slice %arg3[%add3A_17] : memref<8192xi32, #tpu.memory_space<hbm>> -> memref<64xi32, #tpu.memory_space<hbm>>
      %dma_start3A_42 = tpu.memref_slice %arg3[%add3A_17] : memref<8192xi32, #tpu.memory_space<hbm>> -> memref<64xi32, #tpu.memory_space<hbm>>
      tpu.enqueue_dma source(%dma_start3A_42 : memref<64xi32, #tpu.memory_space<hbm>>) target(%arg5 : memref<64xi32, #tpu.memory_space<vmem>>) target_semaphore(%run_scoped3A : memref<!tpu.dma_semaphore, #tpu.memory_space<semaphore_mem>>)
      %dma_wait3A_43 = tpu.memref_slice %arg3[%add3A_17] : memref<8192xi32, #tpu.memory_space<hbm>> -> memref<64xi32, #tpu.memory_space<hbm>>
      %dma_wait3A_44 = tpu.memref_slice %arg3[%add3A_17] : memref<8192xi32, #tpu.memory_space<hbm>> -> memref<64xi32, #tpu.memory_space<hbm>>
      tpu.wait_dma2 semaphore(%run_scoped3A : memref<!tpu.dma_semaphore, #tpu.memory_space<semaphore_mem>>) src(%dma_wait3A_44 : memref<64xi32, #tpu.memory_space<hbm>>) dst(%arg5 : memref<64xi32, #tpu.memory_space<vmem>>)
      tpu.yield
    }) : () -> ()
    %dma_start3A_18 = arith.constant 0 : i32
    %dma_start3A_19 = arith.constant 0 : i32
    %dma_start3A_20 = tpu.memref_slice %arg2[%dma_start3A_18, %dma_start3A_19] : memref<10752x768xf32, #tpu.memory_space<hbm>> -> memref<10752x768xf32, #tpu.memory_space<hbm>>
    tpu.enqueue_indirect_dma source(%dma_start3A_20 : memref<10752x768xf32, #tpu.memory_space<hbm>>) target(%arg7 : memref<64x768xf32, #tpu.memory_space<vmem>>) offsets(%arg5 : memref<64xi32, #tpu.memory_space<vmem>>) semaphore(%arg9 : memref<!tpu.dma_semaphore, #tpu.memory_space<semaphore_mem>>)
    %dma_wait3A_21 = arith.constant 0 : i32
    %dma_wait3A_22 = arith.constant 0 : i32
    %dma_wait3A_23 = tpu.memref_slice %arg2[%dma_wait3A_21, %dma_wait3A_22] : memref<10752x768xf32, #tpu.memory_space<hbm>> -> memref<10752x768xf32, #tpu.memory_space<hbm>>
    tpu.wait_indirect_dma semaphore(%arg10 : memref<!tpu.dma_semaphore, #tpu.memory_space<semaphore_mem>>) src(%dma_wait3A_23 : memref<10752x768xf32, #tpu.memory_space<hbm>>) dst(%arg8 : memref<64x768xf32, #tpu.memory_space<vmem>>)
    %add3A_24 = arith.constant 64 : i32
    %add3A_25 = arith.addi %mul3A_2, %add3A_24 : i32
    "tpu.region"() ({
      %run_scoped3A = tpu.sem_alloc : memref<!tpu.dma_semaphore, #tpu.memory_space<semaphore_mem>>
      %dma_start3A_41 = arith.constant 0 : i32
      %dma_start3A_42 = tpu.memref_slice %arg4[%add3A_25, %dma_start3A_41] : memref<8192x768xf32, #tpu.memory_space<hbm>> -> memref<64x768xf32, #tpu.memory_space<hbm>>
      %dma_start3A_43 = arith.constant 0 : i32
      %dma_start3A_44 = tpu.memref_slice %arg4[%add3A_25, %dma_start3A_43] : memref<8192x768xf32, #tpu.memory_space<hbm>> -> memref<64x768xf32, #tpu.memory_space<hbm>>
      tpu.enqueue_dma source(%arg8 : memref<64x768xf32, #tpu.memory_space<vmem>>) target(%dma_start3A_44 : memref<64x768xf32, #tpu.memory_space<hbm>>) target_semaphore(%run_scoped3A : memref<!tpu.dma_semaphore, #tpu.memory_space<semaphore_mem>>)
      %dma_wait3A_45 = arith.constant 0 : i32
      %dma_wait3A_46 = tpu.memref_slice %arg4[%add3A_25, %dma_wait3A_45] : memref<8192x768xf32, #tpu.memory_space<hbm>> -> memref<64x768xf32, #tpu.memory_space<hbm>>
      %dma_wait3A_47 = arith.constant 0 : i32
      %dma_wait3A_48 = tpu.memref_slice %arg4[%add3A_25, %dma_wait3A_47] : memref<8192x768xf32, #tpu.memory_space<hbm>> -> memref<64x768xf32, #tpu.memory_space<hbm>>
      tpu.wait_dma2 semaphore(%run_scoped3A : memref<!tpu.dma_semaphore, #tpu.memory_space<semaphore_mem>>) src(%arg8 : memref<64x768xf32, #tpu.memory_space<vmem>>) dst(%dma_wait3A_48 : memref<64x768xf32, #tpu.memory_space<hbm>>)
      tpu.yield
    }) : () -> ()
    %add3A_26 = arith.constant 192 : i32
    %add3A_27 = arith.addi %mul3A_2, %add3A_26 : i32
    "tpu.region"() ({
      %run_scoped3A = tpu.sem_alloc : memref<!tpu.dma_semaphore, #tpu.memory_space<semaphore_mem>>
      %dma_start3A_41 = tpu.memref_slice %arg3[%add3A_27] : memref<8192xi32, #tpu.memory_space<hbm>> -> memref<64xi32, #tpu.memory_space<hbm>>
      %dma_start3A_42 = tpu.memref_slice %arg3[%add3A_27] : memref<8192xi32, #tpu.memory_space<hbm>> -> memref<64xi32, #tpu.memory_space<hbm>>
      tpu.enqueue_dma source(%dma_start3A_42 : memref<64xi32, #tpu.memory_space<hbm>>) target(%arg6 : memref<64xi32, #tpu.memory_space<vmem>>) target_semaphore(%run_scoped3A : memref<!tpu.dma_semaphore, #tpu.memory_space<semaphore_mem>>)
      %dma_wait3A_43 = tpu.memref_slice %arg3[%add3A_27] : memref<8192xi32, #tpu.memory_space<hbm>> -> memref<64xi32, #tpu.memory_space<hbm>>
      %dma_wait3A_44 = tpu.memref_slice %arg3[%add3A_27] : memref<8192xi32, #tpu.memory_space<hbm>> -> memref<64xi32, #tpu.memory_space<hbm>>
      tpu.wait_dma2 semaphore(%run_scoped3A : memref<!tpu.dma_semaphore, #tpu.memory_space<semaphore_mem>>) src(%dma_wait3A_44 : memref<64xi32, #tpu.memory_space<hbm>>) dst(%arg6 : memref<64xi32, #tpu.memory_space<vmem>>)
      tpu.yield
    }) : () -> ()
    %dma_start3A_28 = arith.constant 0 : i32
    %dma_start3A_29 = arith.constant 0 : i32
    %dma_start3A_30 = tpu.memref_slice %arg2[%dma_start3A_28, %dma_start3A_29] : memref<10752x768xf32, #tpu.memory_space<hbm>> -> memref<10752x768xf32, #tpu.memory_space<hbm>>
    tpu.enqueue_indirect_dma source(%dma_start3A_30 : memref<10752x768xf32, #tpu.memory_space<hbm>>) target(%arg8 : memref<64x768xf32, #tpu.memory_space<vmem>>) offsets(%arg6 : memref<64xi32, #tpu.memory_space<vmem>>) semaphore(%arg10 : memref<!tpu.dma_semaphore, #tpu.memory_space<semaphore_mem>>)
    %dma_wait3A_31 = arith.constant 0 : i32
    %dma_wait3A_32 = arith.constant 0 : i32
    %dma_wait3A_33 = tpu.memref_slice %arg2[%dma_wait3A_31, %dma_wait3A_32] : memref<10752x768xf32, #tpu.memory_space<hbm>> -> memref<10752x768xf32, #tpu.memory_space<hbm>>
    tpu.wait_indirect_dma semaphore(%arg9 : memref<!tpu.dma_semaphore, #tpu.memory_space<semaphore_mem>>) src(%dma_wait3A_33 : memref<10752x768xf32, #tpu.memory_space<hbm>>) dst(%arg7 : memref<64x768xf32, #tpu.memory_space<vmem>>)
    %add3A_34 = arith.constant 128 : i32
    %add3A_35 = arith.addi %mul3A_2, %add3A_34 : i32
    "tpu.region"() ({
      %run_scoped3A = tpu.sem_alloc : memref<!tpu.dma_semaphore, #tpu.memory_space<semaphore_mem>>
      %dma_start3A_41 = arith.constant 0 : i32
      %dma_start3A_42 = tpu.memref_slice %arg4[%add3A_35, %dma_start3A_41] : memref<8192x768xf32, #tpu.memory_space<hbm>> -> memref<64x768xf32, #tpu.memory_space<hbm>>
      %dma_start3A_43 = arith.constant 0 : i32
      %dma_start3A_44 = tpu.memref_slice %arg4[%add3A_35, %dma_start3A_43] : memref<8192x768xf32, #tpu.memory_space<hbm>> -> memref<64x768xf32, #tpu.memory_space<hbm>>
      tpu.enqueue_dma source(%arg7 : memref<64x768xf32, #tpu.memory_space<vmem>>) target(%dma_start3A_44 : memref<64x768xf32, #tpu.memory_space<hbm>>) target_semaphore(%run_scoped3A : memref<!tpu.dma_semaphore, #tpu.memory_space<semaphore_mem>>)
      %dma_wait3A_45 = arith.constant 0 : i32
      %dma_wait3A_46 = tpu.memref_slice %arg4[%add3A_35, %dma_wait3A_45] : memref<8192x768xf32, #tpu.memory_space<hbm>> -> memref<64x768xf32, #tpu.memory_space<hbm>>
      %dma_wait3A_47 = arith.constant 0 : i32
      %dma_wait3A_48 = tpu.memref_slice %arg4[%add3A_35, %dma_wait3A_47] : memref<8192x768xf32, #tpu.memory_space<hbm>> -> memref<64x768xf32, #tpu.memory_space<hbm>>
      tpu.wait_dma2 semaphore(%run_scoped3A : memref<!tpu.dma_semaphore, #tpu.memory_space<semaphore_mem>>) src(%arg7 : memref<64x768xf32, #tpu.memory_space<vmem>>) dst(%dma_wait3A_48 : memref<64x768xf32, #tpu.memory_space<hbm>>)
      tpu.yield
    }) : () -> ()
    %dma_wait3A_36 = arith.constant 0 : i32
    %dma_wait3A_37 = arith.constant 0 : i32
    %dma_wait3A_38 = tpu.memref_slice %arg2[%dma_wait3A_36, %dma_wait3A_37] : memref<10752x768xf32, #tpu.memory_space<hbm>> -> memref<10752x768xf32, #tpu.memory_space<hbm>>
    tpu.wait_indirect_dma semaphore(%arg10 : memref<!tpu.dma_semaphore, #tpu.memory_space<semaphore_mem>>) src(%dma_wait3A_38 : memref<10752x768xf32, #tpu.memory_space<hbm>>) dst(%arg8 : memref<64x768xf32, #tpu.memory_space<vmem>>)
    %add3A_39 = arith.constant 192 : i32
    %add3A_40 = arith.addi %mul3A_2, %add3A_39 : i32
    "tpu.region"() ({
      %run_scoped3A = tpu.sem_alloc : memref<!tpu.dma_semaphore, #tpu.memory_space<semaphore_mem>>
      %dma_start3A_41 = arith.constant 0 : i32
      %dma_start3A_42 = tpu.memref_slice %arg4[%add3A_40, %dma_start3A_41] : memref<8192x768xf32, #tpu.memory_space<hbm>> -> memref<64x768xf32, #tpu.memory_space<hbm>>
      %dma_start3A_43 = arith.constant 0 : i32
      %dma_start3A_44 = tpu.memref_slice %arg4[%add3A_40, %dma_start3A_43] : memref<8192x768xf32, #tpu.memory_space<hbm>> -> memref<64x768xf32, #tpu.memory_space<hbm>>
      tpu.enqueue_dma source(%arg8 : memref<64x768xf32, #tpu.memory_space<vmem>>) target(%dma_start3A_44 : memref<64x768xf32, #tpu.memory_space<hbm>>) target_semaphore(%run_scoped3A : memref<!tpu.dma_semaphore, #tpu.memory_space<semaphore_mem>>)
      %dma_wait3A_45 = arith.constant 0 : i32
      %dma_wait3A_46 = tpu.memref_slice %arg4[%add3A_40, %dma_wait3A_45] : memref<8192x768xf32, #tpu.memory_space<hbm>> -> memref<64x768xf32, #tpu.memory_space<hbm>>
      %dma_wait3A_47 = arith.constant 0 : i32
      %dma_wait3A_48 = tpu.memref_slice %arg4[%add3A_40, %dma_wait3A_47] : memref<8192x768xf32, #tpu.memory_space<hbm>> -> memref<64x768xf32, #tpu.memory_space<hbm>>
      tpu.wait_dma2 semaphore(%run_scoped3A : memref<!tpu.dma_semaphore, #tpu.memory_space<semaphore_mem>>) src(%arg8 : memref<64x768xf32, #tpu.memory_space<vmem>>) dst(%dma_wait3A_48 : memref<64x768xf32, #tpu.memory_space<hbm>>)
      tpu.yield
    }) : () -> ()
    return
  }
}

module attributes {stable_mosaic.version = 14 : i64} {
  func.func @_rank_body(%arg0: i32, %arg1: i32, %arg2: memref<1x1x4096xf32, #tpu.memory_space<vmem>>, %arg3: memref<1x1x512xf32, #tpu.memory_space<vmem>>, %arg4: memref<1x1x512xi32, #tpu.memory_space<vmem>>, %arg5: memref<1x1x512xi32, #tpu.memory_space<vmem>>) attributes {dimension_semantics = [#tpu.dimension_semantics<arbitrary>, #tpu.dimension_semantics<arbitrary>], iteration_bounds = array<i64: 2, 8>, scalar_prefetch = 0 : i64, scratch_operands = 0 : i64, tpu.core_type = #tpu.core_type<tc>, window_params = [{transform_indices = @transform_0, window_bounds = array<i64: 1, 1, 4096>}, {transform_indices = @transform_1, window_bounds = array<i64: 1, 1, 512>}, {transform_indices = @transform_2, window_bounds = array<i64: 1, 1, 512>}, {transform_indices = @transform_3, window_bounds = array<i64: 1, 1, 512>}]} {
    %get3A = arith.constant 0 : index
    %get3A_0 = arith.constant 0 : index
    %get3A_1 = arith.constant 0 : index
    %get3A_2 = vector.load %arg2[%get3A, %get3A_0, %get3A_1] : memref<1x1x4096xf32, #tpu.memory_space<vmem>>, vector<1x1x4096xf32>
    %get3A_3 = vector.shape_cast %get3A_2 : vector<1x1x4096xf32> to vector<4096xf32>
    %get3A_4 = arith.constant 0 : index
    %get3A_5 = arith.constant 0 : index
    %get3A_6 = arith.constant 0 : index
    %get3A_7 = vector.load %arg3[%get3A_4, %get3A_5, %get3A_6] : memref<1x1x512xf32, #tpu.memory_space<vmem>>, vector<1x1x512xf32>
    %get3A_8 = vector.shape_cast %get3A_7 : vector<1x1x512xf32> to vector<512xf32>
    %broadcast_in_dim3A = vector.shape_cast %get3A_8 : vector<512xf32> to vector<512x1xf32>
    %broadcast_in_dim3A_9 = vector.broadcast %broadcast_in_dim3A : vector<512x1xf32> to vector<512x1024xf32>
    %iota3A = tpu.iota {dimensions = array<i32: 0>} : vector<512x1024xi32>
    %mul3A = arith.constant 512 : i32
    %mul3A_10 = arith.muli %arg1, %mul3A : i32
    %add3A = vector.broadcast %mul3A_10 : i32 to vector<512x1024xi32>
    %add3A_11 = arith.addi %iota3A, %add3A : vector<512x1024xi32>
    %broadcast_in_dim3A_12 = arith.constant 0 : i32
    %broadcast_in_dim3A_13 = vector.broadcast %broadcast_in_dim3A_12 : i32 to vector<512xi32>
    %slice3A = vector.extract_strided_slice %get3A_3 {offsets = [0], sizes = [1024], strides = [1]} : vector<4096xf32> to vector<1024xf32>
    %broadcast_in_dim3A_14 = vector.shape_cast %slice3A : vector<1024xf32> to vector<1x1024xf32>
    %broadcast_in_dim3A_15 = vector.broadcast %broadcast_in_dim3A_14 : vector<1x1024xf32> to vector<512x1024xf32>
    %iota3A_16 = tpu.iota {dimensions = array<i32: 1>} : vector<512x1024xi32>
    %add3A_17 = arith.constant 0 : i32
    %add3A_18 = vector.broadcast %add3A_17 : i32 to vector<512x1024xi32>
    %add3A_19 = arith.addi %iota3A_16, %add3A_18 : vector<512x1024xi32>
    %gt3A = arith.cmpf ogt, %broadcast_in_dim3A_15, %broadcast_in_dim3A_9 : vector<512x1024xf32>
    %eq3A = arith.cmpf oeq, %broadcast_in_dim3A_15, %broadcast_in_dim3A_9 : vector<512x1024xf32>
    %lt3A = arith.cmpi slt, %add3A_19, %add3A_11 : vector<512x1024xi32>
    %and3A = arith.andi %eq3A, %lt3A : vector<512x1024xi1>
    %or3A = arith.ori %gt3A, %and3A : vector<512x1024xi1>
    %convert_element_type3A = arith.extui %or3A : vector<512x1024xi1> to vector<512x1024xi32>
    %reduce_sum3A = arith.constant dense<0> : vector<512xi32>
    %reduce_sum3A_20 = vector.multi_reduction <add>, %convert_element_type3A, %reduce_sum3A [1] : vector<512x1024xi32> to vector<512xi32>
    %add3A_21 = arith.addi %broadcast_in_dim3A_13, %reduce_sum3A_20 : vector<512xi32>
    %slice3A_22 = vector.extract_strided_slice %get3A_3 {offsets = [1024], sizes = [1024], strides = [1]} : vector<4096xf32> to vector<1024xf32>
    %broadcast_in_dim3A_23 = vector.shape_cast %slice3A_22 : vector<1024xf32> to vector<1x1024xf32>
    %broadcast_in_dim3A_24 = vector.broadcast %broadcast_in_dim3A_23 : vector<1x1024xf32> to vector<512x1024xf32>
    %iota3A_25 = tpu.iota {dimensions = array<i32: 1>} : vector<512x1024xi32>
    %add3A_26 = arith.constant 1024 : i32
    %add3A_27 = vector.broadcast %add3A_26 : i32 to vector<512x1024xi32>
    %add3A_28 = arith.addi %iota3A_25, %add3A_27 : vector<512x1024xi32>
    %gt3A_29 = arith.cmpf ogt, %broadcast_in_dim3A_24, %broadcast_in_dim3A_9 : vector<512x1024xf32>
    %eq3A_30 = arith.cmpf oeq, %broadcast_in_dim3A_24, %broadcast_in_dim3A_9 : vector<512x1024xf32>
    %lt3A_31 = arith.cmpi slt, %add3A_28, %add3A_11 : vector<512x1024xi32>
    %and3A_32 = arith.andi %eq3A_30, %lt3A_31 : vector<512x1024xi1>
    %or3A_33 = arith.ori %gt3A_29, %and3A_32 : vector<512x1024xi1>
    %convert_element_type3A_34 = arith.extui %or3A_33 : vector<512x1024xi1> to vector<512x1024xi32>
    %reduce_sum3A_35 = arith.constant dense<0> : vector<512xi32>
    %reduce_sum3A_36 = vector.multi_reduction <add>, %convert_element_type3A_34, %reduce_sum3A_35 [1] : vector<512x1024xi32> to vector<512xi32>
    %add3A_37 = arith.addi %add3A_21, %reduce_sum3A_36 : vector<512xi32>
    %slice3A_38 = vector.extract_strided_slice %get3A_3 {offsets = [2048], sizes = [1024], strides = [1]} : vector<4096xf32> to vector<1024xf32>
    %broadcast_in_dim3A_39 = vector.shape_cast %slice3A_38 : vector<1024xf32> to vector<1x1024xf32>
    %broadcast_in_dim3A_40 = vector.broadcast %broadcast_in_dim3A_39 : vector<1x1024xf32> to vector<512x1024xf32>
    %iota3A_41 = tpu.iota {dimensions = array<i32: 1>} : vector<512x1024xi32>
    %add3A_42 = arith.constant 2048 : i32
    %add3A_43 = vector.broadcast %add3A_42 : i32 to vector<512x1024xi32>
    %add3A_44 = arith.addi %iota3A_41, %add3A_43 : vector<512x1024xi32>
    %gt3A_45 = arith.cmpf ogt, %broadcast_in_dim3A_40, %broadcast_in_dim3A_9 : vector<512x1024xf32>
    %eq3A_46 = arith.cmpf oeq, %broadcast_in_dim3A_40, %broadcast_in_dim3A_9 : vector<512x1024xf32>
    %lt3A_47 = arith.cmpi slt, %add3A_44, %add3A_11 : vector<512x1024xi32>
    %and3A_48 = arith.andi %eq3A_46, %lt3A_47 : vector<512x1024xi1>
    %or3A_49 = arith.ori %gt3A_45, %and3A_48 : vector<512x1024xi1>
    %convert_element_type3A_50 = arith.extui %or3A_49 : vector<512x1024xi1> to vector<512x1024xi32>
    %reduce_sum3A_51 = arith.constant dense<0> : vector<512xi32>
    %reduce_sum3A_52 = vector.multi_reduction <add>, %convert_element_type3A_50, %reduce_sum3A_51 [1] : vector<512x1024xi32> to vector<512xi32>
    %add3A_53 = arith.addi %add3A_37, %reduce_sum3A_52 : vector<512xi32>
    %slice3A_54 = vector.extract_strided_slice %get3A_3 {offsets = [3072], sizes = [1024], strides = [1]} : vector<4096xf32> to vector<1024xf32>
    %broadcast_in_dim3A_55 = vector.shape_cast %slice3A_54 : vector<1024xf32> to vector<1x1024xf32>
    %broadcast_in_dim3A_56 = vector.broadcast %broadcast_in_dim3A_55 : vector<1x1024xf32> to vector<512x1024xf32>
    %iota3A_57 = tpu.iota {dimensions = array<i32: 1>} : vector<512x1024xi32>
    %add3A_58 = arith.constant 3072 : i32
    %add3A_59 = vector.broadcast %add3A_58 : i32 to vector<512x1024xi32>
    %add3A_60 = arith.addi %iota3A_57, %add3A_59 : vector<512x1024xi32>
    %gt3A_61 = arith.cmpf ogt, %broadcast_in_dim3A_56, %broadcast_in_dim3A_9 : vector<512x1024xf32>
    %eq3A_62 = arith.cmpf oeq, %broadcast_in_dim3A_56, %broadcast_in_dim3A_9 : vector<512x1024xf32>
    %lt3A_63 = arith.cmpi slt, %add3A_60, %add3A_11 : vector<512x1024xi32>
    %and3A_64 = arith.andi %eq3A_62, %lt3A_63 : vector<512x1024xi1>
    %or3A_65 = arith.ori %gt3A_61, %and3A_64 : vector<512x1024xi1>
    %convert_element_type3A_66 = arith.extui %or3A_65 : vector<512x1024xi1> to vector<512x1024xi32>
    %reduce_sum3A_67 = arith.constant dense<0> : vector<512xi32>
    %reduce_sum3A_68 = vector.multi_reduction <add>, %convert_element_type3A_66, %reduce_sum3A_67 [1] : vector<512x1024xi32> to vector<512xi32>
    %add3A_69 = arith.addi %add3A_53, %reduce_sum3A_68 : vector<512xi32>
    %iota3A_70 = tpu.iota {dimensions = array<i32: 1>} : vector<1x512xi32>
    %iota3A_71 = vector.shape_cast %iota3A_70 : vector<1x512xi32> to vector<512xi32>
    %mul3A_72 = arith.constant 512 : i32
    %mul3A_73 = arith.muli %arg1, %mul3A_72 : i32
    %add3A_74 = vector.broadcast %mul3A_73 : i32 to vector<512xi32>
    %add3A_75 = arith.addi %iota3A_71, %add3A_74 : vector<512xi32>
    %lt3A_76 = arith.constant 1228 : i32
    %lt3A_77 = vector.broadcast %lt3A_76 : i32 to vector<512xi32>
    %lt3A_78 = arith.cmpi slt, %add3A_69, %lt3A_77 : vector<512xi32>
    %mul3A_79 = arith.constant 1280 : i32
    %mul3A_80 = arith.muli %arg0, %mul3A_79 : i32
    %add3A_81 = vector.broadcast %mul3A_80 : i32 to vector<512xi32>
    %add3A_82 = arith.addi %add3A_81, %add3A_69 : vector<512xi32>
    %mul3A_83 = arith.constant 4096 : i32
    %mul3A_84 = arith.muli %arg0, %mul3A_83 : i32
    %add3A_85 = arith.constant 2560 : i32
    %add3A_86 = arith.addi %add3A_85, %mul3A_84 : i32
    %add3A_87 = vector.broadcast %add3A_86 : i32 to vector<512xi32>
    %add3A_88 = arith.addi %add3A_87, %add3A_75 : vector<512xi32>
    %select_n3A = arith.select %lt3A_78, %add3A_82, %add3A_88 : vector<512xi1>, vector<512xi32>
    %swap3A = arith.constant 0 : index
    %swap3A_89 = arith.constant 0 : index
    %swap3A_90 = arith.constant 0 : index
    %swap3A_91 = vector.load %arg4[%swap3A, %swap3A_89, %swap3A_90] : memref<1x1x512xi32, #tpu.memory_space<vmem>>, vector<1x1x512xi32>
    %swap3A_92 = vector.shape_cast %swap3A_91 : vector<1x1x512xi32> to vector<512xi32>
    %swap3A_93 = vector.shape_cast %add3A_69 : vector<512xi32> to vector<1x1x512xi32>
    tpu.vector_store %arg4[%swap3A, %swap3A_89, %swap3A_90], %swap3A_93 {strides = array<i32>} : memref<1x1x512xi32, #tpu.memory_space<vmem>>, vector<1x1x512xi32>,
    %swap3A_94 = arith.constant 0 : index
    %swap3A_95 = arith.constant 0 : index
    %swap3A_96 = arith.constant 0 : index
    %swap3A_97 = vector.load %arg5[%swap3A_94, %swap3A_95, %swap3A_96] : memref<1x1x512xi32, #tpu.memory_space<vmem>>, vector<1x1x512xi32>
    %swap3A_98 = vector.shape_cast %swap3A_97 : vector<1x1x512xi32> to vector<512xi32>
    %swap3A_99 = vector.shape_cast %select_n3A : vector<512xi32> to vector<1x1x512xi32>
    tpu.vector_store %arg5[%swap3A_94, %swap3A_95, %swap3A_96], %swap3A_99 {strides = array<i32>} : memref<1x1x512xi32, #tpu.memory_space<vmem>>, vector<1x1x512xi32>,
    return
  }
  func.func @transform_0(%arg0: i32, %arg1: i32) -> (i32, i32, i32) {
    %c0_i32 = arith.constant 0 : i32
    %c0_i32_0 = arith.constant 0 : i32
    %c0_i32_1 = arith.constant 0 : i32
    return %arg0, %c0_i32, %c0_i32_0 : i32, i32, i32
  }
  func.func @transform_1(%arg0: i32, %arg1: i32) -> (i32, i32, i32) {
    %c0_i32 = arith.constant 0 : i32
    %c0_i32_0 = arith.constant 0 : i32
    return %arg0, %c0_i32, %arg1 : i32, i32, i32
  }
  func.func @transform_2(%arg0: i32, %arg1: i32) -> (i32, i32, i32) {
    %c0_i32 = arith.constant 0 : i32
    %c0_i32_0 = arith.constant 0 : i32
    return %arg0, %c0_i32, %arg1 : i32, i32, i32
  }
  func.func @transform_3(%arg0: i32, %arg1: i32) -> (i32, i32, i32) {
    %c0_i32 = arith.constant 0 : i32
    %c0_i32_0 = arith.constant 0 : i32
    return %arg0, %c0_i32, %arg1 : i32, i32, i32
  }
}

module attributes {stable_mosaic.version = 14 : i64} {
  func.func @_extract_body(%arg0: i32, %arg1: i32, %arg2: memref<1x1x4096xi32, #tpu.memory_space<vmem>>, %arg3: memref<1x1x128xi32, #tpu.memory_space<vmem>>) attributes {dimension_semantics = [#tpu.dimension_semantics<arbitrary>, #tpu.dimension_semantics<arbitrary>], iteration_bounds = array<i64: 2, 10>, scalar_prefetch = 0 : i64, scratch_operands = 0 : i64, tpu.core_type = #tpu.core_type<tc>, window_params = [{transform_indices = @transform_0, window_bounds = array<i64: 1, 1, 4096>}, {transform_indices = @transform_1, window_bounds = array<i64: 1, 1, 128>}]} {
    %get3A = arith.constant 0 : index
    %get3A_0 = arith.constant 0 : index
    %get3A_1 = arith.constant 0 : index
    %get3A_2 = vector.load %arg2[%get3A, %get3A_0, %get3A_1] : memref<1x1x4096xi32, #tpu.memory_space<vmem>>, vector<1x1x4096xi32>
    %get3A_3 = vector.shape_cast %get3A_2 : vector<1x1x4096xi32> to vector<4096xi32>
    %iota3A = tpu.iota {dimensions = array<i32: 0>} : vector<128x4096xi32>
    %mul3A = arith.constant 128 : i32
    %mul3A_4 = arith.muli %arg1, %mul3A : i32
    %add3A = vector.broadcast %mul3A_4 : i32 to vector<128x4096xi32>
    %add3A_5 = arith.addi %iota3A, %add3A : vector<128x4096xi32>
    %broadcast_in_dim3A = vector.shape_cast %get3A_3 : vector<4096xi32> to vector<1x4096xi32>
    %broadcast_in_dim3A_6 = vector.broadcast %broadcast_in_dim3A : vector<1x4096xi32> to vector<128x4096xi32>
    %iota3A_7 = tpu.iota {dimensions = array<i32: 1>} : vector<128x4096xi32>
    %eq3A = arith.cmpi eq, %broadcast_in_dim3A_6, %add3A_5 : vector<128x4096xi32>
    %jit3A = arith.constant 0 : i32
    %broadcast_in_dim3A_8 = vector.broadcast %jit3A : i32 to vector<128x4096xi32>
    %select_n3A = arith.select %eq3A, %iota3A_7, %broadcast_in_dim3A_8 : vector<128x4096xi1>, vector<128x4096xi32>
    %reduce_sum3A = arith.constant dense<0> : vector<128xi32>
    %reduce_sum3A_9 = vector.multi_reduction <add>, %select_n3A, %reduce_sum3A [1] : vector<128x4096xi32> to vector<128xi32>
    %iota3A_10 = tpu.iota {dimensions = array<i32: 1>} : vector<1x128xi32>
    %iota3A_11 = vector.shape_cast %iota3A_10 : vector<1x128xi32> to vector<128xi32>
    %mul3A_12 = arith.constant 128 : i32
    %mul3A_13 = arith.muli %arg1, %mul3A_12 : i32
    %add3A_14 = vector.broadcast %mul3A_13 : i32 to vector<128xi32>
    %add3A_15 = arith.addi %iota3A_11, %add3A_14 : vector<128xi32>
    %lt3A = arith.constant 1228 : i32
    %lt3A_16 = vector.broadcast %lt3A : i32 to vector<128xi32>
    %lt3A_17 = arith.cmpi slt, %add3A_15, %lt3A_16 : vector<128xi32>
    %mul3A_18 = arith.constant 4096 : i32
    %mul3A_19 = arith.muli %arg0, %mul3A_18 : i32
    %add3A_20 = vector.broadcast %mul3A_19 : i32 to vector<128xi32>
    %add3A_21 = arith.addi %reduce_sum3A_9, %add3A_20 : vector<128xi32>
    %jit3A_22 = arith.constant 0 : i32
    %broadcast_in_dim3A_23 = vector.broadcast %jit3A_22 : i32 to vector<128xi32>
    %select_n3A_24 = arith.select %lt3A_17, %add3A_21, %broadcast_in_dim3A_23 : vector<128xi1>, vector<128xi32>
    %swap3A = arith.constant 0 : index
    %swap3A_25 = arith.constant 0 : index
    %swap3A_26 = arith.constant 0 : index
    %swap3A_27 = vector.load %arg3[%swap3A, %swap3A_25, %swap3A_26] : memref<1x1x128xi32, #tpu.memory_space<vmem>>, vector<1x1x128xi32>
    %swap3A_28 = vector.shape_cast %swap3A_27 : vector<1x1x128xi32> to vector<128xi32>
    %swap3A_29 = vector.shape_cast %select_n3A_24 : vector<128xi32> to vector<1x1x128xi32>
    tpu.vector_store %arg3[%swap3A, %swap3A_25, %swap3A_26], %swap3A_29 {strides = array<i32>} : memref<1x1x128xi32, #tpu.memory_space<vmem>>, vector<1x1x128xi32>,
    return
  }
  func.func @transform_0(%arg0: i32, %arg1: i32) -> (i32, i32, i32) {
    %c0_i32 = arith.constant 0 : i32
    %c0_i32_0 = arith.constant 0 : i32
    %c0_i32_1 = arith.constant 0 : i32
    return %arg0, %c0_i32, %c0_i32_0 : i32, i32, i32
  }
  func.func @transform_1(%arg0: i32, %arg1: i32) -> (i32, i32, i32) {
    %c0_i32 = arith.constant 0 : i32
    %c0_i32_0 = arith.constant 0 : i32
    return %arg0, %c0_i32, %arg1 : i32, i32, i32
  }
}

module attributes {stable_mosaic.version = 14 : i64} {
  func.func @_prep_body(%arg0: memref<16x16xf32, #tpu.memory_space<vmem>>, %arg1: memref<1x16xf32, #tpu.memory_space<vmem>>, %arg2: memref<1536x16xf32, #tpu.memory_space<vmem>>, %arg3: memref<64x16xf32, #tpu.memory_space<vmem>>, %arg4: memref<1024x16xf32, #tpu.memory_space<vmem>>, %arg5: memref<1536x16xf32, #tpu.memory_space<vmem>>) attributes {dimension_semantics = [], scalar_prefetch = 0 : i64, scratch_operands = 0 : i64, tpu.core_type = #tpu.core_type<tc>} {
    %get3A = arith.constant 0 : index
    %get3A_0 = arith.constant 0 : index
    %get3A_1 = vector.load %arg0[%get3A, %get3A_0] : memref<16x16xf32, #tpu.memory_space<vmem>>, vector<16x16xf32>
    %get3A_2 = arith.constant 0 : index
    %get3A_3 = arith.constant 0 : index
    %get3A_4 = vector.load %arg1[%get3A_2, %get3A_3] : memref<1x16xf32, #tpu.memory_space<vmem>>, vector<1x16xf32>
    %get3A_5 = vector.shape_cast %get3A_4 : vector<1x16xf32> to vector<16xf32>
    %logistic3A = arith.negf %get3A_5 : vector<16xf32>
    %logistic3A_6 = math.exp %logistic3A : vector<16xf32>
    %logistic3A_7 = arith.constant 1.000000e+00 : f32
    %logistic3A_8 = vector.broadcast %logistic3A_7 : f32 to vector<16xf32>
    %logistic3A_9 = arith.addf %logistic3A_8, %logistic3A_6 : vector<16xf32>
    %logistic3A_10 = arith.divf %logistic3A_8, %logistic3A_9 : vector<16xf32>
    %reshape3A = vector.shape_cast %logistic3A_10 : vector<16xf32> to vector<1x16xf32>
    %get3A_11 = arith.constant 0 : index
    %get3A_12 = arith.constant 0 : index
    %get3A_13 = vector.load %arg2[%get3A_11, %get3A_12] : memref<1536x16xf32, #tpu.memory_space<vmem>>, vector<1536x16xf32>
    %logistic3A_14 = arith.negf %get3A_13 : vector<1536x16xf32>
    %logistic3A_15 = math.exp %logistic3A_14 : vector<1536x16xf32>
    %logistic3A_16 = arith.constant 1.000000e+00 : f32
    %logistic3A_17 = vector.broadcast %logistic3A_16 : f32 to vector<1536x16xf32>
    %logistic3A_18 = arith.addf %logistic3A_17, %logistic3A_15 : vector<1536x16xf32>
    %logistic3A_19 = arith.divf %logistic3A_17, %logistic3A_18 : vector<1536x16xf32>
    %swap3A = arith.constant 0 : index
    %swap3A_20 = arith.constant 0 : index
    %swap3A_21 = vector.load %arg5[%swap3A, %swap3A_20] : memref<1536x16xf32, #tpu.memory_space<vmem>>, vector<1536x16xf32>
    tpu.vector_store %arg5[%swap3A, %swap3A_20], %logistic3A_19 {strides = array<i32>} : memref<1536x16xf32, #tpu.memory_space<vmem>>, vector<1536x16xf32>,
    %iota3A = tpu.iota {dimensions = array<i32: 0>} : vector<16x16xi32>
    %iota3A_22 = tpu.iota {dimensions = array<i32: 1>} : vector<16x16xi32>
    %eq3A = arith.cmpi eq, %iota3A, %iota3A_22 : vector<16x16xi32>
    %convert_element_type3A = arith.extui %eq3A : vector<16x16xi1> to vector<16x16xi32>
    %convert_element_type3A_23 = arith.sitofp %convert_element_type3A : vector<16x16xi32> to vector<16x16xf32>
    %dot_general3A = arith.constant dense<0.000000e+00> : vector<16x16xf32>
    %dot_general3A_24 = tpu.matmul %convert_element_type3A_23, %get3A_1, %dot_general3A {dimension_numbers = #tpu.dot_dimension_numbers<[1], [1], [0], [0], [0, 0, 1, 0], [], []>, transpose_lhs_hint = false} : vector<16x16xf32>, vector<16x16xf32>, vector<16x16xf32> -> vector<16x16xf32>
    %swap3A_25 = arith.constant 0 : index
    %swap3A_26 = arith.constant 0 : index
    %swap3A_27 = vector.load %arg3[%swap3A_25, %swap3A_26] : memref<64x16xf32, #tpu.memory_space<vmem>>, vector<1x16xf32>
    tpu.vector_store %arg3[%swap3A_25, %swap3A_26], %reshape3A {strides = array<i32>} : memref<64x16xf32, #tpu.memory_space<vmem>>, vector<1x16xf32>,
    %swap3A_28 = arith.constant 0 : index
    %swap3A_29 = arith.constant 0 : index
    %swap3A_30 = vector.load %arg4[%swap3A_28, %swap3A_29] : memref<1024x16xf32, #tpu.memory_space<vmem>>, vector<16x16xf32>
    tpu.vector_store %arg4[%swap3A_28, %swap3A_29], %dot_general3A_24 {strides = array<i32>} : memref<1024x16xf32, #tpu.memory_space<vmem>>, vector<16x16xf32>,
    %scan3A = arith.constant 1 : i32
    %scan3A_31 = arith.constant 63 : i32
    %scan3A_32 = arith.addi %scan3A, %scan3A_31 : i32
    %scan3A_33 = arith.constant 1 : i32
    %scan3A_34:2 = scf.for %scan3A_36 = %scan3A to %scan3A_32 step %scan3A_33 iter_args(%scan3A_37 = %reshape3A, %scan3A_38 = %dot_general3A_24) -> (vector<1x16xf32>, vector<16x16xf32>)  : i32 {
      %dot_general3A_39 = arith.constant dense<0.000000e+00> : vector<1x16xf32>
      %dot_general3A_40 = tpu.matmul %scan3A_37, %get3A_1, %dot_general3A_39 {dimension_numbers = #tpu.dot_dimension_numbers<[1], [1], [0], [0], [0, 0, 1, 0], [], []>, transpose_lhs_hint = false} : vector<1x16xf32>, vector<16x16xf32>, vector<1x16xf32> -> vector<1x16xf32>
      %dot_general3A_41 = arith.constant dense<0.000000e+00> : vector<16x16xf32>
      %dot_general3A_42 = tpu.matmul %scan3A_38, %get3A_1, %dot_general3A_41 {dimension_numbers = #tpu.dot_dimension_numbers<[1], [1], [0], [0], [0, 0, 1, 0], [], []>, transpose_lhs_hint = false} : vector<16x16xf32>, vector<16x16xf32>, vector<16x16xf32> -> vector<16x16xf32>
      %swap3A_43 = arith.index_cast %scan3A_36 : i32 to index
      %swap3A_44 = arith.constant 0 : index
      %swap3A_45 = vector.load %arg3[%swap3A_43, %swap3A_44] : memref<64x16xf32, #tpu.memory_space<vmem>>, vector<1x16xf32>
      tpu.vector_store %arg3[%swap3A_43, %swap3A_44], %dot_general3A_40 {strides = array<i32>} : memref<64x16xf32, #tpu.memory_space<vmem>>, vector<1x16xf32>,
      %mul3A = arith.constant 16 : i32
      %mul3A_46 = arith.muli %scan3A_36, %mul3A : i32
      %swap3A_47 = arith.index_cast %mul3A_46 : i32 to index
      %swap3A_48 = arith.constant 0 : index
      %swap3A_49 = vector.load %arg4[%swap3A_47, %swap3A_48] : memref<1024x16xf32, #tpu.memory_space<vmem>>, vector<16x16xf32>
      tpu.vector_store %arg4[%swap3A_47, %swap3A_48], %dot_general3A_42 {strides = array<i32>} : memref<1024x16xf32, #tpu.memory_space<vmem>>, vector<16x16xf32>,
      scf.yield %dot_general3A_40, %dot_general3A_42 : vector<1x16xf32>, vector<16x16xf32>
    }
    %scan3A_35 = arith.constant 63 : i32
    return
  }
}

module attributes {stable_mosaic.version = 14 : i64} {
  func.func @_scan_body(%arg0: i32, %arg1: memref<64x1536xf32, #tpu.memory_space<vmem>>, %arg2: memref<64x768xf32, #tpu.memory_space<vmem>>, %arg3: memref<4x1536xf32, #tpu.memory_space<vmem>>, %arg4: memref<16x64x64xbf16, #tpu.memory_space<vmem>>, %arg5: memref<64x256xf32, #tpu.memory_space<vmem>>, %arg6: memref<64x16xf32, #tpu.memory_space<vmem>>, %arg7: memref<16x16xf32, #tpu.memory_space<vmem>>, %arg8: memref<16x1536xf32, #tpu.memory_space<vmem>>, %arg9: memref<1536x768xbf16, #tpu.memory_space<vmem>>, %arg10: memref<1x768xf32, #tpu.memory_space<vmem>>, %arg11: memref<64x768xf32, #tpu.memory_space<vmem>>, %arg12: memref<16x1536xf32, #tpu.memory_space<vmem>>, %arg13: memref<8x1536xf32, #tpu.memory_space<vmem>>) attributes {dimension_semantics = [#tpu.dimension_semantics<arbitrary>], iteration_bounds = array<i64: 40>, scalar_prefetch = 0 : i64, scratch_operands = 2 : i64, tpu.core_type = #tpu.core_type<tc>, window_params = [{transform_indices = @transform_0, window_bounds = array<i64: 64, 1536>}, {transform_indices = @transform_1, window_bounds = array<i64: 64, 768>}, {pipeline_mode = #tpu.pipeline_mode<synchronous>, transform_indices = @transform_2, window_bounds = array<i64: 4, 1536>}, {pipeline_mode = #tpu.pipeline_mode<synchronous>, transform_indices = @transform_3, window_bounds = array<i64: 16, 64, 64>}, {pipeline_mode = #tpu.pipeline_mode<synchronous>, transform_indices = @transform_4, window_bounds = array<i64: 64, 256>}, {pipeline_mode = #tpu.pipeline_mode<synchronous>, transform_indices = @transform_5, window_bounds = array<i64: 64, 16>}, {pipeline_mode = #tpu.pipeline_mode<synchronous>, transform_indices = @transform_6, window_bounds = array<i64: 16, 16>}, {pipeline_mode = #tpu.pipeline_mode<synchronous>, transform_indices = @transform_7, window_bounds = array<i64: 16, 1536>}, {pipeline_mode = #tpu.pipeline_mode<synchronous>, transform_indices = @transform_8, window_bounds = array<i64: 1536, 768>}, {pipeline_mode = #tpu.pipeline_mode<synchronous>, transform_indices = @transform_9, window_bounds = array<i64: 1, 768>}, {transform_indices = @transform_10, window_bounds = array<i64: 64, 768>}]} {
    %jit3A = arith.constant 20 : i32
    %eq3A = arith.constant 0 : i32
    %eq3A_0 = arith.cmpi eq, %jit3A, %eq3A : i32
    %jit3A_1 = arith.constant 1 : i32
    %select_n3A = arith.select %eq3A_0, %jit3A_1, %jit3A : i32
    %rem3A = arith.remsi %arg0, %select_n3A : i32
    %ne3A = arith.constant 0 : i32
    %ne3A_2 = arith.cmpi ne, %rem3A, %ne3A : i32
    %lt3A = arith.constant 0 : i32
    %lt3A_3 = arith.cmpi slt, %rem3A, %lt3A : i32
    %lt3A_4 = arith.constant 0 : i32
    %lt3A_5 = arith.cmpi slt, %select_n3A, %lt3A_4 : i32
    %ne3A_6 = arith.xori %lt3A_3, %lt3A_5 : i1
    %and3A = arith.andi %ne3A_6, %ne3A_2 : i1
    %add3A = arith.addi %rem3A, %select_n3A : i32
    %select_n3A_7 = arith.select %and3A, %add3A, %rem3A : i32
    %eq3A_8 = arith.constant 0 : i32
    %eq3A_9 = arith.cmpi eq, %select_n3A_7, %eq3A_8 : i32
    %convert_element_type3A = arith.extui %eq3A_9 : i1 to i32
    %cond3A = arith.constant 0 : i32
    %cond3A_10 = arith.cmpi ne, %convert_element_type3A, %cond3A : i32
    scf.if %cond3A_10 {
      %broadcast_in_dim3A_385 = arith.constant 0.000000e+00 : f32
      %broadcast_in_dim3A_386 = vector.broadcast %broadcast_in_dim3A_385 : f32 to vector<16x1536xf32>
      %swap3A_387 = arith.constant 0 : index
      %swap3A_388 = arith.constant 0 : index
      %swap3A_389 = vector.load %arg12[%swap3A_387, %swap3A_388] : memref<16x1536xf32, #tpu.memory_space<vmem>>, vector<16x1536xf32>
      tpu.vector_store %arg12[%swap3A_387, %swap3A_388], %broadcast_in_dim3A_386 {strides = array<i32>} : memref<16x1536xf32, #tpu.memory_space<vmem>>, vector<16x1536xf32>,
      %broadcast_in_dim3A_390 = arith.constant 0.000000e+00 : f32
      %broadcast_in_dim3A_391 = vector.broadcast %broadcast_in_dim3A_390 : f32 to vector<8x1536xf32>
      %swap3A_392 = arith.constant 0 : index
      %swap3A_393 = arith.constant 0 : index
      %swap3A_394 = vector.load %arg13[%swap3A_392, %swap3A_393] : memref<8x1536xf32, #tpu.memory_space<vmem>>, vector<8x1536xf32>
      tpu.vector_store %arg13[%swap3A_392, %swap3A_393], %broadcast_in_dim3A_391 {strides = array<i32>} : memref<8x1536xf32, #tpu.memory_space<vmem>>, vector<8x1536xf32>,
    } else {
    }
    %get3A = arith.constant 0 : index
    %get3A_11 = arith.constant 0 : index
    %get3A_12 = vector.load %arg1[%get3A, %get3A_11] : memref<64x1536xf32, #tpu.memory_space<vmem>>, vector<64x1536xf32>
    %get3A_13 = arith.constant 0 : index
    %get3A_14 = arith.constant 0 : index
    %get3A_15 = vector.load %arg3[%get3A_13, %get3A_14] : memref<4x1536xf32, #tpu.memory_space<vmem>>, vector<4x1536xf32>
    %get3A_16 = arith.constant 0 : index
    %get3A_17 = arith.constant 0 : index
    %get3A_18 = vector.load %arg13[%get3A_16, %get3A_17] : memref<8x1536xf32, #tpu.memory_space<vmem>>, vector<3x1536xf32>
    %concatenate3A = tpu.concatenate %get3A_18, %get3A_12 in 0 : vector<3x1536xf32>, vector<64x1536xf32> -> vector<67x1536xf32>
    %slice3A = vector.extract_strided_slice %get3A_15 {offsets = [3, 0], sizes = [1, 1536], strides = [1, 1]} : vector<4x1536xf32> to vector<1x1536xf32>
    %mul3A = vector.broadcast %slice3A : vector<1x1536xf32> to vector<64x1536xf32>
    %mul3A_19 = arith.mulf %mul3A, %get3A_12 : vector<64x1536xf32>
    %slice3A_20 = vector.extract_strided_slice %get3A_15 {offsets = [2, 0], sizes = [1, 1536], strides = [1, 1]} : vector<4x1536xf32> to vector<1x1536xf32>
    %slice3A_21 = vector.extract_strided_slice %concatenate3A {offsets = [2, 0], sizes = [64, 1536], strides = [1, 1]} : vector<67x1536xf32> to vector<64x1536xf32>
    %mul3A_22 = vector.broadcast %slice3A_20 : vector<1x1536xf32> to vector<64x1536xf32>
    %mul3A_23 = arith.mulf %mul3A_22, %slice3A_21 : vector<64x1536xf32>
    %add3A_24 = arith.addf %mul3A_19, %mul3A_23 : vector<64x1536xf32>
    %slice3A_25 = vector.extract_strided_slice %get3A_15 {offsets = [1, 0], sizes = [1, 1536], strides = [1, 1]} : vector<4x1536xf32> to vector<1x1536xf32>
    %slice3A_26 = vector.extract_strided_slice %concatenate3A {offsets = [1, 0], sizes = [64, 1536], strides = [1, 1]} : vector<67x1536xf32> to vector<64x1536xf32>
    %mul3A_27 = vector.broadcast %slice3A_25 : vector<1x1536xf32> to vector<64x1536xf32>
    %mul3A_28 = arith.mulf %mul3A_27, %slice3A_26 : vector<64x1536xf32>
    %add3A_29 = arith.addf %add3A_24, %mul3A_28 : vector<64x1536xf32>
    %slice3A_30 = vector.extract_strided_slice %get3A_15 {offsets = [0, 0], sizes = [1, 1536], strides = [1, 1]} : vector<4x1536xf32> to vector<1x1536xf32>
    %slice3A_31 = vector.extract_strided_slice %concatenate3A {offsets = [0, 0], sizes = [64, 1536], strides = [1, 1]} : vector<67x1536xf32> to vector<64x1536xf32>
    %mul3A_32 = vector.broadcast %slice3A_30 : vector<1x1536xf32> to vector<64x1536xf32>
    %mul3A_33 = arith.mulf %mul3A_32, %slice3A_31 : vector<64x1536xf32>
    %add3A_34 = arith.addf %add3A_29, %mul3A_33 : vector<64x1536xf32>
    %slice3A_35 = vector.extract_strided_slice %get3A_12 {offsets = [61, 0], sizes = [3, 1536], strides = [1, 1]} : vector<64x1536xf32> to vector<3x1536xf32>
    %swap3A = arith.constant 0 : index
    %swap3A_36 = arith.constant 0 : index
    %swap3A_37 = vector.load %arg13[%swap3A, %swap3A_36] : memref<8x1536xf32, #tpu.memory_space<vmem>>, vector<3x1536xf32>
    tpu.vector_store %arg13[%swap3A, %swap3A_36], %slice3A_35 {strides = array<i32>} : memref<8x1536xf32, #tpu.memory_space<vmem>>, vector<3x1536xf32>,
    %convert_element_type3A_38 = arith.truncf %add3A_34 : vector<64x1536xf32> to vector<64x1536xbf16>
    %broadcast_in_dim3A = arith.constant 0.000000e+00 : f32
    %broadcast_in_dim3A_39 = vector.broadcast %broadcast_in_dim3A : f32 to vector<64x1536xf32>
    %get3A_40 = arith.constant 0 : index
    %get3A_41 = arith.constant 0 : index
    %get3A_42 = arith.constant 0 : index
    %get3A_43 = vector.load %arg4[%get3A_40, %get3A_41, %get3A_42] : memref<16x64x64xbf16, #tpu.memory_space<vmem>>, vector<1x64x64xbf16>
    %get3A_44 = vector.shape_cast %get3A_43 : vector<1x64x64xbf16> to vector<64x64xbf16>
    %dot_general3A = arith.constant dense<0.000000e+00> : vector<64x1536xf32>
    %dot_general3A_45 = tpu.matmul %get3A_44, %convert_element_type3A_38, %dot_general3A {dimension_numbers = #tpu.dot_dimension_numbers<[1], [0], [0], [1], [0, 0, 1, 1], [], []>, transpose_lhs_hint = false} : vector<64x64xbf16>, vector<64x1536xbf16>, vector<64x1536xf32> -> vector<64x1536xf32>
    %get3A_46 = arith.constant 0 : index
    %get3A_47 = arith.constant 0 : index
    %get3A_48 = vector.load %arg8[%get3A_46, %get3A_47] : memref<16x1536xf32, #tpu.memory_space<vmem>>, vector<1x1536xf32>
    %mul3A_49 = vector.broadcast %get3A_48 : vector<1x1536xf32> to vector<64x1536xf32>
    %mul3A_50 = arith.mulf %dot_general3A_45, %mul3A_49 : vector<64x1536xf32>
    %add3A_51 = arith.addf %broadcast_in_dim3A_39, %mul3A_50 : vector<64x1536xf32>
    %get3A_52 = arith.constant 1 : index
    %get3A_53 = arith.constant 0 : index
    %get3A_54 = arith.constant 0 : index
    %get3A_55 = vector.load %arg4[%get3A_52, %get3A_53, %get3A_54] : memref<16x64x64xbf16, #tpu.memory_space<vmem>>, vector<1x64x64xbf16>
    %get3A_56 = vector.shape_cast %get3A_55 : vector<1x64x64xbf16> to vector<64x64xbf16>
    %dot_general3A_57 = arith.constant dense<0.000000e+00> : vector<64x1536xf32>
    %dot_general3A_58 = tpu.matmul %get3A_56, %convert_element_type3A_38, %dot_general3A_57 {dimension_numbers = #tpu.dot_dimension_numbers<[1], [0], [0], [1], [0, 0, 1, 1], [], []>, transpose_lhs_hint = false} : vector<64x64xbf16>, vector<64x1536xbf16>, vector<64x1536xf32> -> vector<64x1536xf32>
    %get3A_59 = arith.constant 1 : index
    %get3A_60 = arith.constant 0 : index
    %get3A_61 = vector.load %arg8[%get3A_59, %get3A_60] : memref<16x1536xf32, #tpu.memory_space<vmem>>, vector<1x1536xf32>
    %mul3A_62 = vector.broadcast %get3A_61 : vector<1x1536xf32> to vector<64x1536xf32>
    %mul3A_63 = arith.mulf %dot_general3A_58, %mul3A_62 : vector<64x1536xf32>
    %add3A_64 = arith.addf %add3A_51, %mul3A_63 : vector<64x1536xf32>
    %get3A_65 = arith.constant 2 : index
    %get3A_66 = arith.constant 0 : index
    %get3A_67 = arith.constant 0 : index
    %get3A_68 = vector.load %arg4[%get3A_65, %get3A_66, %get3A_67] : memref<16x64x64xbf16, #tpu.memory_space<vmem>>, vector<1x64x64xbf16>
    %get3A_69 = vector.shape_cast %get3A_68 : vector<1x64x64xbf16> to vector<64x64xbf16>
    %dot_general3A_70 = arith.constant dense<0.000000e+00> : vector<64x1536xf32>
    %dot_general3A_71 = tpu.matmul %get3A_69, %convert_element_type3A_38, %dot_general3A_70 {dimension_numbers = #tpu.dot_dimension_numbers<[1], [0], [0], [1], [0, 0, 1, 1], [], []>, transpose_lhs_hint = false} : vector<64x64xbf16>, vector<64x1536xbf16>, vector<64x1536xf32> -> vector<64x1536xf32>
    %get3A_72 = arith.constant 2 : index
    %get3A_73 = arith.constant 0 : index
    %get3A_74 = vector.load %arg8[%get3A_72, %get3A_73] : memref<16x1536xf32, #tpu.memory_space<vmem>>, vector<1x1536xf32>
    %mul3A_75 = vector.broadcast %get3A_74 : vector<1x1536xf32> to vector<64x1536xf32>
    %mul3A_76 = arith.mulf %dot_general3A_71, %mul3A_75 : vector<64x1536xf32>
    %add3A_77 = arith.addf %add3A_64, %mul3A_76 : vector<64x1536xf32>
    %get3A_78 = arith.constant 3 : index
    %get3A_79 = arith.constant 0 : index
    %get3A_80 = arith.constant 0 : index
    %get3A_81 = vector.load %arg4[%get3A_78, %get3A_79, %get3A_80] : memref<16x64x64xbf16, #tpu.memory_space<vmem>>, vector<1x64x64xbf16>
    %get3A_82 = vector.shape_cast %get3A_81 : vector<1x64x64xbf16> to vector<64x64xbf16>
    %dot_general3A_83 = arith.constant dense<0.000000e+00> : vector<64x1536xf32>
    %dot_general3A_84 = tpu.matmul %get3A_82, %convert_element_type3A_38, %dot_general3A_83 {dimension_numbers = #tpu.dot_dimension_numbers<[1], [0], [0], [1], [0, 0, 1, 1], [], []>, transpose_lhs_hint = false} : vector<64x64xbf16>, vector<64x1536xbf16>, vector<64x1536xf32> -> vector<64x1536xf32>
    %get3A_85 = arith.constant 3 : index
    %get3A_86 = arith.constant 0 : index
    %get3A_87 = vector.load %arg8[%get3A_85, %get3A_86] : memref<16x1536xf32, #tpu.memory_space<vmem>>, vector<1x1536xf32>
    %mul3A_88 = vector.broadcast %get3A_87 : vector<1x1536xf32> to vector<64x1536xf32>
    %mul3A_89 = arith.mulf %dot_general3A_84, %mul3A_88 : vector<64x1536xf32>
    %add3A_90 = arith.addf %add3A_77, %mul3A_89 : vector<64x1536xf32>
    %get3A_91 = arith.constant 4 : index
    %get3A_92 = arith.constant 0 : index
    %get3A_93 = arith.constant 0 : index
    %get3A_94 = vector.load %arg4[%get3A_91, %get3A_92, %get3A_93] : memref<16x64x64xbf16, #tpu.memory_space<vmem>>, vector<1x64x64xbf16>
    %get3A_95 = vector.shape_cast %get3A_94 : vector<1x64x64xbf16> to vector<64x64xbf16>
    %dot_general3A_96 = arith.constant dense<0.000000e+00> : vector<64x1536xf32>
    %dot_general3A_97 = tpu.matmul %get3A_95, %convert_element_type3A_38, %dot_general3A_96 {dimension_numbers = #tpu.dot_dimension_numbers<[1], [0], [0], [1], [0, 0, 1, 1], [], []>, transpose_lhs_hint = false} : vector<64x64xbf16>, vector<64x1536xbf16>, vector<64x1536xf32> -> vector<64x1536xf32>
    %get3A_98 = arith.constant 4 : index
    %get3A_99 = arith.constant 0 : index
    %get3A_100 = vector.load %arg8[%get3A_98, %get3A_99] : memref<16x1536xf32, #tpu.memory_space<vmem>>, vector<1x1536xf32>
    %mul3A_101 = vector.broadcast %get3A_100 : vector<1x1536xf32> to vector<64x1536xf32>
    %mul3A_102 = arith.mulf %dot_general3A_97, %mul3A_101 : vector<64x1536xf32>
    %add3A_103 = arith.addf %add3A_90, %mul3A_102 : vector<64x1536xf32>
    %get3A_104 = arith.constant 5 : index
    %get3A_105 = arith.constant 0 : index
    %get3A_106 = arith.constant 0 : index
    %get3A_107 = vector.load %arg4[%get3A_104, %get3A_105, %get3A_106] : memref<16x64x64xbf16, #tpu.memory_space<vmem>>, vector<1x64x64xbf16>
    %get3A_108 = vector.shape_cast %get3A_107 : vector<1x64x64xbf16> to vector<64x64xbf16>
    %dot_general3A_109 = arith.constant dense<0.000000e+00> : vector<64x1536xf32>
    %dot_general3A_110 = tpu.matmul %get3A_108, %convert_element_type3A_38, %dot_general3A_109 {dimension_numbers = #tpu.dot_dimension_numbers<[1], [0], [0], [1], [0, 0, 1, 1], [], []>, transpose_lhs_hint = false} : vector<64x64xbf16>, vector<64x1536xbf16>, vector<64x1536xf32> -> vector<64x1536xf32>
    %get3A_111 = arith.constant 5 : index
    %get3A_112 = arith.constant 0 : index
    %get3A_113 = vector.load %arg8[%get3A_111, %get3A_112] : memref<16x1536xf32, #tpu.memory_space<vmem>>, vector<1x1536xf32>
    %mul3A_114 = vector.broadcast %get3A_113 : vector<1x1536xf32> to vector<64x1536xf32>
    %mul3A_115 = arith.mulf %dot_general3A_110, %mul3A_114 : vector<64x1536xf32>
    %add3A_116 = arith.addf %add3A_103, %mul3A_115 : vector<64x1536xf32>
    %get3A_117 = arith.constant 6 : index
    %get3A_118 = arith.constant 0 : index
    %get3A_119 = arith.constant 0 : index
    %get3A_120 = vector.load %arg4[%get3A_117, %get3A_118, %get3A_119] : memref<16x64x64xbf16, #tpu.memory_space<vmem>>, vector<1x64x64xbf16>
    %get3A_121 = vector.shape_cast %get3A_120 : vector<1x64x64xbf16> to vector<64x64xbf16>
    %dot_general3A_122 = arith.constant dense<0.000000e+00> : vector<64x1536xf32>
    %dot_general3A_123 = tpu.matmul %get3A_121, %convert_element_type3A_38, %dot_general3A_122 {dimension_numbers = #tpu.dot_dimension_numbers<[1], [0], [0], [1], [0, 0, 1, 1], [], []>, transpose_lhs_hint = false} : vector<64x64xbf16>, vector<64x1536xbf16>, vector<64x1536xf32> -> vector<64x1536xf32>
    %get3A_124 = arith.constant 6 : index
    %get3A_125 = arith.constant 0 : index
    %get3A_126 = vector.load %arg8[%get3A_124, %get3A_125] : memref<16x1536xf32, #tpu.memory_space<vmem>>, vector<1x1536xf32>
    %mul3A_127 = vector.broadcast %get3A_126 : vector<1x1536xf32> to vector<64x1536xf32>
    %mul3A_128 = arith.mulf %dot_general3A_123, %mul3A_127 : vector<64x1536xf32>
    %add3A_129 = arith.addf %add3A_116, %mul3A_128 : vector<64x1536xf32>
    %get3A_130 = arith.constant 7 : index
    %get3A_131 = arith.constant 0 : index
    %get3A_132 = arith.constant 0 : index
    %get3A_133 = vector.load %arg4[%get3A_130, %get3A_131, %get3A_132] : memref<16x64x64xbf16, #tpu.memory_space<vmem>>, vector<1x64x64xbf16>
    %get3A_134 = vector.shape_cast %get3A_133 : vector<1x64x64xbf16> to vector<64x64xbf16>
    %dot_general3A_135 = arith.constant dense<0.000000e+00> : vector<64x1536xf32>
    %dot_general3A_136 = tpu.matmul %get3A_134, %convert_element_type3A_38, %dot_general3A_135 {dimension_numbers = #tpu.dot_dimension_numbers<[1], [0], [0], [1], [0, 0, 1, 1], [], []>, transpose_lhs_hint = false} : vector<64x64xbf16>, vector<64x1536xbf16>, vector<64x1536xf32> -> vector<64x1536xf32>
    %get3A_137 = arith.constant 7 : index
    %get3A_138 = arith.constant 0 : index
    %get3A_139 = vector.load %arg8[%get3A_137, %get3A_138] : memref<16x1536xf32, #tpu.memory_space<vmem>>, vector<1x1536xf32>
    %mul3A_140 = vector.broadcast %get3A_139 : vector<1x1536xf32> to vector<64x1536xf32>
    %mul3A_141 = arith.mulf %dot_general3A_136, %mul3A_140 : vector<64x1536xf32>
    %add3A_142 = arith.addf %add3A_129, %mul3A_141 : vector<64x1536xf32>
    %get3A_143 = arith.constant 8 : index
    %get3A_144 = arith.constant 0 : index
    %get3A_145 = arith.constant 0 : index
    %get3A_146 = vector.load %arg4[%get3A_143, %get3A_144, %get3A_145] : memref<16x64x64xbf16, #tpu.memory_space<vmem>>, vector<1x64x64xbf16>
    %get3A_147 = vector.shape_cast %get3A_146 : vector<1x64x64xbf16> to vector<64x64xbf16>
    %dot_general3A_148 = arith.constant dense<0.000000e+00> : vector<64x1536xf32>
    %dot_general3A_149 = tpu.matmul %get3A_147, %convert_element_type3A_38, %dot_general3A_148 {dimension_numbers = #tpu.dot_dimension_numbers<[1], [0], [0], [1], [0, 0, 1, 1], [], []>, transpose_lhs_hint = false} : vector<64x64xbf16>, vector<64x1536xbf16>, vector<64x1536xf32> -> vector<64x1536xf32>
    %get3A_150 = arith.constant 8 : index
    %get3A_151 = arith.constant 0 : index
    %get3A_152 = vector.load %arg8[%get3A_150, %get3A_151] : memref<16x1536xf32, #tpu.memory_space<vmem>>, vector<1x1536xf32>
    %mul3A_153 = vector.broadcast %get3A_152 : vector<1x1536xf32> to vector<64x1536xf32>
    %mul3A_154 = arith.mulf %dot_general3A_149, %mul3A_153 : vector<64x1536xf32>
    %add3A_155 = arith.addf %add3A_142, %mul3A_154 : vector<64x1536xf32>
    %get3A_156 = arith.constant 9 : index
    %get3A_157 = arith.constant 0 : index
    %get3A_158 = arith.constant 0 : index
    %get3A_159 = vector.load %arg4[%get3A_156, %get3A_157, %get3A_158] : memref<16x64x64xbf16, #tpu.memory_space<vmem>>, vector<1x64x64xbf16>
    %get3A_160 = vector.shape_cast %get3A_159 : vector<1x64x64xbf16> to vector<64x64xbf16>
    %dot_general3A_161 = arith.constant dense<0.000000e+00> : vector<64x1536xf32>
    %dot_general3A_162 = tpu.matmul %get3A_160, %convert_element_type3A_38, %dot_general3A_161 {dimension_numbers = #tpu.dot_dimension_numbers<[1], [0], [0], [1], [0, 0, 1, 1], [], []>, transpose_lhs_hint = false} : vector<64x64xbf16>, vector<64x1536xbf16>, vector<64x1536xf32> -> vector<64x1536xf32>
    %get3A_163 = arith.constant 9 : index
    %get3A_164 = arith.constant 0 : index
    %get3A_165 = vector.load %arg8[%get3A_163, %get3A_164] : memref<16x1536xf32, #tpu.memory_space<vmem>>, vector<1x1536xf32>
    %mul3A_166 = vector.broadcast %get3A_165 : vector<1x1536xf32> to vector<64x1536xf32>
    %mul3A_167 = arith.mulf %dot_general3A_162, %mul3A_166 : vector<64x1536xf32>
    %add3A_168 = arith.addf %add3A_155, %mul3A_167 : vector<64x1536xf32>
    %get3A_169 = arith.constant 10 : index
    %get3A_170 = arith.constant 0 : index
    %get3A_171 = arith.constant 0 : index
    %get3A_172 = vector.load %arg4[%get3A_169, %get3A_170, %get3A_171] : memref<16x64x64xbf16, #tpu.memory_space<vmem>>, vector<1x64x64xbf16>
    %get3A_173 = vector.shape_cast %get3A_172 : vector<1x64x64xbf16> to vector<64x64xbf16>
    %dot_general3A_174 = arith.constant dense<0.000000e+00> : vector<64x1536xf32>
    %dot_general3A_175 = tpu.matmul %get3A_173, %convert_element_type3A_38, %dot_general3A_174 {dimension_numbers = #tpu.dot_dimension_numbers<[1], [0], [0], [1], [0, 0, 1, 1], [], []>, transpose_lhs_hint = false} : vector<64x64xbf16>, vector<64x1536xbf16>, vector<64x1536xf32> -> vector<64x1536xf32>
    %get3A_176 = arith.constant 10 : index
    %get3A_177 = arith.constant 0 : index
    %get3A_178 = vector.load %arg8[%get3A_176, %get3A_177] : memref<16x1536xf32, #tpu.memory_space<vmem>>, vector<1x1536xf32>
    %mul3A_179 = vector.broadcast %get3A_178 : vector<1x1536xf32> to vector<64x1536xf32>
    %mul3A_180 = arith.mulf %dot_general3A_175, %mul3A_179 : vector<64x1536xf32>
    %add3A_181 = arith.addf %add3A_168, %mul3A_180 : vector<64x1536xf32>
    %get3A_182 = arith.constant 11 : index
    %get3A_183 = arith.constant 0 : index
    %get3A_184 = arith.constant 0 : index
    %get3A_185 = vector.load %arg4[%get3A_182, %get3A_183, %get3A_184] : memref<16x64x64xbf16, #tpu.memory_space<vmem>>, vector<1x64x64xbf16>
    %get3A_186 = vector.shape_cast %get3A_185 : vector<1x64x64xbf16> to vector<64x64xbf16>
    %dot_general3A_187 = arith.constant dense<0.000000e+00> : vector<64x1536xf32>
    %dot_general3A_188 = tpu.matmul %get3A_186, %convert_element_type3A_38, %dot_general3A_187 {dimension_numbers = #tpu.dot_dimension_numbers<[1], [0], [0], [1], [0, 0, 1, 1], [], []>, transpose_lhs_hint = false} : vector<64x64xbf16>, vector<64x1536xbf16>, vector<64x1536xf32> -> vector<64x1536xf32>
    %get3A_189 = arith.constant 11 : index
    %get3A_190 = arith.constant 0 : index
    %get3A_191 = vector.load %arg8[%get3A_189, %get3A_190] : memref<16x1536xf32, #tpu.memory_space<vmem>>, vector<1x1536xf32>
    %mul3A_192 = vector.broadcast %get3A_191 : vector<1x1536xf32> to vector<64x1536xf32>
    %mul3A_193 = arith.mulf %dot_general3A_188, %mul3A_192 : vector<64x1536xf32>
    %add3A_194 = arith.addf %add3A_181, %mul3A_193 : vector<64x1536xf32>
    %get3A_195 = arith.constant 12 : index
    %get3A_196 = arith.constant 0 : index
    %get3A_197 = arith.constant 0 : index
    %get3A_198 = vector.load %arg4[%get3A_195, %get3A_196, %get3A_197] : memref<16x64x64xbf16, #tpu.memory_space<vmem>>, vector<1x64x64xbf16>
    %get3A_199 = vector.shape_cast %get3A_198 : vector<1x64x64xbf16> to vector<64x64xbf16>
    %dot_general3A_200 = arith.constant dense<0.000000e+00> : vector<64x1536xf32>
    %dot_general3A_201 = tpu.matmul %get3A_199, %convert_element_type3A_38, %dot_general3A_200 {dimension_numbers = #tpu.dot_dimension_numbers<[1], [0], [0], [1], [0, 0, 1, 1], [], []>, transpose_lhs_hint = false} : vector<64x64xbf16>, vector<64x1536xbf16>, vector<64x1536xf32> -> vector<64x1536xf32>
    %get3A_202 = arith.constant 12 : index
    %get3A_203 = arith.constant 0 : index
    %get3A_204 = vector.load %arg8[%get3A_202, %get3A_203] : memref<16x1536xf32, #tpu.memory_space<vmem>>, vector<1x1536xf32>
    %mul3A_205 = vector.broadcast %get3A_204 : vector<1x1536xf32> to vector<64x1536xf32>
    %mul3A_206 = arith.mulf %dot_general3A_201, %mul3A_205 : vector<64x1536xf32>
    %add3A_207 = arith.addf %add3A_194, %mul3A_206 : vector<64x1536xf32>
    %get3A_208 = arith.constant 13 : index
    %get3A_209 = arith.constant 0 : index
    %get3A_210 = arith.constant 0 : index
    %get3A_211 = vector.load %arg4[%get3A_208, %get3A_209, %get3A_210] : memref<16x64x64xbf16, #tpu.memory_space<vmem>>, vector<1x64x64xbf16>
    %get3A_212 = vector.shape_cast %get3A_211 : vector<1x64x64xbf16> to vector<64x64xbf16>
    %dot_general3A_213 = arith.constant dense<0.000000e+00> : vector<64x1536xf32>
    %dot_general3A_214 = tpu.matmul %get3A_212, %convert_element_type3A_38, %dot_general3A_213 {dimension_numbers = #tpu.dot_dimension_numbers<[1], [0], [0], [1], [0, 0, 1, 1], [], []>, transpose_lhs_hint = false} : vector<64x64xbf16>, vector<64x1536xbf16>, vector<64x1536xf32> -> vector<64x1536xf32>
    %get3A_215 = arith.constant 13 : index
    %get3A_216 = arith.constant 0 : index
    %get3A_217 = vector.load %arg8[%get3A_215, %get3A_216] : memref<16x1536xf32, #tpu.memory_space<vmem>>, vector<1x1536xf32>
    %mul3A_218 = vector.broadcast %get3A_217 : vector<1x1536xf32> to vector<64x1536xf32>
    %mul3A_219 = arith.mulf %dot_general3A_214, %mul3A_218 : vector<64x1536xf32>
    %add3A_220 = arith.addf %add3A_207, %mul3A_219 : vector<64x1536xf32>
    %get3A_221 = arith.constant 14 : index
    %get3A_222 = arith.constant 0 : index
    %get3A_223 = arith.constant 0 : index
    %get3A_224 = vector.load %arg4[%get3A_221, %get3A_222, %get3A_223] : memref<16x64x64xbf16, #tpu.memory_space<vmem>>, vector<1x64x64xbf16>
    %get3A_225 = vector.shape_cast %get3A_224 : vector<1x64x64xbf16> to vector<64x64xbf16>
    %dot_general3A_226 = arith.constant dense<0.000000e+00> : vector<64x1536xf32>
    %dot_general3A_227 = tpu.matmul %get3A_225, %convert_element_type3A_38, %dot_general3A_226 {dimension_numbers = #tpu.dot_dimension_numbers<[1], [0], [0], [1], [0, 0, 1, 1], [], []>, transpose_lhs_hint = false} : vector<64x64xbf16>, vector<64x1536xbf16>, vector<64x1536xf32> -> vector<64x1536xf32>
    %get3A_228 = arith.constant 14 : index
    %get3A_229 = arith.constant 0 : index
    %get3A_230 = vector.load %arg8[%get3A_228, %get3A_229] : memref<16x1536xf32, #tpu.memory_space<vmem>>, vector<1x1536xf32>
    %mul3A_231 = vector.broadcast %get3A_230 : vector<1x1536xf32> to vector<64x1536xf32>
    %mul3A_232 = arith.mulf %dot_general3A_227, %mul3A_231 : vector<64x1536xf32>
    %add3A_233 = arith.addf %add3A_220, %mul3A_232 : vector<64x1536xf32>
    %get3A_234 = arith.constant 15 : index
    %get3A_235 = arith.constant 0 : index
    %get3A_236 = arith.constant 0 : index
    %get3A_237 = vector.load %arg4[%get3A_234, %get3A_235, %get3A_236] : memref<16x64x64xbf16, #tpu.memory_space<vmem>>, vector<1x64x64xbf16>
    %get3A_238 = vector.shape_cast %get3A_237 : vector<1x64x64xbf16> to vector<64x64xbf16>
    %dot_general3A_239 = arith.constant dense<0.000000e+00> : vector<64x1536xf32>
    %dot_general3A_240 = tpu.matmul %get3A_238, %convert_element_type3A_38, %dot_general3A_239 {dimension_numbers = #tpu.dot_dimension_numbers<[1], [0], [0], [1], [0, 0, 1, 1], [], []>, transpose_lhs_hint = false} : vector<64x64xbf16>, vector<64x1536xbf16>, vector<64x1536xf32> -> vector<64x1536xf32>
    %get3A_241 = arith.constant 15 : index
    %get3A_242 = arith.constant 0 : index
    %get3A_243 = vector.load %arg8[%get3A_241, %get3A_242] : memref<16x1536xf32, #tpu.memory_space<vmem>>, vector<1x1536xf32>
    %mul3A_244 = vector.broadcast %get3A_243 : vector<1x1536xf32> to vector<64x1536xf32>
    %mul3A_245 = arith.mulf %dot_general3A_240, %mul3A_244 : vector<64x1536xf32>
    %add3A_246 = arith.addf %add3A_233, %mul3A_245 : vector<64x1536xf32>
    %get3A_247 = arith.constant 0 : index
    %get3A_248 = arith.constant 0 : index
    %get3A_249 = vector.load %arg12[%get3A_247, %get3A_248] : memref<16x1536xf32, #tpu.memory_space<vmem>>, vector<16x1536xf32>
    %slice3A_250 = vector.extract_strided_slice %get3A_249 {offsets = [0, 0], sizes = [1, 1536], strides = [1, 1]} : vector<16x1536xf32> to vector<1x1536xf32>
    %get3A_251 = arith.constant 0 : index
    %get3A_252 = arith.constant 0 : index
    %get3A_253 = vector.load %arg8[%get3A_251, %get3A_252] : memref<16x1536xf32, #tpu.memory_space<vmem>>, vector<16x1536xf32>
    %mul3A_254 = vector.broadcast %slice3A_250 : vector<1x1536xf32> to vector<16x1536xf32>
    %mul3A_255 = arith.mulf %mul3A_254, %get3A_253 : vector<16x1536xf32>
    %slice3A_256 = vector.extract_strided_slice %get3A_249 {offsets = [1, 0], sizes = [1, 1536], strides = [1, 1]} : vector<16x1536xf32> to vector<1x1536xf32>
    %get3A_257 = arith.constant 0 : index
    %get3A_258 = arith.constant 0 : index
    %get3A_259 = vector.load %arg8[%get3A_257, %get3A_258] : memref<16x1536xf32, #tpu.memory_space<vmem>>, vector<16x1536xf32>
    %mul3A_260 = vector.broadcast %slice3A_256 : vector<1x1536xf32> to vector<16x1536xf32>
    %mul3A_261 = arith.mulf %mul3A_260, %get3A_259 : vector<16x1536xf32>
    %slice3A_262 = vector.extract_strided_slice %get3A_249 {offsets = [2, 0], sizes = [1, 1536], strides = [1, 1]} : vector<16x1536xf32> to vector<1x1536xf32>
    %get3A_263 = arith.constant 0 : index
    %get3A_264 = arith.constant 0 : index
    %get3A_265 = vector.load %arg8[%get3A_263, %get3A_264] : memref<16x1536xf32, #tpu.memory_space<vmem>>, vector<16x1536xf32>
    %mul3A_266 = vector.broadcast %slice3A_262 : vector<1x1536xf32> to vector<16x1536xf32>
    %mul3A_267 = arith.mulf %mul3A_266, %get3A_265 : vector<16x1536xf32>
    %slice3A_268 = vector.extract_strided_slice %get3A_249 {offsets = [3, 0], sizes = [1, 1536], strides = [1, 1]} : vector<16x1536xf32> to vector<1x1536xf32>
    %get3A_269 = arith.constant 0 : index
    %get3A_270 = arith.constant 0 : index
    %get3A_271 = vector.load %arg8[%get3A_269, %get3A_270] : memref<16x1536xf32, #tpu.memory_space<vmem>>, vector<16x1536xf32>
    %mul3A_272 = vector.broadcast %slice3A_268 : vector<1x1536xf32> to vector<16x1536xf32>
    %mul3A_273 = arith.mulf %mul3A_272, %get3A_271 : vector<16x1536xf32>
    %slice3A_274 = vector.extract_strided_slice %get3A_249 {offsets = [4, 0], sizes = [1, 1536], strides = [1, 1]} : vector<16x1536xf32> to vector<1x1536xf32>
    %get3A_275 = arith.constant 0 : index
    %get3A_276 = arith.constant 0 : index
    %get3A_277 = vector.load %arg8[%get3A_275, %get3A_276] : memref<16x1536xf32, #tpu.memory_space<vmem>>, vector<16x1536xf32>
    %mul3A_278 = vector.broadcast %slice3A_274 : vector<1x1536xf32> to vector<16x1536xf32>
    %mul3A_279 = arith.mulf %mul3A_278, %get3A_277 : vector<16x1536xf32>
    %slice3A_280 = vector.extract_strided_slice %get3A_249 {offsets = [5, 0], sizes = [1, 1536], strides = [1, 1]} : vector<16x1536xf32> to vector<1x1536xf32>
    %get3A_281 = arith.constant 0 : index
    %get3A_282 = arith.constant 0 : index
    %get3A_283 = vector.load %arg8[%get3A_281, %get3A_282] : memref<16x1536xf32, #tpu.memory_space<vmem>>, vector<16x1536xf32>
    %mul3A_284 = vector.broadcast %slice3A_280 : vector<1x1536xf32> to vector<16x1536xf32>
    %mul3A_285 = arith.mulf %mul3A_284, %get3A_283 : vector<16x1536xf32>
    %slice3A_286 = vector.extract_strided_slice %get3A_249 {offsets = [6, 0], sizes = [1, 1536], strides = [1, 1]} : vector<16x1536xf32> to vector<1x1536xf32>
    %get3A_287 = arith.constant 0 : index
    %get3A_288 = arith.constant 0 : index
    %get3A_289 = vector.load %arg8[%get3A_287, %get3A_288] : memref<16x1536xf32, #tpu.memory_space<vmem>>, vector<16x1536xf32>
    %mul3A_290 = vector.broadcast %slice3A_286 : vector<1x1536xf32> to vector<16x1536xf32>
    %mul3A_291 = arith.mulf %mul3A_290, %get3A_289 : vector<16x1536xf32>
    %slice3A_292 = vector.extract_strided_slice %get3A_249 {offsets = [7, 0], sizes = [1, 1536], strides = [1, 1]} : vector<16x1536xf32> to vector<1x1536xf32>
    %get3A_293 = arith.constant 0 : index
    %get3A_294 = arith.constant 0 : index
    %get3A_295 = vector.load %arg8[%get3A_293, %get3A_294] : memref<16x1536xf32, #tpu.memory_space<vmem>>, vector<16x1536xf32>
    %mul3A_296 = vector.broadcast %slice3A_292 : vector<1x1536xf32> to vector<16x1536xf32>
    %mul3A_297 = arith.mulf %mul3A_296, %get3A_295 : vector<16x1536xf32>
    %slice3A_298 = vector.extract_strided_slice %get3A_249 {offsets = [8, 0], sizes = [1, 1536], strides = [1, 1]} : vector<16x1536xf32> to vector<1x1536xf32>
    %get3A_299 = arith.constant 0 : index
    %get3A_300 = arith.constant 0 : index
    %get3A_301 = vector.load %arg8[%get3A_299, %get3A_300] : memref<16x1536xf32, #tpu.memory_space<vmem>>, vector<16x1536xf32>
    %mul3A_302 = vector.broadcast %slice3A_298 : vector<1x1536xf32> to vector<16x1536xf32>
    %mul3A_303 = arith.mulf %mul3A_302, %get3A_301 : vector<16x1536xf32>
    %slice3A_304 = vector.extract_strided_slice %get3A_249 {offsets = [9, 0], sizes = [1, 1536], strides = [1, 1]} : vector<16x1536xf32> to vector<1x1536xf32>
    %get3A_305 = arith.constant 0 : index
    %get3A_306 = arith.constant 0 : index
    %get3A_307 = vector.load %arg8[%get3A_305, %get3A_306] : memref<16x1536xf32, #tpu.memory_space<vmem>>, vector<16x1536xf32>
    %mul3A_308 = vector.broadcast %slice3A_304 : vector<1x1536xf32> to vector<16x1536xf32>
    %mul3A_309 = arith.mulf %mul3A_308, %get3A_307 : vector<16x1536xf32>
    %slice3A_310 = vector.extract_strided_slice %get3A_249 {offsets = [10, 0], sizes = [1, 1536], strides = [1, 1]} : vector<16x1536xf32> to vector<1x1536xf32>
    %get3A_311 = arith.constant 0 : index
    %get3A_312 = arith.constant 0 : index
    %get3A_313 = vector.load %arg8[%get3A_311, %get3A_312] : memref<16x1536xf32, #tpu.memory_space<vmem>>, vector<16x1536xf32>
    %mul3A_314 = vector.broadcast %slice3A_310 : vector<1x1536xf32> to vector<16x1536xf32>
    %mul3A_315 = arith.mulf %mul3A_314, %get3A_313 : vector<16x1536xf32>
    %slice3A_316 = vector.extract_strided_slice %get3A_249 {offsets = [11, 0], sizes = [1, 1536], strides = [1, 1]} : vector<16x1536xf32> to vector<1x1536xf32>
    %get3A_317 = arith.constant 0 : index
    %get3A_318 = arith.constant 0 : index
    %get3A_319 = vector.load %arg8[%get3A_317, %get3A_318] : memref<16x1536xf32, #tpu.memory_space<vmem>>, vector<16x1536xf32>
    %mul3A_320 = vector.broadcast %slice3A_316 : vector<1x1536xf32> to vector<16x1536xf32>
    %mul3A_321 = arith.mulf %mul3A_320, %get3A_319 : vector<16x1536xf32>
    %slice3A_322 = vector.extract_strided_slice %get3A_249 {offsets = [12, 0], sizes = [1, 1536], strides = [1, 1]} : vector<16x1536xf32> to vector<1x1536xf32>
    %get3A_323 = arith.constant 0 : index
    %get3A_324 = arith.constant 0 : index
    %get3A_325 = vector.load %arg8[%get3A_323, %get3A_324] : memref<16x1536xf32, #tpu.memory_space<vmem>>, vector<16x1536xf32>
    %mul3A_326 = vector.broadcast %slice3A_322 : vector<1x1536xf32> to vector<16x1536xf32>
    %mul3A_327 = arith.mulf %mul3A_326, %get3A_325 : vector<16x1536xf32>
    %slice3A_328 = vector.extract_strided_slice %get3A_249 {offsets = [13, 0], sizes = [1, 1536], strides = [1, 1]} : vector<16x1536xf32> to vector<1x1536xf32>
    %get3A_329 = arith.constant 0 : index
    %get3A_330 = arith.constant 0 : index
    %get3A_331 = vector.load %arg8[%get3A_329, %get3A_330] : memref<16x1536xf32, #tpu.memory_space<vmem>>, vector<16x1536xf32>
    %mul3A_332 = vector.broadcast %slice3A_328 : vector<1x1536xf32> to vector<16x1536xf32>
    %mul3A_333 = arith.mulf %mul3A_332, %get3A_331 : vector<16x1536xf32>
    %slice3A_334 = vector.extract_strided_slice %get3A_249 {offsets = [14, 0], sizes = [1, 1536], strides = [1, 1]} : vector<16x1536xf32> to vector<1x1536xf32>
    %get3A_335 = arith.constant 0 : index
    %get3A_336 = arith.constant 0 : index
    %get3A_337 = vector.load %arg8[%get3A_335, %get3A_336] : memref<16x1536xf32, #tpu.memory_space<vmem>>, vector<16x1536xf32>
    %mul3A_338 = vector.broadcast %slice3A_334 : vector<1x1536xf32> to vector<16x1536xf32>
    %mul3A_339 = arith.mulf %mul3A_338, %get3A_337 : vector<16x1536xf32>
    %slice3A_340 = vector.extract_strided_slice %get3A_249 {offsets = [15, 0], sizes = [1, 1536], strides = [1, 1]} : vector<16x1536xf32> to vector<1x1536xf32>
    %get3A_341 = arith.constant 0 : index
    %get3A_342 = arith.constant 0 : index
    %get3A_343 = vector.load %arg8[%get3A_341, %get3A_342] : memref<16x1536xf32, #tpu.memory_space<vmem>>, vector<16x1536xf32>
    %mul3A_344 = vector.broadcast %slice3A_340 : vector<1x1536xf32> to vector<16x1536xf32>
    %mul3A_345 = arith.mulf %mul3A_344, %get3A_343 : vector<16x1536xf32>
    %concatenate3A_346 = tpu.concatenate %mul3A_255, %mul3A_261, %mul3A_267, %mul3A_273, %mul3A_279, %mul3A_285, %mul3A_291, %mul3A_297, %mul3A_303, %mul3A_309, %mul3A_315, %mul3A_321, %mul3A_327, %mul3A_333, %mul3A_339, %mul3A_345 in 0 : vector<16x1536xf32>, vector<16x1536xf32>, vector<16x1536xf32>, vector<16x1536xf32>, vector<16x1536xf32>, vector<16x1536xf32>, vector<16x1536xf32>, vector<16x1536xf32>, vector<16x1536xf32>, vector<16x1536xf32>, vector<16x1536xf32>, vector<16x1536xf32>, vector<16x1536xf32>, vector<16x1536xf32>, vector<16x1536xf32>, vector<16x1536xf32> -> vector<256x1536xf32>
    %get3A_347 = arith.constant 0 : index
    %get3A_348 = arith.constant 0 : index
    %get3A_349 = vector.load %arg5[%get3A_347, %get3A_348] : memref<64x256xf32, #tpu.memory_space<vmem>>, vector<64x256xf32>
    %dot_general3A_350 = arith.constant dense<0.000000e+00> : vector<64x1536xf32>
    %dot_general3A_351 = tpu.matmul %get3A_349, %concatenate3A_346, %dot_general3A_350 {dimension_numbers = #tpu.dot_dimension_numbers<[1], [0], [0], [1], [0, 0, 1, 1], [], []>, transpose_lhs_hint = false} : vector<64x256xf32>, vector<256x1536xf32>, vector<64x1536xf32> -> vector<64x1536xf32>
    %add3A_352 = arith.addf %add3A_246, %dot_general3A_351 : vector<64x1536xf32>
    %get3A_353 = arith.constant 0 : index
    %get3A_354 = arith.constant 0 : index
    %get3A_355 = vector.load %arg7[%get3A_353, %get3A_354] : memref<16x16xf32, #tpu.memory_space<vmem>>, vector<16x16xf32>
    %dot_general3A_356 = arith.constant dense<0.000000e+00> : vector<16x1536xf32>
    %dot_general3A_357 = tpu.matmul %get3A_355, %get3A_249, %dot_general3A_356 {dimension_numbers = #tpu.dot_dimension_numbers<[1], [0], [0], [1], [0, 0, 1, 1], [], []>, transpose_lhs_hint = false} : vector<16x16xf32>, vector<16x1536xf32>, vector<16x1536xf32> -> vector<16x1536xf32>
    %get3A_358 = arith.constant 0 : index
    %get3A_359 = arith.constant 0 : index
    %get3A_360 = vector.load %arg6[%get3A_358, %get3A_359] : memref<64x16xf32, #tpu.memory_space<vmem>>, vector<64x16xf32>
    %dot_general3A_361 = arith.constant dense<0.000000e+00> : vector<16x1536xf32>
    %dot_general3A_362 = tpu.matmul %get3A_360, %add3A_34, %dot_general3A_361 {dimension_numbers = #tpu.dot_dimension_numbers<[0], [0], [1], [1], [0, 1, 1, 1], [], []>, transpose_lhs_hint = false} : vector<64x16xf32>, vector<64x1536xf32>, vector<16x1536xf32> -> vector<16x1536xf32>
    %add3A_363 = arith.addf %dot_general3A_357, %dot_general3A_362 : vector<16x1536xf32>
    %swap3A_364 = arith.constant 0 : index
    %swap3A_365 = arith.constant 0 : index
    %swap3A_366 = vector.load %arg12[%swap3A_364, %swap3A_365] : memref<16x1536xf32, #tpu.memory_space<vmem>>, vector<16x1536xf32>
    tpu.vector_store %arg12[%swap3A_364, %swap3A_365], %add3A_363 {strides = array<i32>} : memref<16x1536xf32, #tpu.memory_space<vmem>>, vector<16x1536xf32>,
    %convert_element_type3A_367 = arith.truncf %add3A_352 : vector<64x1536xf32> to vector<64x1536xbf16>
    %get3A_368 = arith.constant 0 : index
    %get3A_369 = arith.constant 0 : index
    %get3A_370 = vector.load %arg9[%get3A_368, %get3A_369] : memref<1536x768xbf16, #tpu.memory_space<vmem>>, vector<1536x768xbf16>
    %dot_general3A_371 = arith.constant dense<0.000000e+00> : vector<64x768xf32>
    %dot_general3A_372 = tpu.matmul %convert_element_type3A_367, %get3A_370, %dot_general3A_371 {dimension_numbers = #tpu.dot_dimension_numbers<[1], [0], [0], [1], [0, 0, 1, 1], [], []>, transpose_lhs_hint = false} : vector<64x1536xbf16>, vector<1536x768xbf16>, vector<64x768xf32> -> vector<64x768xf32>
    %get3A_373 = arith.constant 0 : index
    %get3A_374 = arith.constant 0 : index
    %get3A_375 = vector.load %arg10[%get3A_373, %get3A_374] : memref<1x768xf32, #tpu.memory_space<vmem>>, vector<1x768xf32>
    %add3A_376 = vector.broadcast %get3A_375 : vector<1x768xf32> to vector<64x768xf32>
    %add3A_377 = arith.addf %dot_general3A_372, %add3A_376 : vector<64x768xf32>
    %get3A_378 = arith.constant 0 : index
    %get3A_379 = arith.constant 0 : index
    %get3A_380 = vector.load %arg2[%get3A_378, %get3A_379] : memref<64x768xf32, #tpu.memory_space<vmem>>, vector<64x768xf32>
    %add3A_381 = arith.addf %add3A_377, %get3A_380 : vector<64x768xf32>
    %swap3A_382 = arith.constant 0 : index
    %swap3A_383 = arith.constant 0 : index
    %swap3A_384 = vector.load %arg11[%swap3A_382, %swap3A_383] : memref<64x768xf32, #tpu.memory_space<vmem>>, vector<64x768xf32>
    tpu.vector_store %arg11[%swap3A_382, %swap3A_383], %add3A_381 {strides = array<i32>} : memref<64x768xf32, #tpu.memory_space<vmem>>, vector<64x768xf32>,
    return
  }
  func.func @transform_0(%arg0: i32) -> (i32, i32) {
    %c0_i32 = arith.constant 0 : i32
    %c0_i32_0 = arith.constant 0 : i32
    return %arg0, %c0_i32 : i32, i32
  }
  func.func @transform_1(%arg0: i32) -> (i32, i32) {
    %c0_i32 = arith.constant 0 : i32
    %c0_i32_0 = arith.constant 0 : i32
    return %arg0, %c0_i32 : i32, i32
  }
  func.func @transform_2(%arg0: i32) -> (i32, i32) {
    %c0_i32 = arith.constant 0 : i32
    %c0_i32_0 = arith.constant 0 : i32
    %c0_i32_1 = arith.constant 0 : i32
    return %c0_i32, %c0_i32_0 : i32, i32
  }
  func.func @transform_3(%arg0: i32) -> (i32, i32, i32) {
    %c0_i32 = arith.constant 0 : i32
    %c0_i32_0 = arith.constant 0 : i32
    %c0_i32_1 = arith.constant 0 : i32
    %c0_i32_2 = arith.constant 0 : i32
    return %c0_i32, %c0_i32_0, %c0_i32_1 : i32, i32, i32
  }
  func.func @transform_4(%arg0: i32) -> (i32, i32) {
    %c0_i32 = arith.constant 0 : i32
    %c0_i32_0 = arith.constant 0 : i32
    %c0_i32_1 = arith.constant 0 : i32
    return %c0_i32, %c0_i32_0 : i32, i32
  }
  func.func @transform_5(%arg0: i32) -> (i32, i32) {
    %c0_i32 = arith.constant 0 : i32
    %c0_i32_0 = arith.constant 0 : i32
    %c0_i32_1 = arith.constant 0 : i32
    return %c0_i32, %c0_i32_0 : i32, i32
  }
  func.func @transform_6(%arg0: i32) -> (i32, i32) {
    %c0_i32 = arith.constant 0 : i32
    %c0_i32_0 = arith.constant 0 : i32
    %c0_i32_1 = arith.constant 0 : i32
    return %c0_i32, %c0_i32_0 : i32, i32
  }
  func.func @transform_7(%arg0: i32) -> (i32, i32) {
    %c0_i32 = arith.constant 0 : i32
    %c0_i32_0 = arith.constant 0 : i32
    %c0_i32_1 = arith.constant 0 : i32
    return %c0_i32, %c0_i32_0 : i32, i32
  }
  func.func @transform_8(%arg0: i32) -> (i32, i32) {
    %c0_i32 = arith.constant 0 : i32
    %c0_i32_0 = arith.constant 0 : i32
    %c0_i32_1 = arith.constant 0 : i32
    return %c0_i32, %c0_i32_0 : i32, i32
  }
  func.func @transform_9(%arg0: i32) -> (i32, i32) {
    %c0_i32 = arith.constant 0 : i32
    %c0_i32_0 = arith.constant 0 : i32
    %c0_i32_1 = arith.constant 0 : i32
    return %c0_i32, %c0_i32_0 : i32, i32
  }
  func.func @transform_10(%arg0: i32) -> (i32, i32) {
    %c0_i32 = arith.constant 0 : i32
    %c0_i32_0 = arith.constant 0 : i32
    return %arg0, %c0_i32 : i32, i32
  }
}

</mosaic_0001>

<sc_bundles>
// kernel: kernel.11.cloned.1.call-start
scs
__scs_entry_jumppad:
0x0: {  	(pc) =	sbr.rel $0x88, $3  }
0x1: {  	(tag) =	ssettag $0x0;
	lr =	simm.s32 $0x1  }
0x2: {  	[smem:$0x3F97] =	sst lr;
	_ =	strace $0xD0000000  }
0x3: {  	_ = 	snop  }
0x4: {  	_ = 	snop  }
0x5: {  	_ = 	snop  }
0x6: {  	_ = 	snop  }
0x7: {  	_ = 	snop  }
__scs_overlays_trampoline_lowered:
0x8: {  	[smem:$0x3FA6] =	sst s0  }
0x9: {  	[smem:$0x3FA7] =	sst s1  }
0xa: {  	[smem:$0x3FA8] =	sst s2  }
0xb: {  	[smem:$0x3FA9] =	sst s3  }
0xc: {  	[smem:$0x3FAA] =	sst s4  }
0xd: {  	[smem:$0x3FAB] =	sst s5  }
0xe: {  	[smem:$0x3FAC] =	sst s6  }
0xf: {  	[smem:$0x3FAD] =	sst s7  }
0x10: {  	[smem:$0x3FAE] =	sst s8  }
0x11: {  	[smem:$0x3FAF] =	sst s9;
	s0 =	simm.s32 @!p0 $0x0  }
0x12: {  	s1 =	sld [smem:$0x3F95];
	s0 =	simm.s32 @p0 $0x1  }
0x13: {  	[smem:$0x3FB0] =	sst s0;
	s0 =	simm.s32 @!p1 $0x0  }
0x14: {  	s2 =	sld [smem:$0x3F94];
	s0 =	simm.s32 @p1 $0x1  }
0x15: {  	[smem:$0x3FB1] =	sst s0;
	s0 =	simm.s32 @!p2 $0x0  }
0x16: {  	s3 =	sld [smem:$0x3FDB];
	s0 =	simm.s32 @p2 $0x1  }
0x17: {  	s4 =	simm.s32 $0x1BF5;
	[smem:$0x3FB3] =	sst s0  }
0x18: {  	s0 =	sld [smem:$0x3F96];
	_ =	swait.ge [sflag:s4], $0x0  }
0x19: {  	s7 =	sld [smem:$0x3F97]  }
0x1a: {  	s8 =	sadd.s32 $0xFFFFE003, lr  }
0x1b: {  	s9 =	sadd.s32 $0xFFFFFEF7, lr;
	s5 =	simm.s32 $0xFFFFFFFF;
	p2 =	slt.u32 s8, $0xFFFFF086  }
0x1c: {  	p1 =	slt.u32 s9, $0xF7A;
	s5 =	simm.s32 @!p2 $0x0  }
0x1d: {  	s5 =	simm.s32 @p1 $0x1;
	p0 =	seq.s32 s7, s2  }
0x1e: {  	s7 =	smul.u32 @!p0 $0xF7A, s2;
	p2 =	seq.s32 @!p0 s5, $0x0  }
0x1f: {  	s9 =	smul.u32 $0xF7A, s1;
	s8 =	simm.s32 @!p0 $0x1BF5;
	p2 =	por !p2, p0  }
0x20: {  	[sflag:s8] =	ssyncset.s32 @!p0 $0xFFFFF086;
	s6 =	sadd.s32 @!p0 s3, s7;
	s7 =	simm.s32 @!p0 $0x108  }
0x21: {  	s3 =	sadd.s32 s3, s9;
	s6 =	sadd.s32 @!p0 $0x88, s6;
	s7 =	simm.s32 @p2 $0x1082  }
0x22: {  	[simem:s7], [sflag:s8] =	dma.local @!p0 [hbm:s6], $0xF7A  }
0x23: {  	s9 =	sor.u32 $0xD0000000, s2;
	s6 =	simm.s32 $0x108;
	_ =	swait.ge @!p0 [sflag:s8], $0x0  }
0x24: {  	s3 =	sadd.s32 $0x88, s3;
	s6 =	simm.s32 @!p1 $0x1082;
	[sflag:s4] =	ssyncset.s32 $0xFFFFF086  }
0x25: {  	[simem:s6], [sflag:s4] =	dma.local [hbm:s3], $0xF7A  }
0x26: {  	[smem:$0x3F97] =	sst s1;
	(tag) =	ssettag s2;
	_ =	strace s9  }
0x27: {  	s1 =	sld [smem:$0x3FA7]  }
0x28: {  	s2 =	sld [smem:$0x3FA8]  }
0x29: {  	s4 =	sld [smem:$0x3FAA]  }
0x2a: {  	p0 =	seq.s32 s5, $0x0;
	s5 =	sld [smem:$0x3FAB]  }
0x2b: {  	s6 =	sld [smem:$0x3FAC]  }
0x2c: {  	s7 =	sld [smem:$0x3FAD]  }
0x2d: {  	s3 =	simm.s32 $0x108;
	s8 =	sld [smem:$0x3FAE]  }
0x2e: {  	s3 =	simm.s32 @!p0 $0x1082;
	s9 =	sld [smem:$0x3FAF]  }
0x2f: {  	lr =	sadd.s32 s0, s3;
	s0 =	sld [smem:$0x3FA6]  }
0x30: {  	s3 =	sld [smem:$0x3FA9]  }
0x31: {  	[smem:$0x3FB2] =	sst s10  }
0x32: {  	s10 =	sld [smem:$0x3FB0];
	_ =	sdelay $0x3  }
0x33: {  	p0 =	seq.s32 s10, $0x1;
	s10 =	sld [smem:$0x3FB2];
	_ =	sdelay $0x3  }
0x34: {  	[smem:$0x3FB2] =	sst s10  }
0x35: {  	s10 =	sld [smem:$0x3FB1];
	_ =	sdelay $0x3  }
0x36: {  	p1 =	seq.s32 s10, $0x1;
	s10 =	sld [smem:$0x3FB2];
	_ =	sdelay $0x3  }
0x37: {  	[smem:$0x3FB2] =	sst s10  }
0x38: {  	s10 =	sld [smem:$0x3FB3]  }
0x39: {  	_ = 	snop;
	(pc) =	sbr.ind lr, $3  }
0x3a: {  	_ = 	snop  }
0x3b: {  	_ = 	snop  }
0x3c: {  	p2 =	seq.s32 s10, $0x1;
	s10 =	sld [smem:$0x3FB2]  }
0x3d: {  	_ =	shalt  }
0x3e: {  	_ =	shalt  }
0x3f: {  	_ =	shalt  }
0x40: {  	_ =	shalt  }
0x41: {  	_ =	shalt  }
0x42: {  	_ =	shalt  }
0x43: {  	_ =	shalt  }
0x44: {  	_ =	shalt  }
0x45: {  	_ =	shalt  }
0x46: {  	_ =	shalt  }
0x47: {  	_ =	shalt  }
0x48: {  	_ =	shalt  }
0x49: {  	_ =	shalt  }
0x4a: {  	_ =	shalt  }
0x4b: {  	_ =	shalt  }
0x4c: {  	_ =	shalt  }
0x4d: {  	_ =	shalt  }
0x4e: {  	_ =	shalt  }
0x4f: {  	_ =	shalt  }
0x50: {  	_ =	shalt  }
0x51: {  	_ =	shalt  }
0x52: {  	_ =	shalt  }
0x53: {  	_ =	shalt  }
0x54: {  	_ =	shalt  }
0x55: {  	_ =	shalt  }
0x56: {  	_ =	shalt  }
0x57: {  	_ =	shalt  }
0x58: {  	_ =	shalt  }
0x59: {  	_ =	shalt  }
0x5a: {  	_ =	shalt  }
0x5b: {  	_ =	shalt  }
0x5c: {  	_ =	shalt  }
0x5d: {  	_ =	shalt  }
0x5e: {  	_ =	shalt  }
0x5f: {  	_ =	shalt  }
0x60: {  	_ =	shalt  }
0x61: {  	_ =	shalt  }
0x62: {  	_ =	shalt  }
0x63: {  	_ =	shalt  }
0x64: {  	_ =	shalt  }
0x65: {  	_ =	shalt  }
0x66: {  	_ =	shalt  }
0x67: {  	_ =	shalt  }
0x68: {  	_ =	shalt  }
0x69: {  	_ =	shalt  }
0x6a: {  	_ =	shalt  }
0x6b: {  	_ =	shalt  }
0x6c: {  	_ =	shalt  }
0x6d: {  	_ =	shalt  }
0x6e: {  	_ =	shalt  }
0x6f: {  	_ =	shalt  }
0x70: {  	_ =	shalt  }
0x71: {  	_ =	shalt  }
0x72: {  	_ =	shalt  }
0x73: {  	_ =	shalt  }
0x74: {  	_ =	shalt  }
0x75: {  	_ =	shalt  }
0x76: {  	_ =	shalt  }
0x77: {  	_ =	shalt  }
0x78: {  	_ =	shalt  }
0x79: {  	_ =	shalt  }
0x7a: {  	_ =	shalt  }
0x7b: {  	_ =	shalt  }
0x7c: {  	_ =	shalt  }
0x7d: {  	_ =	shalt  }
0x7e: {  	_ =	shalt  }
0x7f: {  	_ =	shalt  }
0x80: {  	_ =	shalt  }
0x81: {  	_ =	shalt  }
0x82: {  	_ =	shalt  }
0x83: {  	_ =	shalt  }
0x84: {  	_ =	shalt  }
0x85: {  	_ =	shalt  }
0x86: {  	_ =	shalt  }
0x87: {  	_ =	shalt  }
.Lfunc_end0:
.L_simem_size_0:
called_computation.1_lowered:
.L_overlay_start_0:
0x88: {  	s2 =	sld [smem:$0x3FD9]  }
0x89: {  	s3 =	sld [smem:$0x3FFE];
	_ =	sdelay $0x1  }
0x8a: {  	s1 =	srdreg.scid  }
0x8b: {  	s0 =	sand.u32 $0x1, s1  }
0x8c: {  	s17 =	sshll.u32 s0, $0xA;
	s2 =	sadd.s32 s3, s2  }
0x8d: {  	s2 =	sadd.s32 s2, s17  }
0x8e: {  	[smem:$0x3FBE] =	sst s2  }
0x8f: {  	_ = 	snop  }
0x90: {  	s2 =	sld [smem:$0x3FD0];
	(tm) =	ssettm $0x1  }
0x91: {  	s18 =	sld [smem:$0x3FFB];
	_ =	sdelay $0x3  }
0x92: {  	_ =	strace s18  }
0x93: {  	s3 =	sld [smem:$0x3FFC];
	_ =	sdelay $0x3  }
0x94: {  	_ =	strace s3  }
0x95: {  	s3 =	sld [smem:$0x3FFD];
	_ =	sdelay $0x3  }
0x96: {  	_ =	strace s3  }
0x97: {  	_ =	strace $0x8FFFFFFF  }
0x98: {  	s19 =	sld [smem:$0x3FDB];
	_ =	sdelay $0x1  }
0x99: {  	s4 =	simm.s32 $_scs_section_size  }
0x9a: {  	s5 =	simm.s32 $_size__tile_overlayer_lowered;
	s6 =	simm.s32 $_tile_overlayer_lowered  }
0x9b: {  	s22 =	simm.s32 $0x1BFF;
	s21 =	sshll.u32 s6, $0x1;
	s3 =	sadd.s32 s4, s19  }
0x9c: {  	s7 =	simm.s32 $0x0;
	s20 =	sshll.u32 s5, $0x1;
	s5 =	sadd.s32 s21, s3  }
0x9d: {  	[timem:s7], [sflag:s22] =	dma.local [hbm:s5], s20  }
0x9e: {  	_ =	swait.ge [sflag:s22], s20  }
0x9f: {  	s4 =	ssub.s32 $0x0, s20;
	[sflag:s22] =	ssyncset.done $0x0  }
0xa0: {  	[sflag:s22] =	ssyncadd.s32 s4;
	_ =	sdelay $0x1  }
0xa1: {  	s23 =	simm.s32 $0x1B8B  }
0xa2: {  	_ =	swait.ge [sflag:s23], $0x1  }
0xa3: {  	[sflag:s23] =	ssyncset.done $0x0  }
0xa4: {  	s25 =	simm.s32 $0x1B8E;
	s24 =	sld [smem:$0x3FFE];
	[sflag:s23] =	ssyncadd.s32 $0xFFFFFFFF  }
0xa5: {  	s26 =	simm.s32 $execute0_lowered;
	[smem:$0x3FD2] =	sst s25  }
0xa6: {  	s5 =	sshll.u32 s26, $0x1;
	_ =	strace $0x80000049;
	[dreg:$0x1] =	wrdreg $0xFFFFFFFF  }
0xa7: {  	s28 =	simm.s32 $_size_execute0_lowered;
	s3 =	sadd.s32 s3, s5;
	[dreg:$0x0] =	wrdreg $0x0  }
0xa8: {  	s5 =	sshll.u32 s28, $0x1;
	[dreg:$0x2] =	wrdreg s3  }
0xa9: {  	[dreg:$0x3] =	wrdreg s5  }
0xaa: {  	[dreg:$0x4] =	wrdreg $0xC0  }
0xab: {  	_ =	task [dreg:s7], $0x5FFFF  }
0xac: {  	[dreg:$0x1] =	wrdreg $0xFFFFFFFF  }
0xad: {  	[dreg:$0x0] =	wrdreg $0x60  }
0xae: {  	[dreg:$0x2] =	wrdreg s24  }
0xaf: {  	[dreg:$0x3] =	wrdreg s2  }
0xb0: {  	[dreg:$0x4] =	wrdreg $0x9  }
0xb1: {  	_ =	task.clear_ibuf [dreg:s7], $0x5FFFF;
	_ =	strace $0x90000049  }
0xb2: {  	s29 =	simm.s32 $0x9;
	_ =	strace $0x8000004B  }
0xb3: {  	_ =	swait.ge [sflag:s29], $0x1  }
0xb4: {  	[sflag:s29] =	ssyncadd.s32 $0xFFFFFFFF  }
0xb5: {  	_ =	strace $0x9000004B  }
0xb6: {  	_ =	sfence  }
0xb7: {  	s30 =	sld [smem:$0x0];
	_ =	sdelay $0x2  }
0xb8: {  	s31 =	sshll.u32 s1, $0xD;
	s1 =	sshrl.u32 s1, $0x2  }
0xb9: {  	s3 =	sand.u32 $0x4000, s31;
	s1 =	sadd.s32 s1, s30  }
0xba: {  	s0 =	sor.u32 s3, s0;
	s1 =	sshll.u32 s1, $0x11  }
0xbb: {  	s0 =	sor.u32 s1, s0  }
0xbc: {  	s0 =	sadd.s32 $0x8F2B, s0  }
0xbd: {  	[sflag:s0] =	ssyncadd.remote.s32 $0x1  }
0xbe: {  	_ =	sfence.sel $0xFFFF  }
0xbf: {  	[dreg:$0x0] =	wrdreg $0xFFFFFFFF;
	(pc) =	sbr.abs _section_cstart, $3  }
0xc0: {  	[dreg:$0x1] =	wrdreg $0xFFFFFFFF  }
0xc1: {  	_ =	task.clear_ibuf [dreg:s7], $0x2FFFF;
	_ =	strace $0x9FFFFFFF  }
0xc2: {  	(tm) =	ssettm $0x7FFFFFFF  }
0xc3: {  	_ =	shalt  }
tec
execute0_lowered:
.L_overlay_start_1:
0x0: {  	(tag) =	ssettag $0x1  }
0x1: {  	s0 =	rddreg [dreg:$0x0]  }
0x2: {  	s1 =	rddreg [dreg:$0x1];
	s2 =	simm.s32 $0x0;
	s3 =	srdreg.scid  }
0x3: {  	s4 =	stileid.u32;
	s11 =	simm.s32 $0x2;
	s13 =	simm.s32 $0x900  }
0x4: {  	s14 =	simm.s32 $0x1100;
	s15 =	simm.s32 $0x1900;
	s16 =	simm.s32 $0x2100  }
0x5: {  	s17 =	simm.s32 $0x2900;
	s18 =	simm.s32 $0x3100;
	s19 =	simm.s32 $0x3900  }
0x6: {  	s28 =	simm.s32 $0x7900;
	s29 =	simm.s32 $0x8100;
	s30 =	simm.s32 $0x8900  }
0x7: {  	s31 =	simm.s32 $0x9100;
	[smem:$0x7FF] =	sst s2;
	s3 =	sand.u32 $0x1, s3  }
0x8: {  	s4 =	sshll.u32 s4, $0x6;
	s6 =	sadd.s32 $0x181400, s0;
	s5 =	sshll.u32 s3, $0x5  }
0x9: {  	_ =	strace $0x8000004A;
	s7 =	ssub.s32 $0x2, s3;
	s4 =	sor.u32 s5, s4  }
0xa: {  	s3 =	sadd.s32 $0x1400, s0;
	s9 =	sshrl.u32 s7, $0x1;
	s20 =	sadd.s32 s6, s4  }
0xb: {  	s5 =	sor.u32 $0x8, s4;
	s8 =	smul.u32 $0x300, s4;
	s23 =	sor.u32 $0x10, s4  }
0xc: {  	s7 =	ssub.s32 s7, s9;
	s4 =	sor.u32 $0x18, s4;
	s9 =	simm.s32 $0xB100  }
0xd: {  	[dreg:$0x3] =	wrdreg s20;
	s21 =	sadd.s32 s6, s5;
	s5 =	smul.u32 $0x300, s5  }
0xe: {  	s10 =	sadd.s32 s6, s23;
	s24 =	sadd.s32 s6, s4;
	s25 =	smul.u32 $0x300, s4  }
0xf: {  	s4 =	sadd.s32 $0x1500, s0;
	s6 =	smax.u32 s7, $0x1;
	[dreg:$0x4] =	wrdreg s21  }
0x10: {  	s7 =	simm.s32 $0x3;
	s20 =	simm.s32 $0x4100;
	[dreg:$0x6] =	wrdreg s10  }
0x11: {  	s22 =	sadd.s32 s1, s8;
	s8 =	smul.u32 $0x300, s23;
	[dreg:$0x8] =	wrdreg s24  }
0x12: {  	s21 =	simm.s32 $0x4900;
	s23 =	simm.s32 $0x5900;
	s24 =	simm.s32 $0x6100  }
0x13: {  	[dreg:$0x5] =	wrdreg s22;
	s5 =	sadd.s32 s1, s5;
	s26 =	sadd.s32 s1, s25  }
0x14: {  	v2 =	vlaneseq.u32;
	s22 =	simm.s32 $0x5100;
	s25 =	simm.s32 $0x6900;
	[dreg:$0x7] =	wrdreg s5  }
0x15: {  	vm0 =	vmmov $0xffff;
	v1 =	vshrl.u32 v2, $0x3;
	s8 =	sadd.s32 s1, s8;
	s5 =	sadd.s32 $0x1600, s0;
	[dreg:$0xa] =	wrdreg s26  }
0x16: {  	v0 =	vand.u32 $0x7, v2;
	v2 =	vor.u32 $0x8, v2;
	v1 =	vmul.u32 $0x8, v1;
	s26 =	simm.s32 $0x7100;
	[dreg:$0x9] =	wrdreg s8;
	s8 =	simm.s32 $0x1  }
.LBB2_1:
0x17: {  	s12 =	rddreg [dreg:$0x3]  }
0x18: {  	[tilespmem:s2], [sflag:$0x3] =	stream.linear.gather [hbm4b:s12+s2], $0x40, $0x38;
	[tilespmem:$0x18100] =	vst v63  }
0x19: {  	_ =	swait.ge [sflag:s7], $0x40  }
0x1a: {  	[sflag:s7] =	ssyncset.done $0x0  }
0x1b: {  	[sflag:s7] =	ssyncadd.s32 $0xFFFFFFC0  }
0x1c: {  	v3 =	vld [tilespmem:$0x0];
	_ =	sdelay $0x4  }
0x1d: {  	v4 =	vshrl.u32 v3, $0x3  }
0x1e: {  	v4 =	vmul.u32 $0x30, v4  }
0x1f: {  	v3 =	vand.u32 $0x7, v3  }
0x20: {  	v3 =	vor.u32 v3, v4  }
0x21: {  	v4 =	vperm.xlane v3, v0;
	_ =	sdelay $0x1  }
0x22: {  	v4 =	vadd.s32 v1, v4;
	_ =	sdelay $0x3  }
0x23: {  	s0 =	simm.s32 $0x100;
	v3 =	vperm.xlane v3, v2  }
0x24: {  	[tilespmem:s0], [sflag:$0x1] =	stream.indirect_vreg.gather [hbm4b:s3+s2], $0x80, v4, vm0, $0xb8;
	[tilespmem:$0x18100] =	vst v63  }
0x25: {  	v3 =	vadd.s32 v1, v3  }
0x26: {  	[tilespmem:s13], [sflag:$0x1] =	stream.indirect_vreg.gather [hbm4b:s4+s2], $0x80, v4, vm0, $0xb8;
	[tilespmem:$0x18100] =	vst v63  }
0x27: {  	_ = 	snop  }
0x28: {  	[tilespmem:s14], [sflag:$0x1] =	stream.indirect_vreg.gather [hbm4b:s5+s2], $0x80, v4, vm0, $0xb8;
	[tilespmem:$0x18100] =	vst v63  }
0x29: {  	_ = 	snop  }
0x2a: {  	[tilespmem:s15], [sflag:$0x1] =	stream.indirect_vreg.gather [hbm4b:s3+s2], $0x80, v3, vm0, $0xb8;
	[tilespmem:$0x18100] =	vst v63  }
0x2b: {  	_ = 	snop  }
0x2c: {  	[tilespmem:s16], [sflag:$0x1] =	stream.indirect_vreg.gather [hbm4b:s4+s2], $0x80, v3, vm0, $0xb8;
	[tilespmem:$0x18100] =	vst v63  }
0x2d: {  	_ = 	snop  }
0x2e: {  	[tilespmem:s17], [sflag:$0x1] =	stream.indirect_vreg.gather [hbm4b:s5+s2], $0x80, v3, vm0, $0xb8;
	[tilespmem:$0x18100] =	vst v63  }
0x2f: {  	v3 =	vld [tilespmem:$0x10];
	_ =	sdelay $0x4  }
0x30: {  	v49 =	vshrl.u32 v3, $0x3  }
0x31: {  	v4 =	vmul.u32 $0x30, v49  }
0x32: {  	v3 =	vand.u32 $0x7, v3  }
0x33: {  	v3 =	vor.u32 v3, v4  }
0x34: {  	v4 =	vperm.xlane v3, v0;
	_ =	sdelay $0x1  }
0x35: {  	v4 =	vadd.s32 v1, v4;
	_ =	sdelay $0x3  }
0x36: {  	v3 =	vperm.xlane v3, v2  }
0x37: {  	[tilespmem:s18], [sflag:$0x1] =	stream.indirect_vreg.gather [hbm4b:s3+s2], $0x80, v4, vm0, $0xb8;
	[tilespmem:$0x18100] =	vst v63  }
0x38: {  	v3 =	vadd.s32 v1, v3  }
0x39: {  	[tilespmem:s19], [sflag:$0x1] =	stream.indirect_vreg.gather [hbm4b:s4+s2], $0x80, v4, vm0, $0xb8;
	[tilespmem:$0x18100] =	vst v63  }
0x3a: {  	_ = 	snop  }
0x3b: {  	[tilespmem:s20], [sflag:$0x1] =	stream.indirect_vreg.gather [hbm4b:s5+s2], $0x80, v4, vm0, $0xb8;
	[tilespmem:$0x18100] =	vst v63  }
0x3c: {  	_ = 	snop  }
0x3d: {  	[tilespmem:s21], [sflag:$0x1] =	stream.indirect_vreg.gather [hbm4b:s3+s2], $0x80, v3, vm0, $0xb8;
	[tilespmem:$0x18100] =	vst v63  }
0x3e: {  	_ = 	snop  }
0x3f: {  	[tilespmem:s22], [sflag:$0x1] =	stream.indirect_vreg.gather [hbm4b:s4+s2], $0x80, v3, vm0, $0xb8;
	[tilespmem:$0x18100] =	vst v63  }
0x40: {  	_ = 	snop  }
0x41: {  	[tilespmem:s23], [sflag:$0x1] =	stream.indirect_vreg.gather [hbm4b:s5+s2], $0x80, v3, vm0, $0xb8;
	[tilespmem:$0x18100] =	vst v63  }
0x42: {  	v3 =	vld [tilespmem:$0x20];
	_ =	sdelay $0x4  }
0x43: {  	v50 =	vshrl.u32 v3, $0x3  }
0x44: {  	v4 =	vmul.u32 $0x30, v50  }
0x45: {  	v3 =	vand.u32 $0x7, v3  }
0x46: {  	v3 =	vor.u32 v3, v4  }
0x47: {  	v4 =	vperm.xlane v3, v0;
	_ =	sdelay $0x1  }
0x48: {  	v4 =	vadd.s32 v1, v4;
	_ =	sdelay $0x3  }
0x49: {  	v3 =	vperm.xlane v3, v2  }
0x4a: {  	[tilespmem:s24], [sflag:$0x1] =	stream.indirect_vreg.gather [hbm4b:s3+s2], $0x80, v4, vm0, $0xb8;
	[tilespmem:$0x18100] =	vst v63  }
0x4b: {  	v3 =	vadd.s32 v1, v3  }
0x4c: {  	[tilespmem:s25], [sflag:$0x1] =	stream.indirect_vreg.gather [hbm4b:s4+s2], $0x80, v4, vm0, $0xb8;
	[tilespmem:$0x18100] =	vst v63  }
0x4d: {  	_ = 	snop  }
0x4e: {  	[tilespmem:s26], [sflag:$0x1] =	stream.indirect_vreg.gather [hbm4b:s5+s2], $0x80, v4, vm0, $0xb8;
	[tilespmem:$0x18100] =	vst v63  }
0x4f: {  	_ = 	snop  }
0x50: {  	[tilespmem:s28], [sflag:$0x1] =	stream.indirect_vreg.gather [hbm4b:s3+s2], $0x80, v3, vm0, $0xb8;
	[tilespmem:$0x18100] =	vst v63  }
0x51: {  	_ = 	snop  }
0x52: {  	[tilespmem:s29], [sflag:$0x1] =	stream.indirect_vreg.gather [hbm4b:s4+s2], $0x80, v3, vm0, $0xb8;
	[tilespmem:$0x18100] =	vst v63  }
0x53: {  	_ = 	snop  }
0x54: {  	[tilespmem:s30], [sflag:$0x1] =	stream.indirect_vreg.gather [hbm4b:s5+s2], $0x80, v3, vm0, $0xb8;
	[tilespmem:$0x18100] =	vst v63  }
0x55: {  	v3 =	vld [tilespmem:$0x30];
	_ =	sdelay $0x4  }
0x56: {  	v51 =	vshrl.u32 v3, $0x3  }
0x57: {  	v4 =	vmul.u32 $0x30, v51  }
0x58: {  	v3 =	vand.u32 $0x7, v3  }
0x59: {  	v3 =	vor.u32 v3, v4  }
0x5a: {  	v4 =	vperm.xlane v3, v0;
	_ =	sdelay $0x1  }
0x5b: {  	v4 =	vadd.s32 v1, v4;
	_ =	sdelay $0x3  }
0x5c: {  	v3 =	vperm.xlane v3, v2  }
0x5d: {  	[tilespmem:s31], [sflag:$0x1] =	stream.indirect_vreg.gather [hbm4b:s3+s2], $0x80, v4, vm0, $0xb8;
	[tilespmem:$0x18100] =	vst v63  }
0x5e: {  	s1 =	simm.s32 $0x9900;
	v3 =	vadd.s32 v1, v3  }
0x5f: {  	[tilespmem:s1], [sflag:$0x1] =	stream.indirect_vreg.gather [hbm4b:s4+s2], $0x80, v4, vm0, $0xb8;
	[tilespmem:$0x18100] =	vst v63  }
0x60: {  	s10 =	simm.s32 $0xA100  }
0x61: {  	[tilespmem:s10], [sflag:$0x1] =	stream.indirect_vreg.gather [hbm4b:s5+s2], $0x80, v4, vm0, $0xb8;
	[tilespmem:$0x18100] =	vst v63  }
0x62: {  	s12 =	simm.s32 $0xA900  }
0x63: {  	[tilespmem:s12], [sflag:$0x1] =	stream.indirect_vreg.gather [hbm4b:s3+s2], $0x80, v3, vm0, $0xb8;
	[tilespmem:$0x18100] =	vst v63  }
0x64: {  	_ = 	snop  }
0x65: {  	[tilespmem:s9], [sflag:$0x1] =	stream.indirect_vreg.gather [hbm4b:s4+s2], $0x80, v3, vm0, $0xb8;
	[tilespmem:$0x18100] =	vst v63  }
0x66: {  	s1 =	simm.s32 $0xB900  }
0x67: {  	[tilespmem:s1], [sflag:$0x1] =	stream.indirect_vreg.gather [hbm4b:s5+s2], $0x80, v3, vm0, $0xb8;
	[tilespmem:$0x18100] =	vst v63  }
0x68: {  	s0 =	rddreg [dreg:$0x4];
	s10 =	simm.s32 $0x80  }
0x69: {  	[tilespmem:s10], [sflag:$0x3] =	stream.linear.gather [hbm4b:s0+s2], $0x40, $0x38;
	[tilespmem:$0x18100] =	vst v63  }
0x6a: {  	_ =	swait.ge [sflag:s7], $0x40  }
0x6b: {  	[sflag:s7] =	ssyncset.done $0x0  }
0x6c: {  	[sflag:s7] =	ssyncadd.s32 $0xFFFFFFC0  }
0x6d: {  	v3 =	vld [tilespmem:$0x80];
	_ =	sdelay $0x4  }
0x6e: {  	v52 =	vshrl.u32 v3, $0x3  }
0x6f: {  	v4 =	vmul.u32 $0x30, v52  }
0x70: {  	v3 =	vand.u32 $0x7, v3  }
0x71: {  	v3 =	vor.u32 v3, v4  }
0x72: {  	v4 =	vperm.xlane v3, v0;
	_ =	sdelay $0x1  }
0x73: {  	v4 =	vadd.s32 v1, v4;
	_ =	sdelay $0x3  }
0x74: {  	s0 =	simm.s32 $0xC100;
	v3 =	vperm.xlane v3, v2  }
0x75: {  	[tilespmem:s0], [sflag:$0x2] =	stream.indirect_vreg.gather [hbm4b:s3+s2], $0x80, v4, vm0, $0xb8;
	[tilespmem:$0x18100] =	vst v63  }
0x76: {  	s10 =	simm.s32 $0xC900;
	v3 =	vadd.s32 v1, v3  }
0x77: {  	[tilespmem:s10], [sflag:$0x2] =	stream.indirect_vreg.gather [hbm4b:s4+s2], $0x80, v4, vm0, $0xb8;
	[tilespmem:$0x18100] =	vst v63  }
0x78: {  	s12 =	simm.s32 $0xD100  }
0x79: {  	[tilespmem:s12], [sflag:$0x2] =	stream.indirect_vreg.gather [hbm4b:s5+s2], $0x80, v4, vm0, $0xb8;
	[tilespmem:$0x18100] =	vst v63  }
0x7a: {  	s12 =	simm.s32 $0xD900  }
0x7b: {  	[tilespmem:s12], [sflag:$0x2] =	stream.indirect_vreg.gather [hbm4b:s3+s2], $0x80, v3, vm0, $0xb8;
	[tilespmem:$0x18100] =	vst v63  }
0x7c: {  	s12 =	simm.s32 $0xE100  }
0x7d: {  	[tilespmem:s12], [sflag:$0x2] =	stream.indirect_vreg.gather [hbm4b:s4+s2], $0x80, v3, vm0, $0xb8;
	[tilespmem:$0x18100] =	vst v63  }
0x7e: {  	s12 =	simm.s32 $0xE900  }
0x7f: {  	[tilespmem:s12], [sflag:$0x2] =	stream.indirect_vreg.gather [hbm4b:s5+s2], $0x80, v3, vm0, $0xb8;
	[tilespmem:$0x18100] =	vst v63  }
0x80: {  	v3 =	vld [tilespmem:$0x90];
	_ =	sdelay $0x4  }
0x81: {  	v53 =	vshrl.u32 v3, $0x3  }
0x82: {  	v4 =	vmul.u32 $0x30, v53  }
0x83: {  	v3 =	vand.u32 $0x7, v3  }
0x84: {  	v3 =	vor.u32 v3, v4  }
0x85: {  	v4 =	vperm.xlane v3, v0;
	_ =	sdelay $0x1  }
0x86: {  	v4 =	vadd.s32 v1, v4;
	_ =	sdelay $0x3  }
0x87: {  	s12 =	simm.s32 $0xF100;
	v3 =	vperm.xlane v3, v2  }
0x88: {  	[tilespmem:s12], [sflag:$0x2] =	stream.indirect_vreg.gather [hbm4b:s3+s2], $0x80, v4, vm0, $0xb8;
	[tilespmem:$0x18100] =	vst v63  }
0x89: {  	v3 =	vadd.s32 v1, v3;
	s12 =	simm.s32 $0xF900  }
0x8a: {  	[tilespmem:s12], [sflag:$0x2] =	stream.indirect_vreg.gather [hbm4b:s4+s2], $0x80, v4, vm0, $0xb8;
	[tilespmem:$0x18100] =	vst v63  }
0x8b: {  	s12 =	simm.s32 $0x10100  }
0x8c: {  	[tilespmem:s12], [sflag:$0x2] =	stream.indirect_vreg.gather [hbm4b:s5+s2], $0x80, v4, vm0, $0xb8;
	[tilespmem:$0x18100] =	vst v63  }
0x8d: {  	s12 =	simm.s32 $0x10900  }
0x8e: {  	[tilespmem:s12], [sflag:$0x2] =	stream.indirect_vreg.gather [hbm4b:s3+s2], $0x80, v3, vm0, $0xb8;
	[tilespmem:$0x18100] =	vst v63  }
0x8f: {  	s12 =	simm.s32 $0x11100  }
0x90: {  	[tilespmem:s12], [sflag:$0x2] =	stream.indirect_vreg.gather [hbm4b:s4+s2], $0x80, v3, vm0, $0xb8;
	[tilespmem:$0x18100] =	vst v63  }
0x91: {  	s12 =	simm.s32 $0x11900  }
0x92: {  	[tilespmem:s12], [sflag:$0x2] =	stream.indirect_vreg.gather [hbm4b:s5+s2], $0x80, v3, vm0, $0xb8;
	[tilespmem:$0x18100] =	vst v63  }
0x93: {  	v3 =	vld [tilespmem:$0xA0];
	_ =	sdelay $0x4  }
0x94: {  	v54 =	vshrl.u32 v3, $0x3  }
0x95: {  	v4 =	vmul.u32 $0x30, v54  }
0x96: {  	v3 =	vand.u32 $0x7, v3  }
0x97: {  	v3 =	vor.u32 v3, v4  }
0x98: {  	v4 =	vperm.xlane v3, v0;
	_ =	sdelay $0x1  }
0x99: {  	v4 =	vadd.s32 v1, v4;
	_ =	sdelay $0x3  }
0x9a: {  	s12 =	simm.s32 $0x12100;
	v3 =	vperm.xlane v3, v2  }
0x9b: {  	[tilespmem:s12], [sflag:$0x2] =	stream.indirect_vreg.gather [hbm4b:s3+s2], $0x80, v4, vm0, $0xb8;
	[tilespmem:$0x18100] =	vst v63  }
0x9c: {  	v3 =	vadd.s32 v1, v3;
	s12 =	simm.s32 $0x12900  }
0x9d: {  	[tilespmem:s12], [sflag:$0x2] =	stream.indirect_vreg.gather [hbm4b:s4+s2], $0x80, v4, vm0, $0xb8;
	[tilespmem:$0x18100] =	vst v63  }
0x9e: {  	s12 =	simm.s32 $0x13100  }
0x9f: {  	[tilespmem:s12], [sflag:$0x2] =	stream.indirect_vreg.gather [hbm4b:s5+s2], $0x80, v4, vm0, $0xb8;
	[tilespmem:$0x18100] =	vst v63  }
0xa0: {  	s12 =	simm.s32 $0x13900  }
0xa1: {  	[tilespmem:s12], [sflag:$0x2] =	stream.indirect_vreg.gather [hbm4b:s3+s2], $0x80, v3, vm0, $0xb8;
	[tilespmem:$0x18100] =	vst v63  }
0xa2: {  	s12 =	simm.s32 $0x14100  }
0xa3: {  	[tilespmem:s12], [sflag:$0x2] =	stream.indirect_vreg.gather [hbm4b:s4+s2], $0x80, v3, vm0, $0xb8;
	[tilespmem:$0x18100] =	vst v63  }
0xa4: {  	s12 =	simm.s32 $0x14900  }
0xa5: {  	[tilespmem:s12], [sflag:$0x2] =	stream.indirect_vreg.gather [hbm4b:s5+s2], $0x80, v3, vm0, $0xb8;
	[tilespmem:$0x18100] =	vst v63  }
0xa6: {  	v3 =	vld [tilespmem:$0xB0];
	_ =	sdelay $0x4  }
0xa7: {  	v55 =	vshrl.u32 v3, $0x3  }
0xa8: {  	v4 =	vmul.u32 $0x30, v55  }
0xa9: {  	v3 =	vand.u32 $0x7, v3  }
0xaa: {  	v3 =	vor.u32 v3, v4  }
0xab: {  	v4 =	vperm.xlane v3, v0;
	_ =	sdelay $0x1  }
0xac: {  	v4 =	vadd.s32 v1, v4;
	_ =	sdelay $0x3  }
0xad: {  	s12 =	simm.s32 $0x15100;
	v3 =	vperm.xlane v3, v2  }
0xae: {  	[tilespmem:s12], [sflag:$0x2] =	stream.indirect_vreg.gather [hbm4b:s3+s2], $0x80, v4, vm0, $0xb8;
	[tilespmem:$0x18100] =	vst v63  }
0xaf: {  	v3 =	vadd.s32 v1, v3;
	s12 =	simm.s32 $0x15900  }
0xb0: {  	[tilespmem:s12], [sflag:$0x2] =	stream.indirect_vreg.gather [hbm4b:s4+s2], $0x80, v4, vm0, $0xb8;
	[tilespmem:$0x18100] =	vst v63  }
0xb1: {  	s12 =	simm.s32 $0x16100  }
0xb2: {  	[tilespmem:s12], [sflag:$0x2] =	stream.indirect_vreg.gather [hbm4b:s5+s2], $0x80, v4, vm0, $0xb8;
	[tilespmem:$0x18100] =	vst v63  }
0xb3: {  	s12 =	simm.s32 $0x16900  }
0xb4: {  	[tilespmem:s12], [sflag:$0x2] =	stream.indirect_vreg.gather [hbm4b:s3+s2], $0x80, v3, vm0, $0xb8;
	[tilespmem:$0x18100] =	vst v63  }
0xb5: {  	s12 =	simm.s32 $0x17100  }
0xb6: {  	[tilespmem:s12], [sflag:$0x2] =	stream.indirect_vreg.gather [hbm4b:s4+s2], $0x80, v3, vm0, $0xb8;
	[tilespmem:$0x18100] =	vst v63  }
0xb7: {  	s12 =	simm.s32 $0x17900  }
0xb8: {  	[tilespmem:s12], [sflag:$0x2] =	stream.indirect_vreg.gather [hbm4b:s5+s2], $0x80, v3, vm0, $0xb8;
	[tilespmem:$0x18100] =	vst v63  }
0xb9: {  	_ =	swait.ge [sflag:s8], $0xC000  }
0xba: {  	[sflag:s8] =	ssyncset.done $0x0  }
0xbb: {  	s10 =	simm.s32 $0x100;
	s12 =	rddreg [dreg:$0x5];
	[sflag:s8] =	ssyncadd.s32 $0xFFFF4000  }
0xbc: {  	[hbm4b:s12+s2] =	stream.linear.scatter [tilespmem:s10], [sflag:$0x3], $0xC000, $0x38;
	[tilespmem:$0x18100] =	vst v63  }
0xbd: {  	_ =	swait.ge [sflag:s7], $0xC000  }
0xbe: {  	[sflag:s7] =	ssyncset.done $0x0  }
0xbf: {  	s12 =	rddreg [dreg:$0x6];
	[sflag:s7] =	ssyncadd.s32 $0xFFFF4000  }
0xc0: {  	[tilespmem:s2], [sflag:$0x3] =	stream.linear.gather [hbm4b:s12+s2], $0x40, $0x38;
	[tilespmem:$0x18100] =	vst v63  }
0xc1: {  	_ =	swait.ge [sflag:s7], $0x40  }
0xc2: {  	[sflag:s7] =	ssyncset.done $0x0  }
0xc3: {  	[sflag:s7] =	ssyncadd.s32 $0xFFFFFFC0  }
0xc4: {  	v3 =	vld [tilespmem:$0x0];
	_ =	sdelay $0x4  }
0xc5: {  	v56 =	vshrl.u32 v3, $0x3  }
0xc6: {  	v4 =	vmul.u32 $0x30, v56  }
0xc7: {  	v3 =	vand.u32 $0x7, v3  }
0xc8: {  	v3 =	vor.u32 v3, v4  }
0xc9: {  	v4 =	vperm.xlane v3, v0;
	_ =	sdelay $0x1  }
0xca: {  	v4 =	vadd.s32 v1, v4;
	_ =	sdelay $0x3  }
0xcb: {  	v3 =	vperm.xlane v3, v2  }
0xcc: {  	[tilespmem:s10], [sflag:$0x1] =	stream.indirect_vreg.gather [hbm4b:s3+s2], $0x80, v4, vm0, $0xb8;
	[tilespmem:$0x18100] =	vst v63  }
0xcd: {  	v3 =	vadd.s32 v1, v3  }
0xce: {  	[tilespmem:s13], [sflag:$0x1] =	stream.indirect_vreg.gather [hbm4b:s4+s2], $0x80, v4, vm0, $0xb8;
	[tilespmem:$0x18100] =	vst v63  }
0xcf: {  	_ = 	snop  }
0xd0: {  	[tilespmem:s14], [sflag:$0x1] =	stream.indirect_vreg.gather [hbm4b:s5+s2], $0x80, v4, vm0, $0xb8;
	[tilespmem:$0x18100] =	vst v63  }
0xd1: {  	_ = 	snop  }
0xd2: {  	[tilespmem:s15], [sflag:$0x1] =	stream.indirect_vreg.gather [hbm4b:s3+s2], $0x80, v3, vm0, $0xb8;
	[tilespmem:$0x18100] =	vst v63  }
0xd3: {  	_ = 	snop  }
0xd4: {  	[tilespmem:s16], [sflag:$0x1] =	stream.indirect_vreg.gather [hbm4b:s4+s2], $0x80, v3, vm0, $0xb8;
	[tilespmem:$0x18100] =	vst v63  }
0xd5: {  	_ = 	snop  }
0xd6: {  	[tilespmem:s17], [sflag:$0x1] =	stream.indirect_vreg.gather [hbm4b:s5+s2], $0x80, v3, vm0, $0xb8;
	[tilespmem:$0x18100] =	vst v63  }
0xd7: {  	v3 =	vld [tilespmem:$0x10];
	_ =	sdelay $0x4  }
0xd8: {  	v57 =	vshrl.u32 v3, $0x3  }
0xd9: {  	v4 =	vmul.u32 $0x30, v57  }
0xda: {  	v3 =	vand.u32 $0x7, v3  }
0xdb: {  	v3 =	vor.u32 v3, v4  }
0xdc: {  	v4 =	vperm.xlane v3, v0;
	_ =	sdelay $0x1  }
0xdd: {  	v4 =	vadd.s32 v1, v4;
	_ =	sdelay $0x3  }
0xde: {  	v3 =	vperm.xlane v3, v2  }
0xdf: {  	[tilespmem:s18], [sflag:$0x1] =	stream.indirect_vreg.gather [hbm4b:s3+s2], $0x80, v4, vm0, $0xb8;
	[tilespmem:$0x18100] =	vst v63  }
0xe0: {  	v3 =	vadd.s32 v1, v3  }
0xe1: {  	[tilespmem:s19], [sflag:$0x1] =	stream.indirect_vreg.gather [hbm4b:s4+s2], $0x80, v4, vm0, $0xb8;
	[tilespmem:$0x18100] =	vst v63  }
0xe2: {  	_ = 	snop  }
0xe3: {  	[tilespmem:s20], [sflag:$0x1] =	stream.indirect_vreg.gather [hbm4b:s5+s2], $0x80, v4, vm0, $0xb8;
	[tilespmem:$0x18100] =	vst v63  }
0xe4: {  	_ = 	snop  }
0xe5: {  	[tilespmem:s21], [sflag:$0x1] =	stream.indirect_vreg.gather [hbm4b:s3+s2], $0x80, v3, vm0, $0xb8;
	[tilespmem:$0x18100] =	vst v63  }
0xe6: {  	_ = 	snop  }
0xe7: {  	[tilespmem:s22], [sflag:$0x1] =	stream.indirect_vreg.gather [hbm4b:s4+s2], $0x80, v3, vm0, $0xb8;
	[tilespmem:$0x18100] =	vst v63  }
0xe8: {  	_ = 	snop  }
0xe9: {  	[tilespmem:s23], [sflag:$0x1] =	stream.indirect_vreg.gather [hbm4b:s5+s2], $0x80, v3, vm0, $0xb8;
	[tilespmem:$0x18100] =	vst v63  }
0xea: {  	v3 =	vld [tilespmem:$0x20];
	_ =	sdelay $0x4  }
0xeb: {  	v58 =	vshrl.u32 v3, $0x3  }
0xec: {  	v4 =	vmul.u32 $0x30, v58  }
0xed: {  	v3 =	vand.u32 $0x7, v3  }
0xee: {  	v3 =	vor.u32 v3, v4  }
0xef: {  	v4 =	vperm.xlane v3, v0;
	_ =	sdelay $0x1  }
0xf0: {  	v4 =	vadd.s32 v1, v4;
	_ =	sdelay $0x3  }
0xf1: {  	v3 =	vperm.xlane v3, v2  }
0xf2: {  	[tilespmem:s24], [sflag:$0x1] =	stream.indirect_vreg.gather [hbm4b:s3+s2], $0x80, v4, vm0, $0xb8;
	[tilespmem:$0x18100] =	vst v63  }
0xf3: {  	v3 =	vadd.s32 v1, v3  }
0xf4: {  	[tilespmem:s25], [sflag:$0x1] =	stream.indirect_vreg.gather [hbm4b:s4+s2], $0x80, v4, vm0, $0xb8;
	[tilespmem:$0x18100] =	vst v63  }
0xf5: {  	_ = 	snop  }
0xf6: {  	[tilespmem:s26], [sflag:$0x1] =	stream.indirect_vreg.gather [hbm4b:s5+s2], $0x80, v4, vm0, $0xb8;
	[tilespmem:$0x18100] =	vst v63  }
0xf7: {  	_ = 	snop  }
0xf8: {  	[tilespmem:s28], [sflag:$0x1] =	stream.indirect_vreg.gather [hbm4b:s3+s2], $0x80, v3, vm0, $0xb8;
	[tilespmem:$0x18100] =	vst v63  }
0xf9: {  	_ = 	snop  }
0xfa: {  	[tilespmem:s29], [sflag:$0x1] =	stream.indirect_vreg.gather [hbm4b:s4+s2], $0x80, v3, vm0, $0xb8;
	[tilespmem:$0x18100] =	vst v63  }
0xfb: {  	_ = 	snop  }
0xfc: {  	[tilespmem:s30], [sflag:$0x1] =	stream.indirect_vreg.gather [hbm4b:s5+s2], $0x80, v3, vm0, $0xb8;
	[tilespmem:$0x18100] =	vst v63  }
0xfd: {  	v3 =	vld [tilespmem:$0x30];
	_ =	sdelay $0x4  }
0xfe: {  	v59 =	vshrl.u32 v3, $0x3  }
0xff: {  	v4 =	vmul.u32 $0x30, v59  }
0x100: {  	v3 =	vand.u32 $0x7, v3  }
0x101: {  	v3 =	vor.u32 v3, v4  }
0x102: {  	v4 =	vperm.xlane v3, v0;
	_ =	sdelay $0x1  }
0x103: {  	v4 =	vadd.s32 v1, v4;
	_ =	sdelay $0x3  }
0x104: {  	v3 =	vperm.xlane v3, v2  }
0x105: {  	[tilespmem:s31], [sflag:$0x1] =	stream.indirect_vreg.gather [hbm4b:s3+s2], $0x80, v4, vm0, $0xb8;
	[tilespmem:$0x18100] =	vst v63  }
0x106: {  	s12 =	simm.s32 $0x9900;
	v3 =	vadd.s32 v1, v3  }
0x107: {  	[tilespmem:s12], [sflag:$0x1] =	stream.indirect_vreg.gather [hbm4b:s4+s2], $0x80, v4, vm0, $0xb8;
	[tilespmem:$0x18100] =	vst v63  }
0x108: {  	s12 =	simm.s32 $0xA100  }
0x109: {  	[tilespmem:s12], [sflag:$0x1] =	stream.indirect_vreg.gather [hbm4b:s5+s2], $0x80, v4, vm0, $0xb8;
	[tilespmem:$0x18100] =	vst v63  }
0x10a: {  	s12 =	simm.s32 $0xA900  }
0x10b: {  	[tilespmem:s12], [sflag:$0x1] =	stream.indirect_vreg.gather [hbm4b:s3+s2], $0x80, v3, vm0, $0xb8;
	[tilespmem:$0x18100] =	vst v63  }
0x10c: {  	_ = 	snop  }
0x10d: {  	[tilespmem:s9], [sflag:$0x1] =	stream.indirect_vreg.gather [hbm4b:s4+s2], $0x80, v3, vm0, $0xb8;
	[tilespmem:$0x18100] =	vst v63  }
0x10e: {  	_ = 	snop  }
0x10f: {  	[tilespmem:s1], [sflag:$0x1] =	stream.indirect_vreg.gather [hbm4b:s5+s2], $0x80, v3, vm0, $0xb8;
	[tilespmem:$0x18100] =	vst v63  }
0x110: {  	_ =	swait.ge [sflag:s11], $0xC000  }
0x111: {  	[sflag:s11] =	ssyncset.done $0x0  }
0x112: {  	s10 =	rddreg [dreg:$0x7];
	[sflag:s11] =	ssyncadd.s32 $0xFFFF4000  }
0x113: {  	[hbm4b:s10+s2] =	stream.linear.scatter [tilespmem:s0], [sflag:$0x3], $0xC000, $0x38;
	[tilespmem:$0x18100] =	vst v63  }
0x114: {  	_ =	swait.ge [sflag:s7], $0xC000  }
0x115: {  	[sflag:s7] =	ssyncset.done $0x0  }
0x116: {  	s10 =	simm.s32 $0x80;
	s1 =	rddreg [dreg:$0x8];
	[sflag:s7] =	ssyncadd.s32 $0xFFFF4000  }
0x117: {  	[tilespmem:s10], [sflag:$0x3] =	stream.linear.gather [hbm4b:s1+s2], $0x40, $0x38;
	[tilespmem:$0x18100] =	vst v63  }
0x118: {  	_ =	swait.ge [sflag:s7], $0x40  }
0x119: {  	[sflag:s7] =	ssyncset.done $0x0  }
0x11a: {  	[sflag:s7] =	ssyncadd.s32 $0xFFFFFFC0  }
0x11b: {  	v3 =	vld [tilespmem:$0x80];
	_ =	sdelay $0x4  }
0x11c: {  	v60 =	vshrl.u32 v3, $0x3  }
0x11d: {  	v4 =	vmul.u32 $0x30, v60  }
0x11e: {  	v3 =	vand.u32 $0x7, v3  }
0x11f: {  	v3 =	vor.u32 v3, v4  }
0x120: {  	v4 =	vperm.xlane v3, v0;
	_ =	sdelay $0x1  }
0x121: {  	v4 =	vadd.s32 v1, v4;
	_ =	sdelay $0x3  }
0x122: {  	v3 =	vperm.xlane v3, v2  }
0x123: {  	[tilespmem:s0], [sflag:$0x2] =	stream.indirect_vreg.gather [hbm4b:s3+s2], $0x80, v4, vm0, $0xb8;
	[tilespmem:$0x18100] =	vst v63  }
0x124: {  	s12 =	simm.s32 $0xC900;
	v3 =	vadd.s32 v1, v3  }
0x125: {  	[tilespmem:s12], [sflag:$0x2] =	stream.indirect_vreg.gather [hbm4b:s4+s2], $0x80, v4, vm0, $0xb8;
	[tilespmem:$0x18100] =	vst v63  }
0x126: {  	s10 =	simm.s32 $0xD100  }
0x127: {  	[tilespmem:s10], [sflag:$0x2] =	stream.indirect_vreg.gather [hbm4b:s5+s2], $0x80, v4, vm0, $0xb8;
	[tilespmem:$0x18100] =	vst v63  }
0x128: {  	s12 =	simm.s32 $0xD900  }
0x129: {  	[tilespmem:s12], [sflag:$0x2] =	stream.indirect_vreg.gather [hbm4b:s3+s2], $0x80, v3, vm0, $0xb8;
	[tilespmem:$0x18100] =	vst v63  }
0x12a: {  	s10 =	simm.s32 $0xE100  }
0x12b: {  	[tilespmem:s10], [sflag:$0x2] =	stream.indirect_vreg.gather [hbm4b:s4+s2], $0x80, v3, vm0, $0xb8;
	[tilespmem:$0x18100] =	vst v63  }
0x12c: {  	s12 =	simm.s32 $0xE900  }
0x12d: {  	[tilespmem:s12], [sflag:$0x2] =	stream.indirect_vreg.gather [hbm4b:s5+s2], $0x80, v3, vm0, $0xb8;
	[tilespmem:$0x18100] =	vst v63  }
0x12e: {  	v3 =	vld [tilespmem:$0x90];
	_ =	sdelay $0x4  }
0x12f: {  	v61 =	vshrl.u32 v3, $0x3  }
0x130: {  	v4 =	vmul.u32 $0x30, v61  }
0x131: {  	v3 =	vand.u32 $0x7, v3  }
0x132: {  	v3 =	vor.u32 v3, v4  }
0x133: {  	v4 =	vperm.xlane v3, v0;
	_ =	sdelay $0x1  }
0x134: {  	v4 =	vadd.s32 v1, v4;
	_ =	sdelay $0x3  }
0x135: {  	s10 =	simm.s32 $0xF100;
	v3 =	vperm.xlane v3, v2  }
0x136: {  	[tilespmem:s10], [sflag:$0x2] =	stream.indirect_vreg.gather [hbm4b:s3+s2], $0x80, v4, vm0, $0xb8;
	[tilespmem:$0x18100] =	vst v63  }
0x137: {  	s12 =	simm.s32 $0xF900;
	v3 =	vadd.s32 v1, v3  }
0x138: {  	[tilespmem:s12], [sflag:$0x2] =	stream.indirect_vreg.gather [hbm4b:s4+s2], $0x80, v4, vm0, $0xb8;
	[tilespmem:$0x18100] =	vst v63  }
0x139: {  	s10 =	simm.s32 $0x10100  }
0x13a: {  	[tilespmem:s10], [sflag:$0x2] =	stream.indirect_vreg.gather [hbm4b:s5+s2], $0x80, v4, vm0, $0xb8;
	[tilespmem:$0x18100] =	vst v63  }
0x13b: {  	s12 =	simm.s32 $0x10900  }
0x13c: {  	[tilespmem:s12], [sflag:$0x2] =	stream.indirect_vreg.gather [hbm4b:s3+s2], $0x80, v3, vm0, $0xb8;
	[tilespmem:$0x18100] =	vst v63  }
0x13d: {  	s10 =	simm.s32 $0x11100  }
0x13e: {  	[tilespmem:s10], [sflag:$0x2] =	stream.indirect_vreg.gather [hbm4b:s4+s2], $0x80, v3, vm0, $0xb8;
	[tilespmem:$0x18100] =	vst v63  }
0x13f: {  	s12 =	simm.s32 $0x11900  }
0x140: {  	[tilespmem:s12], [sflag:$0x2] =	stream.indirect_vreg.gather [hbm4b:s5+s2], $0x80, v3, vm0, $0xb8;
	[tilespmem:$0x18100] =	vst v63  }
0x141: {  	v3 =	vld [tilespmem:$0xA0];
	_ =	sdelay $0x4  }
0x142: {  	v62 =	vshrl.u32 v3, $0x3  }
0x143: {  	v4 =	vmul.u32 $0x30, v62  }
0x144: {  	v3 =	vand.u32 $0x7, v3  }
0x145: {  	v3 =	vor.u32 v3, v4  }
0x146: {  	v4 =	vperm.xlane v3, v0;
	_ =	sdelay $0x1  }
0x147: {  	v4 =	vadd.s32 v1, v4;
	_ =	sdelay $0x3  }
0x148: {  	s10 =	simm.s32 $0x12100;
	v3 =	vperm.xlane v3, v2  }
0x149: {  	[tilespmem:s10], [sflag:$0x2] =	stream.indirect_vreg.gather [hbm4b:s3+s2], $0x80, v4, vm0, $0xb8;
	[tilespmem:$0x18100] =	vst v63  }
0x14a: {  	s12 =	simm.s32 $0x12900;
	v3 =	vadd.s32 v1, v3  }
0x14b: {  	[tilespmem:s12], [sflag:$0x2] =	stream.indirect_vreg.gather [hbm4b:s4+s2], $0x80, v4, vm0, $0xb8;
	[tilespmem:$0x18100] =	vst v63  }
0x14c: {  	s10 =	simm.s32 $0x13100  }
0x14d: {  	[tilespmem:s10], [sflag:$0x2] =	stream.indirect_vreg.gather [hbm4b:s5+s2], $0x80, v4, vm0, $0xb8;
	[tilespmem:$0x18100] =	vst v63  }
0x14e: {  	s12 =	simm.s32 $0x13900  }
0x14f: {  	[tilespmem:s12], [sflag:$0x2] =	stream.indirect_vreg.gather [hbm4b:s3+s2], $0x80, v3, vm0, $0xb8;
	[tilespmem:$0x18100] =	vst v63  }
0x150: {  	s10 =	simm.s32 $0x14100  }
0x151: {  	[tilespmem:s10], [sflag:$0x2] =	stream.indirect_vreg.gather [hbm4b:s4+s2], $0x80, v3, vm0, $0xb8;
	[tilespmem:$0x18100] =	vst v63  }
0x152: {  	s12 =	simm.s32 $0x14900  }
0x153: {  	[tilespmem:s12], [sflag:$0x2] =	stream.indirect_vreg.gather [hbm4b:s5+s2], $0x80, v3, vm0, $0xb8;
	[tilespmem:$0x18100] =	vst v63  }
0x154: {  	v3 =	vld [tilespmem:$0xB0];
	_ =	sdelay $0x4  }
0x155: {  	v63 =	vshrl.u32 v3, $0x3  }
0x156: {  	v4 =	vmul.u32 $0x30, v63  }
0x157: {  	v3 =	vand.u32 $0x7, v3  }
0x158: {  	v3 =	vor.u32 v3, v4  }
0x159: {  	v4 =	vperm.xlane v3, v0;
	_ =	sdelay $0x1  }
0x15a: {  	v4 =	vadd.s32 v1, v4;
	_ =	sdelay $0x3  }
0x15b: {  	s10 =	simm.s32 $0x15100;
	v3 =	vperm.xlane v3, v2  }
0x15c: {  	[tilespmem:s10], [sflag:$0x2] =	stream.indirect_vreg.gather [hbm4b:s3+s2], $0x80, v4, vm0, $0xb8;
	[tilespmem:$0x18100] =	vst v63  }
0x15d: {  	s12 =	simm.s32 $0x15900;
	v3 =	vadd.s32 v1, v3  }
0x15e: {  	[tilespmem:s12], [sflag:$0x2] =	stream.indirect_vreg.gather [hbm4b:s4+s2], $0x80, v4, vm0, $0xb8;
	[tilespmem:$0x18100] =	vst v63  }
0x15f: {  	s10 =	simm.s32 $0x16100  }
0x160: {  	[tilespmem:s10], [sflag:$0x2] =	stream.indirect_vreg.gather [hbm4b:s5+s2], $0x80, v4, vm0, $0xb8;
	[tilespmem:$0x18100] =	vst v63  }
0x161: {  	s12 =	simm.s32 $0x16900  }
0x162: {  	[tilespmem:s12], [sflag:$0x2] =	stream.indirect_vreg.gather [hbm4b:s3+s2], $0x80, v3, vm0, $0xb8;
	[tilespmem:$0x18100] =	vst v63  }
0x163: {  	s10 =	simm.s32 $0x17100  }
0x164: {  	[tilespmem:s10], [sflag:$0x2] =	stream.indirect_vreg.gather [hbm4b:s4+s2], $0x80, v3, vm0, $0xb8;
	[tilespmem:$0x18100] =	vst v63  }
0x165: {  	s12 =	simm.s32 $0x17900  }
0x166: {  	[tilespmem:s12], [sflag:$0x2] =	stream.indirect_vreg.gather [hbm4b:s5+s2], $0x80, v3, vm0, $0xb8;
	[tilespmem:$0x18100] =	vst v63  }
0x167: {  	_ =	swait.ge [sflag:s8], $0xC000  }
0x168: {  	[sflag:s8] =	ssyncset.done $0x0  }
0x169: {  	s10 =	simm.s32 $0x100;
	s1 =	rddreg [dreg:$0x9];
	[sflag:s8] =	ssyncadd.s32 $0xFFFF4000  }
0x16a: {  	[hbm4b:s1+s2] =	stream.linear.scatter [tilespmem:s10], [sflag:$0x3], $0xC000, $0x38;
	[tilespmem:$0x18100] =	vst v63  }
0x16b: {  	_ =	swait.ge [sflag:s7], $0xC000  }
0x16c: {  	[sflag:s7] =	ssyncset.done $0x0  }
0x16d: {  	[sflag:s7] =	ssyncadd.s32 $0xFFFF4000  }
0x16e: {  	_ =	swait.ge [sflag:s11], $0xC000  }
0x16f: {  	p0 =	sne.s32 s6, $0x1;
	[sflag:s11] =	ssyncset.done $0x0  }
.Ltmp0:
0x170: {  	s10 =	rddreg [dreg:$0xa];
	[sflag:s11] =	ssyncadd.s32 $0xFFFF4000;
	(pc) =	sbr.rel @p0 .LBB2_1-.Ltmp0, $4  }
0x171: {  	[hbm4b:s10+s2] =	stream.linear.scatter [tilespmem:s0], [sflag:$0x3], $0xC000, $0x38;
	[tilespmem:$0x18100] =	vst v63  }
0x172: {  	_ =	swait.ge [sflag:s7], $0xC000  }
0x173: {  	[sflag:s7] =	ssyncset.done $0x0  }
0x174: {  	s6 =	sadd.s32 $0xFFFFFFFF, s6;
	[sflag:s7] =	ssyncadd.s32 $0xFFFF4000  }
0x175: {  	_ =	sfence.sel $0x180000  }
0x176: {  	[bflag:$0x0] =	sbarrier.arrive $0xFFFF  }
0x177: {  	_ =	strace $0x9000004A  }
0x178: {  	s0 =	stileid.u32;
	[bflag:$0x2] =	sbarrier.arrive $0xFFFF  }
0x179: {  	p0 =	sne.s32 s0, $0x0;
	s0 =	rddreg [dreg:$0x2]  }
0x17a: {  	s0 =	sadd.s32 @!p0 $0x100000, s0  }
0x17b: {  	[sflag:s0] =	ssyncadd.tile.s32 @!p0 $0x1;
	_ =	shalt  }
.Lfunc_end2:
_tile_overlayer_lowered:
.L_overlay_start_2:
0x17c: {  	(tag) =	ssettag $0x2  }
0x17d: {  	s0 =	rddreg [dreg:$0x0];
	s2 =	stileid.u32  }
0x17e: {  	s1 =	rddreg [dreg:$0x1];
	p0 =	sne.s32 s2, $0x0  }
0x17f: {  	s3 =	rddreg [dreg:$0x2];
	[bflag:$0x3] =	sbarrier.arrive $0xFFFF;
	s2 =	simm.s32 @!p0 $0x1C03  }
0x180: {  	[timem:s3], [sflag:s2] =	dma.local @!p0 [hbm:s0], s1  }
0x181: {  	s0 =	simm.s32 @!p0 $0x3  }
0x182: {  	_ =	swait.ge @!p0 [sflag:s0], s1  }
0x183: {  	s1 =	ssub.s32 @!p0 $0x0, s1;
	[sflag:s0] =	ssyncset.done @!p0 $0x0  }
0x184: {  	[sflag:s0] =	ssyncadd.s32 @!p0 s1  }
0x185: {  	[bflag:$0x3] =	sbarrier.arrive $0xFFFF  }
0x186: {  	_ =	shalt  }

// kernel: kernel.8.cloned.1.call-start
scs
__scs_entry_jumppad:
0x0: {  	(pc) =	sbr.rel $0x88, $3  }
0x1: {  	(tag) =	ssettag $0x0;
	lr =	simm.s32 $0x1  }
0x2: {  	[smem:$0x3F97] =	sst lr;
	_ =	strace $0xD0000000  }
0x3: {  	_ = 	snop  }
0x4: {  	_ = 	snop  }
0x5: {  	_ = 	snop  }
0x6: {  	_ = 	snop  }
0x7: {  	_ = 	snop  }
__scs_overlays_trampoline_lowered:
0x8: {  	[smem:$0x3FA6] =	sst s0  }
0x9: {  	[smem:$0x3FA7] =	sst s1  }
0xa: {  	[smem:$0x3FA8] =	sst s2  }
0xb: {  	[smem:$0x3FA9] =	sst s3  }
0xc: {  	[smem:$0x3FAA] =	sst s4  }
0xd: {  	[smem:$0x3FAB] =	sst s5  }
0xe: {  	[smem:$0x3FAC] =	sst s6  }
0xf: {  	[smem:$0x3FAD] =	sst s7  }
0x10: {  	[smem:$0x3FAE] =	sst s8  }
0x11: {  	[smem:$0x3FAF] =	sst s9;
	s0 =	simm.s32 @!p0 $0x0  }
0x12: {  	s1 =	sld [smem:$0x3F95];
	s0 =	simm.s32 @p0 $0x1  }
0x13: {  	[smem:$0x3FB0] =	sst s0;
	s0 =	simm.s32 @!p1 $0x0  }
0x14: {  	s2 =	sld [smem:$0x3F94];
	s0 =	simm.s32 @p1 $0x1  }
0x15: {  	[smem:$0x3FB1] =	sst s0;
	s0 =	simm.s32 @!p2 $0x0  }
0x16: {  	s3 =	sld [smem:$0x3FDB];
	s0 =	simm.s32 @p2 $0x1  }
0x17: {  	s4 =	simm.s32 $0x1BF5;
	[smem:$0x3FB3] =	sst s0  }
0x18: {  	s0 =	sld [smem:$0x3F96];
	_ =	swait.ge [sflag:s4], $0x0  }
0x19: {  	s7 =	sld [smem:$0x3F97]  }
0x1a: {  	s8 =	sadd.s32 $0xFFFFE003, lr  }
0x1b: {  	s9 =	sadd.s32 $0xFFFFFEF7, lr;
	s5 =	simm.s32 $0xFFFFFFFF;
	p2 =	slt.u32 s8, $0xFFFFF086  }
0x1c: {  	p1 =	slt.u32 s9, $0xF7A;
	s5 =	simm.s32 @!p2 $0x0  }
0x1d: {  	s5 =	simm.s32 @p1 $0x1;
	p0 =	seq.s32 s7, s2  }
0x1e: {  	s7 =	smul.u32 @!p0 $0xF7A, s2;
	p2 =	seq.s32 @!p0 s5, $0x0  }
0x1f: {  	s9 =	smul.u32 $0xF7A, s1;
	s8 =	simm.s32 @!p0 $0x1BF5;
	p2 =	por !p2, p0  }
0x20: {  	[sflag:s8] =	ssyncset.s32 @!p0 $0xFFFFF086;
	s6 =	sadd.s32 @!p0 s3, s7;
	s7 =	simm.s32 @!p0 $0x108  }
0x21: {  	s3 =	sadd.s32 s3, s9;
	s6 =	sadd.s32 @!p0 $0x88, s6;
	s7 =	simm.s32 @p2 $0x1082  }
0x22: {  	[simem:s7], [sflag:s8] =	dma.local @!p0 [hbm:s6], $0xF7A  }
0x23: {  	s9 =	sor.u32 $0xD0000000, s2;
	s6 =	simm.s32 $0x108;
	_ =	swait.ge @!p0 [sflag:s8], $0x0  }
0x24: {  	s3 =	sadd.s32 $0x88, s3;
	s6 =	simm.s32 @!p1 $0x1082;
	[sflag:s4] =	ssyncset.s32 $0xFFFFF086  }
0x25: {  	[simem:s6], [sflag:s4] =	dma.local [hbm:s3], $0xF7A  }
0x26: {  	[smem:$0x3F97] =	sst s1;
	(tag) =	ssettag s2;
	_ =	strace s9  }
0x27: {  	s1 =	sld [smem:$0x3FA7]  }
0x28: {  	s2 =	sld [smem:$0x3FA8]  }
0x29: {  	s4 =	sld [smem:$0x3FAA]  }
0x2a: {  	p0 =	seq.s32 s5, $0x0;
	s5 =	sld [smem:$0x3FAB]  }
0x2b: {  	s6 =	sld [smem:$0x3FAC]  }
0x2c: {  	s7 =	sld [smem:$0x3FAD]  }
0x2d: {  	s3 =	simm.s32 $0x108;
	s8 =	sld [smem:$0x3FAE]  }
0x2e: {  	s3 =	simm.s32 @!p0 $0x1082;
	s9 =	sld [smem:$0x3FAF]  }
0x2f: {  	lr =	sadd.s32 s0, s3;
	s0 =	sld [smem:$0x3FA6]  }
0x30: {  	s3 =	sld [smem:$0x3FA9]  }
0x31: {  	[smem:$0x3FB2] =	sst s10  }
0x32: {  	s10 =	sld [smem:$0x3FB0];
	_ =	sdelay $0x3  }
0x33: {  	p0 =	seq.s32 s10, $0x1;
	s10 =	sld [smem:$0x3FB2];
	_ =	sdelay $0x3  }
0x34: {  	[smem:$0x3FB2] =	sst s10  }
0x35: {  	s10 =	sld [smem:$0x3FB1];
	_ =	sdelay $0x3  }
0x36: {  	p1 =	seq.s32 s10, $0x1;
	s10 =	sld [smem:$0x3FB2];
	_ =	sdelay $0x3  }
0x37: {  	[smem:$0x3FB2] =	sst s10  }
0x38: {  	s10 =	sld [smem:$0x3FB3]  }
0x39: {  	_ = 	snop;
	(pc) =	sbr.ind lr, $3  }
0x3a: {  	_ = 	snop  }
0x3b: {  	_ = 	snop  }
0x3c: {  	p2 =	seq.s32 s10, $0x1;
	s10 =	sld [smem:$0x3FB2]  }
0x3d: {  	_ =	shalt  }
0x3e: {  	_ =	shalt  }
0x3f: {  	_ =	shalt  }
0x40: {  	_ =	shalt  }
0x41: {  	_ =	shalt  }
0x42: {  	_ =	shalt  }
0x43: {  	_ =	shalt  }
0x44: {  	_ =	shalt  }
0x45: {  	_ =	shalt  }
0x46: {  	_ =	shalt  }
0x47: {  	_ =	shalt  }
0x48: {  	_ =	shalt  }
0x49: {  	_ =	shalt  }
0x4a: {  	_ =	shalt  }
0x4b: {  	_ =	shalt  }
0x4c: {  	_ =	shalt  }
0x4d: {  	_ =	shalt  }
0x4e: {  	_ =	shalt  }
0x4f: {  	_ =	shalt  }
0x50: {  	_ =	shalt  }
0x51: {  	_ =	shalt  }
0x52: {  	_ =	shalt  }
0x53: {  	_ =	shalt  }
0x54: {  	_ =	shalt  }
0x55: {  	_ =	shalt  }
0x56: {  	_ =	shalt  }
0x57: {  	_ =	shalt  }
0x58: {  	_ =	shalt  }
0x59: {  	_ =	shalt  }
0x5a: {  	_ =	shalt  }
0x5b: {  	_ =	shalt  }
0x5c: {  	_ =	shalt  }
0x5d: {  	_ =	shalt  }
0x5e: {  	_ =	shalt  }
0x5f: {  	_ =	shalt  }
0x60: {  	_ =	shalt  }
0x61: {  	_ =	shalt  }
0x62: {  	_ =	shalt  }
0x63: {  	_ =	shalt  }
0x64: {  	_ =	shalt  }
0x65: {  	_ =	shalt  }
0x66: {  	_ =	shalt  }
0x67: {  	_ =	shalt  }
0x68: {  	_ =	shalt  }
0x69: {  	_ =	shalt  }
0x6a: {  	_ =	shalt  }
0x6b: {  	_ =	shalt  }
0x6c: {  	_ =	shalt  }
0x6d: {  	_ =	shalt  }
0x6e: {  	_ =	shalt  }
0x6f: {  	_ =	shalt  }
0x70: {  	_ =	shalt  }
0x71: {  	_ =	shalt  }
0x72: {  	_ =	shalt  }
0x73: {  	_ =	shalt  }
0x74: {  	_ =	shalt  }
0x75: {  	_ =	shalt  }
0x76: {  	_ =	shalt  }
0x77: {  	_ =	shalt  }
0x78: {  	_ =	shalt  }
0x79: {  	_ =	shalt  }
0x7a: {  	_ =	shalt  }
0x7b: {  	_ =	shalt  }
0x7c: {  	_ =	shalt  }
0x7d: {  	_ =	shalt  }
0x7e: {  	_ =	shalt  }
0x7f: {  	_ =	shalt  }
0x80: {  	_ =	shalt  }
0x81: {  	_ =	shalt  }
0x82: {  	_ =	shalt  }
0x83: {  	_ =	shalt  }
0x84: {  	_ =	shalt  }
0x85: {  	_ =	shalt  }
0x86: {  	_ =	shalt  }
0x87: {  	_ =	shalt  }
.Lfunc_end0:
.L_simem_size_0:
called_computation_lowered:
.L_overlay_start_0:
0x88: {  	s2 =	sld [smem:$0x3FD9]  }
0x89: {  	s3 =	sld [smem:$0x3FFE];
	_ =	sdelay $0x1  }
0x8a: {  	s1 =	srdreg.scid  }
0x8b: {  	s0 =	sand.u32 $0x1, s1  }
0x8c: {  	s17 =	sshll.u32 s0, $0xA;
	s2 =	sadd.s32 s3, s2  }
0x8d: {  	s2 =	sadd.s32 s2, s17  }
0x8e: {  	[smem:$0x3FBE] =	sst s2  }
0x8f: {  	_ = 	snop  }
0x90: {  	s2 =	sld [smem:$0x3FC9]  }
0x91: {  	s18 =	sld [smem:$0x3FD0];
	(tm) =	ssettm $0x1  }
0x92: {  	s4 =	sld [smem:$0x3FFB];
	_ =	sdelay $0x3  }
0x93: {  	_ =	strace s4  }
0x94: {  	s4 =	sld [smem:$0x3FFC];
	_ =	sdelay $0x3  }
0x95: {  	_ =	strace s4  }
0x96: {  	s4 =	sld [smem:$0x3FFD];
	_ =	sdelay $0x3  }
0x97: {  	_ =	strace s4  }
0x98: {  	_ =	strace $0x8FFFFFFF  }
0x99: {  	s19 =	sld [smem:$0x3FDB];
	_ =	sdelay $0x1  }
0x9a: {  	s5 =	simm.s32 $_scs_section_size  }
0x9b: {  	s6 =	simm.s32 $_size__tile_overlayer_lowered;
	s7 =	simm.s32 $_tile_overlayer_lowered  }
0x9c: {  	s22 =	simm.s32 $0x1BFF;
	s21 =	sshll.u32 s7, $0x1;
	s4 =	sadd.s32 s5, s19  }
0x9d: {  	s8 =	simm.s32 $0x0;
	s20 =	sshll.u32 s6, $0x1;
	s6 =	sadd.s32 s21, s4  }
0x9e: {  	[timem:s8], [sflag:s22] =	dma.local [hbm:s6], s20  }
0x9f: {  	_ =	swait.ge [sflag:s22], s20  }
0xa0: {  	s5 =	ssub.s32 $0x0, s20;
	[sflag:s22] =	ssyncset.done $0x0  }
0xa1: {  	[sflag:s22] =	ssyncadd.s32 s5;
	_ =	sdelay $0x1  }
0xa2: {  	s23 =	simm.s32 $0x1B8B  }
0xa3: {  	_ =	swait.ge [sflag:s23], $0x1  }
0xa4: {  	[sflag:s23] =	ssyncset.done $0x0  }
0xa5: {  	s25 =	simm.s32 $0x1B8E;
	s24 =	sld [smem:$0x3FFE];
	[sflag:s23] =	ssyncadd.s32 $0xFFFFFFFF  }
0xa6: {  	s26 =	simm.s32 $execute0_lowered;
	[smem:$0x3FD2] =	sst s25  }
0xa7: {  	s6 =	sshll.u32 s26, $0x1;
	_ =	strace $0x80000046;
	[dreg:$0x1] =	wrdreg $0xFFFFFFFF  }
0xa8: {  	s28 =	simm.s32 $_size_execute0_lowered;
	s4 =	sadd.s32 s4, s6;
	[dreg:$0x0] =	wrdreg $0x0  }
0xa9: {  	s6 =	sshll.u32 s28, $0x1;
	[dreg:$0x2] =	wrdreg s4  }
0xaa: {  	[dreg:$0x3] =	wrdreg s6  }
0xab: {  	[dreg:$0x4] =	wrdreg $0xC0  }
0xac: {  	_ =	task [dreg:s8], $0x5FFFF  }
0xad: {  	[dreg:$0x1] =	wrdreg $0xFFFFFFFF  }
0xae: {  	[dreg:$0x0] =	wrdreg $0x60  }
0xaf: {  	[dreg:$0x2] =	wrdreg s24  }
0xb0: {  	[dreg:$0x3] =	wrdreg s2  }
0xb1: {  	[dreg:$0x4] =	wrdreg s18  }
0xb2: {  	[dreg:$0x5] =	wrdreg $0x9  }
0xb3: {  	_ =	task.clear_ibuf [dreg:s8], $0x6FFFF;
	_ =	strace $0x90000046  }
0xb4: {  	s29 =	simm.s32 $0x9;
	_ =	strace $0x80000048  }
0xb5: {  	_ =	swait.ge [sflag:s29], $0x1  }
0xb6: {  	[sflag:s29] =	ssyncadd.s32 $0xFFFFFFFF  }
0xb7: {  	_ =	strace $0x90000048  }
0xb8: {  	_ =	sfence  }
0xb9: {  	s30 =	sld [smem:$0x0];
	_ =	sdelay $0x2  }
0xba: {  	s31 =	sshll.u32 s1, $0xD;
	s1 =	sshrl.u32 s1, $0x2  }
0xbb: {  	s3 =	sand.u32 $0x4000, s31;
	s1 =	sadd.s32 s1, s30  }
0xbc: {  	s0 =	sor.u32 s3, s0;
	s1 =	sshll.u32 s1, $0x11  }
0xbd: {  	s0 =	sor.u32 s1, s0  }
0xbe: {  	s0 =	sadd.s32 $0x8F2B, s0  }
0xbf: {  	[sflag:s0] =	ssyncadd.remote.s32 $0x1  }
0xc0: {  	_ =	sfence.sel $0xFFFF  }
0xc1: {  	[dreg:$0x0] =	wrdreg $0xFFFFFFFF;
	(pc) =	sbr.abs _section_cstart, $3  }
0xc2: {  	[dreg:$0x1] =	wrdreg $0xFFFFFFFF  }
0xc3: {  	_ =	task.clear_ibuf [dreg:s8], $0x2FFFF;
	_ =	strace $0x9FFFFFFF  }
0xc4: {  	(tm) =	ssettm $0x7FFFFFFF  }
0xc5: {  	_ =	shalt  }
tec
execute0_lowered:
.L_overlay_start_1:
0x0: {  	(tag) =	ssettag $0x1  }
0x1: {  	s0 =	srdreg.scid  }
0x2: {  	s1 =	stileid.u32;
	s4 =	rddreg [dreg:$0x0]  }
0x3: {  	s15 =	rddreg [dreg:$0x1];
	s0 =	sand.u32 $0x1, s0;
	s1 =	sshll.u32 s1, $0x1  }
0x4: {  	s5 =	rddreg [dreg:$0x2];
	s1 =	sor.u32 s0, s1  }
0x5: {  	s3 =	simm.s32 $0x0;
	s28 =	simm.s32 $0x6900;
	s1 =	smul.u32 $0x50, s1  }
0x6: {  	s29 =	simm.s32 $0xA100;
	s30 =	simm.s32 $0xA900;
	s31 =	simm.s32 $0xB100  }
0x7: {  	[smem:$0x7FF] =	sst s3;
	s7 =	sadd.s32 $0x1600, s4;
	s1 =	sshrl.u32 s1, $0x3  }
0x8: {  	s9 =	sadd.s32 $0x1800, s4;
	s0 =	ssub.s32 $0x2, s0;
	s8 =	sadd.s32 s1, s4  }
0x9: {  	_ =	strace $0x80000047;
	s18 =	sshrl.u32 s0, $0x1;
	s10 =	sadd.s32 $0x181800, s8  }
0xa: {  	s0 =	ssub.s32 s0, s18;
	s11 =	sadd.s32 $0x181802, s8;
	[dreg:$0x4] =	wrdreg s10  }
0xb: {  	s6 =	smul.u32 $0x300, s1;
	s14 =	sadd.s32 $0x181804, s8;
	[dreg:$0x5] =	wrdreg s11  }
0xc: {  	s1 =	smul.u32 $0x600, s1;
	s19 =	sadd.s32 $0x181806, s8;
	[dreg:$0x7] =	wrdreg s14  }
0xd: {  	s18 =	simm.s32 $0x2;
	s22 =	sadd.s32 $0x181808, s8;
	[dreg:$0xa] =	wrdreg s19  }
0xe: {  	s12 =	sadd.s32 s6, s4;
	s11 =	sadd.s32 s5, s1;
	[dreg:$0xd] =	wrdreg s22  }
0xf: {  	s8 =	sadd.s32 $0x1700, s4;
	s13 =	sadd.s32 $0x181A00, s12;
	[dreg:$0x12] =	wrdreg s11  }
0x10: {  	s5 =	sadd.s32 $0x1400, s4;
	s16 =	sadd.s32 $0xC00, s11;
	[dreg:$0x6] =	wrdreg s13  }
0x11: {  	s6 =	sadd.s32 $0x1500, s4;
	s17 =	sadd.s32 $0x182000, s12;
	[dreg:$0x8] =	wrdreg s16  }
0x12: {  	s10 =	sadd.s32 $0x1900, s4;
	s20 =	sadd.s32 $0x1800, s11;
	[dreg:$0x9] =	wrdreg s17  }
0x13: {  	s14 =	simm.s32 $0x5;
	s21 =	sadd.s32 $0x182600, s12;
	[dreg:$0xb] =	wrdreg s20  }
0x14: {  	s4 =	simm.s32 $0x100;
	s23 =	sadd.s32 $0x2400, s11;
	[dreg:$0xc] =	wrdreg s21  }
0x15: {  	s19 =	simm.s32 $0xC100;
	s24 =	sadd.s32 $0x182C00, s12;
	[dreg:$0xe] =	wrdreg s23  }
0x16: {  	s22 =	simm.s32 $0x7900;
	s25 =	sadd.s32 $0x3000, s11;
	[dreg:$0xf] =	wrdreg s24  }
0x17: {  	s11 =	sadd.s32 $0x100, s15;
	s26 =	sadd.s32 $0x183200, s12;
	[dreg:$0x10] =	wrdreg s25  }
0x18: {  	v2 =	vlaneseq.u32;
	s12 =	sadd.s32 $0x200, s15;
	[dreg:$0x11] =	wrdreg s26;
	s13 =	smax.u32 s0, $0x1  }
0x19: {  	vm0 =	vmmov $0xffff;
	v1 =	vshrl.u32 v2, $0x3;
	s17 =	simm.s32 $0x1;
	s23 =	simm.s32 $0x8100;
	s24 =	simm.s32 $0x8900  }
0x1a: {  	v0 =	vand.u32 $0x7, v2;
	v2 =	vor.u32 $0x8, v2;
	v1 =	vmul.u32 $0x8, v1;
	s25 =	simm.s32 $0x9100;
	s26 =	simm.s32 $0x9900;
	s20 =	simm.s32 $0xF100  }
.LBB2_1:
0x1b: {  	s21 =	rddreg [dreg:$0x4]  }
0x1c: {  	[tilespmem:s3], [sflag:$0x5] =	stream.linear.gather [hbm4b:s21+s3], $0x10, $0x38;
	[tilespmem:$0x12100] =	vst v63  }
0x1d: {  	_ =	swait.ge [sflag:s14], $0x10  }
0x1e: {  	[sflag:s14] =	ssyncset.done $0x0  }
0x1f: {  	[sflag:s14] =	ssyncadd.s32 $0xFFFFFFF0  }
0x20: {  	v3 =	vld [tilespmem:$0x0];
	_ =	sdelay $0x4  }
0x21: {  	v4 =	vshrl.u32 v3, $0x3  }
0x22: {  	v4 =	vmul.u32 $0x60, v4  }
0x23: {  	v3 =	vand.u32 $0x7, v3  }
0x24: {  	v3 =	vor.u32 v3, v4  }
0x25: {  	v4 =	vperm.xlane v3, v0;
	_ =	sdelay $0x1  }
0x26: {  	v4 =	vadd.s32 v1, v4;
	_ =	sdelay $0x4  }
0x27: {  	[tilespmem:s4], [sflag:$0x1] =	stream.indirect_vreg.gather [hbm4b:s5+s3], $0x80, v4, vm0, $0xb8;
	[tilespmem:$0x12100] =	vst v63  }
0x28: {  	s0 =	simm.s32 $0x900  }
0x29: {  	[tilespmem:s0], [sflag:$0x1] =	stream.indirect_vreg.gather [hbm4b:s6+s3], $0x80, v4, vm0, $0xb8;
	[tilespmem:$0x12100] =	vst v63  }
0x2a: {  	s21 =	simm.s32 $0x1100  }
0x2b: {  	[tilespmem:s21], [sflag:$0x1] =	stream.indirect_vreg.gather [hbm4b:s7+s3], $0x80, v4, vm0, $0xb8;
	[tilespmem:$0x12100] =	vst v63  }
0x2c: {  	s1 =	simm.s32 $0x1900;
	v3 =	vperm.xlane v3, v2  }
0x2d: {  	[tilespmem:s1], [sflag:$0x1] =	stream.indirect_vreg.gather [hbm4b:s8+s3], $0x80, v4, vm0, $0xb8;
	[tilespmem:$0x12100] =	vst v63  }
0x2e: {  	s2 =	simm.s32 $0x2100;
	v3 =	vadd.s32 v1, v3  }
0x2f: {  	[tilespmem:s2], [sflag:$0x1] =	stream.indirect_vreg.gather [hbm4b:s9+s3], $0x80, v4, vm0, $0xb8;
	[tilespmem:$0x12100] =	vst v63  }
0x30: {  	s16 =	simm.s32 $0x2900  }
0x31: {  	[tilespmem:s16], [sflag:$0x1] =	stream.indirect_vreg.gather [hbm4b:s10+s3], $0x80, v4, vm0, $0xb8;
	[tilespmem:$0x12100] =	vst v63  }
0x32: {  	s21 =	simm.s32 $0x3100  }
0x33: {  	[tilespmem:s21], [sflag:$0x1] =	stream.indirect_vreg.gather [hbm4b:s5+s3], $0x80, v3, vm0, $0xb8;
	[tilespmem:$0x12100] =	vst v63  }
0x34: {  	s1 =	simm.s32 $0x3900  }
0x35: {  	[tilespmem:s1], [sflag:$0x1] =	stream.indirect_vreg.gather [hbm4b:s6+s3], $0x80, v3, vm0, $0xb8;
	[tilespmem:$0x12100] =	vst v63  }
0x36: {  	s2 =	simm.s32 $0x4100  }
0x37: {  	[tilespmem:s2], [sflag:$0x1] =	stream.indirect_vreg.gather [hbm4b:s7+s3], $0x80, v3, vm0, $0xb8;
	[tilespmem:$0x12100] =	vst v63  }
0x38: {  	s16 =	simm.s32 $0x4900  }
0x39: {  	[tilespmem:s16], [sflag:$0x1] =	stream.indirect_vreg.gather [hbm4b:s8+s3], $0x80, v3, vm0, $0xb8;
	[tilespmem:$0x12100] =	vst v63  }
0x3a: {  	s21 =	simm.s32 $0x5100  }
0x3b: {  	[tilespmem:s21], [sflag:$0x1] =	stream.indirect_vreg.gather [hbm4b:s9+s3], $0x80, v3, vm0, $0xb8;
	[tilespmem:$0x12100] =	vst v63  }
0x3c: {  	s1 =	simm.s32 $0x5900  }
0x3d: {  	[tilespmem:s1], [sflag:$0x1] =	stream.indirect_vreg.gather [hbm4b:s10+s3], $0x80, v3, vm0, $0xb8;
	[tilespmem:$0x12100] =	vst v63  }
0x3e: {  	v3 =	vld [tilespmem:$0x0];
	_ =	sdelay $0x4  }
0x3f: {  	v55 =	vshrl.u32 v3, $0x3  }
0x40: {  	v4 =	vmul.u32 $0x30, v55  }
0x41: {  	v3 =	vand.u32 $0x7, v3  }
0x42: {  	v3 =	vor.u32 v3, v4  }
0x43: {  	v4 =	vperm.xlane v3, v0;
	_ =	sdelay $0x1  }
0x44: {  	v4 =	vadd.s32 v1, v4;
	_ =	sdelay $0x3  }
0x45: {  	v3 =	vperm.xlane v3, v2  }
0x46: {  	[tilespmem:s19], [sflag:$0x2] =	stream.indirect_vreg.gather [hbm4b:s15+s3], $0x80, v4, vm0, $0xb8;
	[tilespmem:$0x12100] =	vst v63  }
0x47: {  	s2 =	simm.s32 $0xC900;
	v3 =	vadd.s32 v1, v3  }
0x48: {  	[tilespmem:s2], [sflag:$0x2] =	stream.indirect_vreg.gather [hbm4b:s11+s3], $0x80, v4, vm0, $0xb8;
	[tilespmem:$0x12100] =	vst v63  }
0x49: {  	s16 =	simm.s32 $0xD100  }
0x4a: {  	[tilespmem:s16], [sflag:$0x2] =	stream.indirect_vreg.gather [hbm4b:s12+s3], $0x80, v4, vm0, $0xb8;
	[tilespmem:$0x12100] =	vst v63  }
0x4b: {  	s21 =	simm.s32 $0xD900  }
0x4c: {  	[tilespmem:s21], [sflag:$0x2] =	stream.indirect_vreg.gather [hbm4b:s15+s3], $0x80, v3, vm0, $0xb8;
	[tilespmem:$0x12100] =	vst v63  }
0x4d: {  	s1 =	simm.s32 $0xE100  }
0x4e: {  	[tilespmem:s1], [sflag:$0x2] =	stream.indirect_vreg.gather [hbm4b:s11+s3], $0x80, v3, vm0, $0xb8;
	[tilespmem:$0x12100] =	vst v63  }
0x4f: {  	s2 =	simm.s32 $0xE900  }
0x50: {  	[tilespmem:s2], [sflag:$0x2] =	stream.indirect_vreg.gather [hbm4b:s12+s3], $0x80, v3, vm0, $0xb8;
	[tilespmem:$0x12100] =	vst v63  }
0x51: {  	s16 =	simm.s32 $0x80;
	s21 =	rddreg [dreg:$0x5]  }
0x52: {  	[tilespmem:s16], [sflag:$0x5] =	stream.linear.gather [hbm4b:s21+s3], $0x10, $0x38;
	[tilespmem:$0x12100] =	vst v63  }
0x53: {  	_ =	swait.ge [sflag:s14], $0x10  }
0x54: {  	[sflag:s14] =	ssyncset.done $0x0  }
0x55: {  	[sflag:s14] =	ssyncadd.s32 $0xFFFFFFF0  }
0x56: {  	v3 =	vld [tilespmem:$0x80];
	_ =	sdelay $0x4  }
0x57: {  	v56 =	vshrl.u32 v3, $0x3  }
0x58: {  	v4 =	vmul.u32 $0x60, v56  }
0x59: {  	v3 =	vand.u32 $0x7, v3  }
0x5a: {  	v3 =	vor.u32 v3, v4  }
0x5b: {  	v4 =	vperm.xlane v3, v0;
	_ =	sdelay $0x1  }
0x5c: {  	v4 =	vadd.s32 v1, v4;
	_ =	sdelay $0x3  }
0x5d: {  	s21 =	simm.s32 $0x6100  }
0x5e: {  	[tilespmem:s21], [sflag:$0x3] =	stream.indirect_vreg.gather [hbm4b:s5+s3], $0x80, v4, vm0, $0xb8;
	[tilespmem:$0x12100] =	vst v63  }
0x5f: {  	_ = 	snop  }
0x60: {  	[tilespmem:s28], [sflag:$0x3] =	stream.indirect_vreg.gather [hbm4b:s6+s3], $0x80, v4, vm0, $0xb8;
	[tilespmem:$0x12100] =	vst v63  }
0x61: {  	s2 =	simm.s32 $0x7100  }
0x62: {  	[tilespmem:s2], [sflag:$0x3] =	stream.indirect_vreg.gather [hbm4b:s7+s3], $0x80, v4, vm0, $0xb8;
	[tilespmem:$0x12100] =	vst v63  }
0x63: {  	v3 =	vperm.xlane v3, v2  }
0x64: {  	[tilespmem:s22], [sflag:$0x3] =	stream.indirect_vreg.gather [hbm4b:s8+s3], $0x80, v4, vm0, $0xb8;
	[tilespmem:$0x12100] =	vst v63  }
0x65: {  	v3 =	vadd.s32 v1, v3  }
0x66: {  	[tilespmem:s23], [sflag:$0x3] =	stream.indirect_vreg.gather [hbm4b:s9+s3], $0x80, v4, vm0, $0xb8;
	[tilespmem:$0x12100] =	vst v63  }
0x67: {  	_ = 	snop  }
0x68: {  	[tilespmem:s24], [sflag:$0x3] =	stream.indirect_vreg.gather [hbm4b:s10+s3], $0x80, v4, vm0, $0xb8;
	[tilespmem:$0x12100] =	vst v63  }
0x69: {  	_ = 	snop  }
0x6a: {  	[tilespmem:s25], [sflag:$0x3] =	stream.indirect_vreg.gather [hbm4b:s5+s3], $0x80, v3, vm0, $0xb8;
	[tilespmem:$0x12100] =	vst v63  }
0x6b: {  	_ = 	snop  }
0x6c: {  	[tilespmem:s26], [sflag:$0x3] =	stream.indirect_vreg.gather [hbm4b:s6+s3], $0x80, v3, vm0, $0xb8;
	[tilespmem:$0x12100] =	vst v63  }
0x6d: {  	_ = 	snop  }
0x6e: {  	[tilespmem:s29], [sflag:$0x3] =	stream.indirect_vreg.gather [hbm4b:s7+s3], $0x80, v3, vm0, $0xb8;
	[tilespmem:$0x12100] =	vst v63  }
0x6f: {  	_ = 	snop  }
0x70: {  	[tilespmem:s30], [sflag:$0x3] =	stream.indirect_vreg.gather [hbm4b:s8+s3], $0x80, v3, vm0, $0xb8;
	[tilespmem:$0x12100] =	vst v63  }
0x71: {  	_ = 	snop  }
0x72: {  	[tilespmem:s31], [sflag:$0x3] =	stream.indirect_vreg.gather [hbm4b:s9+s3], $0x80, v3, vm0, $0xb8;
	[tilespmem:$0x12100] =	vst v63  }
0x73: {  	s16 =	simm.s32 $0xB900  }
0x74: {  	[tilespmem:s16], [sflag:$0x3] =	stream.indirect_vreg.gather [hbm4b:s10+s3], $0x80, v3, vm0, $0xb8;
	[tilespmem:$0x12100] =	vst v63  }
0x75: {  	v3 =	vld [tilespmem:$0x80];
	_ =	sdelay $0x4  }
0x76: {  	v57 =	vshrl.u32 v3, $0x3  }
0x77: {  	v4 =	vmul.u32 $0x30, v57  }
0x78: {  	v3 =	vand.u32 $0x7, v3  }
0x79: {  	v3 =	vor.u32 v3, v4  }
0x7a: {  	v4 =	vperm.xlane v3, v0;
	_ =	sdelay $0x1  }
0x7b: {  	v4 =	vadd.s32 v1, v4;
	_ =	sdelay $0x3  }
0x7c: {  	v3 =	vperm.xlane v3, v2  }
0x7d: {  	[tilespmem:s20], [sflag:$0x4] =	stream.indirect_vreg.gather [hbm4b:s15+s3], $0x80, v4, vm0, $0xb8;
	[tilespmem:$0x12100] =	vst v63  }
0x7e: {  	s21 =	simm.s32 $0xF900;
	v3 =	vadd.s32 v1, v3  }
0x7f: {  	[tilespmem:s21], [sflag:$0x4] =	stream.indirect_vreg.gather [hbm4b:s11+s3], $0x80, v4, vm0, $0xb8;
	[tilespmem:$0x12100] =	vst v63  }
0x80: {  	s2 =	simm.s32 $0x10100  }
0x81: {  	[tilespmem:s2], [sflag:$0x4] =	stream.indirect_vreg.gather [hbm4b:s12+s3], $0x80, v4, vm0, $0xb8;
	[tilespmem:$0x12100] =	vst v63  }
0x82: {  	s16 =	simm.s32 $0x10900  }
0x83: {  	[tilespmem:s16], [sflag:$0x4] =	stream.indirect_vreg.gather [hbm4b:s15+s3], $0x80, v3, vm0, $0xb8;
	[tilespmem:$0x12100] =	vst v63  }
0x84: {  	s21 =	simm.s32 $0x11100  }
0x85: {  	[tilespmem:s21], [sflag:$0x4] =	stream.indirect_vreg.gather [hbm4b:s11+s3], $0x80, v3, vm0, $0xb8;
	[tilespmem:$0x12100] =	vst v63  }
0x86: {  	s2 =	simm.s32 $0x11900  }
0x87: {  	[tilespmem:s2], [sflag:$0x4] =	stream.indirect_vreg.gather [hbm4b:s12+s3], $0x80, v3, vm0, $0xb8;
	[tilespmem:$0x12100] =	vst v63  }
0x88: {  	_ =	swait.ge [sflag:s17], $0x6000  }
0x89: {  	[sflag:s17] =	ssyncset.done $0x0  }
0x8a: {  	[sflag:s17] =	ssyncadd.s32 $0xFFFFA000  }
0x8b: {  	_ =	swait.ge [sflag:s18], $0x3000  }
0x8c: {  	[sflag:s18] =	ssyncset.done $0x0  }
0x8d: {  	s16 =	rddreg [dreg:$0x12];
	[sflag:s18] =	ssyncadd.s32 $0xFFFFD000  }
0x8e: {  	[hbm4b:s16+s3] =	stream.linear.scatter [tilespmem:s4], [sflag:$0x5], $0x6000, $0x38;
	[tilespmem:$0x12100] =	vst v63  }
0x8f: {  	_ =	swait.ge [sflag:s14], $0x6000  }
0x90: {  	[sflag:s14] =	ssyncset.done $0x0  }
0x91: {  	s0 =	rddreg [dreg:$0x6];
	[sflag:s14] =	ssyncadd.s32 $0xFFFFA000  }
0x92: {  	[hbm4b:s0+s3] =	stream.linear.scatter [tilespmem:s19], [sflag:$0x5], $0x3000, $0x38;
	[tilespmem:$0x12100] =	vst v63  }
0x93: {  	_ =	swait.ge [sflag:s14], $0x3000  }
0x94: {  	[sflag:s14] =	ssyncset.done $0x0  }
0x95: {  	s2 =	rddreg [dreg:$0x7];
	[sflag:s14] =	ssyncadd.s32 $0xFFFFD000  }
0x96: {  	[tilespmem:s3], [sflag:$0x5] =	stream.linear.gather [hbm4b:s2+s3], $0x10, $0x38;
	[tilespmem:$0x12100] =	vst v63  }
0x97: {  	_ =	swait.ge [sflag:s14], $0x10  }
0x98: {  	[sflag:s14] =	ssyncset.done $0x0  }
0x99: {  	[sflag:s14] =	ssyncadd.s32 $0xFFFFFFF0  }
0x9a: {  	v3 =	vld [tilespmem:$0x0];
	_ =	sdelay $0x4  }
0x9b: {  	v58 =	vshrl.u32 v3, $0x3  }
0x9c: {  	v4 =	vmul.u32 $0x60, v58  }
0x9d: {  	v3 =	vand.u32 $0x7, v3  }
0x9e: {  	v3 =	vor.u32 v3, v4  }
0x9f: {  	v4 =	vperm.xlane v3, v0;
	_ =	sdelay $0x1  }
0xa0: {  	v4 =	vadd.s32 v1, v4;
	_ =	sdelay $0x4  }
0xa1: {  	[tilespmem:s4], [sflag:$0x1] =	stream.indirect_vreg.gather [hbm4b:s5+s3], $0x80, v4, vm0, $0xb8;
	[tilespmem:$0x12100] =	vst v63  }
0xa2: {  	s16 =	simm.s32 $0x900  }
0xa3: {  	[tilespmem:s16], [sflag:$0x1] =	stream.indirect_vreg.gather [hbm4b:s6+s3], $0x80, v4, vm0, $0xb8;
	[tilespmem:$0x12100] =	vst v63  }
0xa4: {  	s21 =	simm.s32 $0x1100  }
0xa5: {  	[tilespmem:s21], [sflag:$0x1] =	stream.indirect_vreg.gather [hbm4b:s7+s3], $0x80, v4, vm0, $0xb8;
	[tilespmem:$0x12100] =	vst v63  }
0xa6: {  	s2 =	simm.s32 $0x1900;
	v3 =	vperm.xlane v3, v2  }
0xa7: {  	[tilespmem:s2], [sflag:$0x1] =	stream.indirect_vreg.gather [hbm4b:s8+s3], $0x80, v4, vm0, $0xb8;
	[tilespmem:$0x12100] =	vst v63  }
0xa8: {  	v3 =	vadd.s32 v1, v3;
	s16 =	simm.s32 $0x2100  }
0xa9: {  	[tilespmem:s16], [sflag:$0x1] =	stream.indirect_vreg.gather [hbm4b:s9+s3], $0x80, v4, vm0, $0xb8;
	[tilespmem:$0x12100] =	vst v63  }
0xaa: {  	s21 =	simm.s32 $0x2900  }
0xab: {  	[tilespmem:s21], [sflag:$0x1] =	stream.indirect_vreg.gather [hbm4b:s10+s3], $0x80, v4, vm0, $0xb8;
	[tilespmem:$0x12100] =	vst v63  }
0xac: {  	s2 =	simm.s32 $0x3100  }
0xad: {  	[tilespmem:s2], [sflag:$0x1] =	stream.indirect_vreg.gather [hbm4b:s5+s3], $0x80, v3, vm0, $0xb8;
	[tilespmem:$0x12100] =	vst v63  }
0xae: {  	s16 =	simm.s32 $0x3900  }
0xaf: {  	[tilespmem:s16], [sflag:$0x1] =	stream.indirect_vreg.gather [hbm4b:s6+s3], $0x80, v3, vm0, $0xb8;
	[tilespmem:$0x12100] =	vst v63  }
0xb0: {  	s21 =	simm.s32 $0x4100  }
0xb1: {  	[tilespmem:s21], [sflag:$0x1] =	stream.indirect_vreg.gather [hbm4b:s7+s3], $0x80, v3, vm0, $0xb8;
	[tilespmem:$0x12100] =	vst v63  }
0xb2: {  	s2 =	simm.s32 $0x4900  }
0xb3: {  	[tilespmem:s2], [sflag:$0x1] =	stream.indirect_vreg.gather [hbm4b:s8+s3], $0x80, v3, vm0, $0xb8;
	[tilespmem:$0x12100] =	vst v63  }
0xb4: {  	s16 =	simm.s32 $0x5100  }
0xb5: {  	[tilespmem:s16], [sflag:$0x1] =	stream.indirect_vreg.gather [hbm4b:s9+s3], $0x80, v3, vm0, $0xb8;
	[tilespmem:$0x12100] =	vst v63  }
0xb6: {  	s21 =	simm.s32 $0x5900  }
0xb7: {  	[tilespmem:s21], [sflag:$0x1] =	stream.indirect_vreg.gather [hbm4b:s10+s3], $0x80, v3, vm0, $0xb8;
	[tilespmem:$0x12100] =	vst v63  }
0xb8: {  	v3 =	vld [tilespmem:$0x0];
	_ =	sdelay $0x4  }
0xb9: {  	v59 =	vshrl.u32 v3, $0x3  }
0xba: {  	v4 =	vmul.u32 $0x30, v59  }
0xbb: {  	v3 =	vand.u32 $0x7, v3  }
0xbc: {  	v3 =	vor.u32 v3, v4  }
0xbd: {  	v4 =	vperm.xlane v3, v0;
	_ =	sdelay $0x1  }
0xbe: {  	v4 =	vadd.s32 v1, v4;
	_ =	sdelay $0x3  }
0xbf: {  	v3 =	vperm.xlane v3, v2  }
0xc0: {  	[tilespmem:s19], [sflag:$0x2] =	stream.indirect_vreg.gather [hbm4b:s15+s3], $0x80, v4, vm0, $0xb8;
	[tilespmem:$0x12100] =	vst v63  }
0xc1: {  	s2 =	simm.s32 $0xC900;
	v3 =	vadd.s32 v1, v3  }
0xc2: {  	[tilespmem:s2], [sflag:$0x2] =	stream.indirect_vreg.gather [hbm4b:s11+s3], $0x80, v4, vm0, $0xb8;
	[tilespmem:$0x12100] =	vst v63  }
0xc3: {  	s16 =	simm.s32 $0xD100  }
0xc4: {  	[tilespmem:s16], [sflag:$0x2] =	stream.indirect_vreg.gather [hbm4b:s12+s3], $0x80, v4, vm0, $0xb8;
	[tilespmem:$0x12100] =	vst v63  }
0xc5: {  	s21 =	simm.s32 $0xD900  }
0xc6: {  	[tilespmem:s21], [sflag:$0x2] =	stream.indirect_vreg.gather [hbm4b:s15+s3], $0x80, v3, vm0, $0xb8;
	[tilespmem:$0x12100] =	vst v63  }
0xc7: {  	s2 =	simm.s32 $0xE100  }
0xc8: {  	[tilespmem:s2], [sflag:$0x2] =	stream.indirect_vreg.gather [hbm4b:s11+s3], $0x80, v3, vm0, $0xb8;
	[tilespmem:$0x12100] =	vst v63  }
0xc9: {  	s1 =	simm.s32 $0xE900;
	s0 =	simm.s32 $0x3  }
0xca: {  	[tilespmem:s1], [sflag:$0x2] =	stream.indirect_vreg.gather [hbm4b:s12+s3], $0x80, v3, vm0, $0xb8;
	[tilespmem:$0x12100] =	vst v63  }
0xcb: {  	_ =	swait.ge [sflag:s0], $0x6000  }
0xcc: {  	[sflag:s0] =	ssyncset.done $0x0  }
0xcd: {  	s1 =	simm.s32 $0x4;
	[sflag:s0] =	ssyncadd.s32 $0xFFFFA000  }
0xce: {  	_ =	swait.ge [sflag:s1], $0x3000  }
0xcf: {  	[sflag:s1] =	ssyncset.done $0x0  }
0xd0: {  	s2 =	simm.s32 $0x6100;
	s16 =	rddreg [dreg:$0x8];
	[sflag:s1] =	ssyncadd.s32 $0xFFFFD000  }
0xd1: {  	[hbm4b:s16+s3] =	stream.linear.scatter [tilespmem:s2], [sflag:$0x5], $0x6000, $0x38;
	[tilespmem:$0x12100] =	vst v63  }
0xd2: {  	_ =	swait.ge [sflag:s14], $0x6000  }
0xd3: {  	[sflag:s14] =	ssyncset.done $0x0  }
0xd4: {  	s16 =	rddreg [dreg:$0x9];
	[sflag:s14] =	ssyncadd.s32 $0xFFFFA000  }
0xd5: {  	[hbm4b:s16+s3] =	stream.linear.scatter [tilespmem:s20], [sflag:$0x5], $0x3000, $0x38;
	[tilespmem:$0x12100] =	vst v63  }
0xd6: {  	_ =	swait.ge [sflag:s14], $0x3000  }
0xd7: {  	[sflag:s14] =	ssyncset.done $0x0  }
0xd8: {  	s16 =	simm.s32 $0x80;
	s21 =	rddreg [dreg:$0xa];
	[sflag:s14] =	ssyncadd.s32 $0xFFFFD000  }
0xd9: {  	[tilespmem:s16], [sflag:$0x5] =	stream.linear.gather [hbm4b:s21+s3], $0x10, $0x38;
	[tilespmem:$0x12100] =	vst v63  }
0xda: {  	_ =	swait.ge [sflag:s14], $0x10  }
0xdb: {  	[sflag:s14] =	ssyncset.done $0x0  }
0xdc: {  	[sflag:s14] =	ssyncadd.s32 $0xFFFFFFF0  }
0xdd: {  	v3 =	vld [tilespmem:$0x80];
	_ =	sdelay $0x4  }
0xde: {  	v60 =	vshrl.u32 v3, $0x3  }
0xdf: {  	v4 =	vmul.u32 $0x60, v60  }
0xe0: {  	v3 =	vand.u32 $0x7, v3  }
0xe1: {  	v3 =	vor.u32 v3, v4  }
0xe2: {  	v4 =	vperm.xlane v3, v0;
	_ =	sdelay $0x1  }
0xe3: {  	v4 =	vadd.s32 v1, v4;
	_ =	sdelay $0x4  }
0xe4: {  	[tilespmem:s2], [sflag:$0x3] =	stream.indirect_vreg.gather [hbm4b:s5+s3], $0x80, v4, vm0, $0xb8;
	[tilespmem:$0x12100] =	vst v63  }
0xe5: {  	_ = 	snop  }
0xe6: {  	[tilespmem:s28], [sflag:$0x3] =	stream.indirect_vreg.gather [hbm4b:s6+s3], $0x80, v4, vm0, $0xb8;
	[tilespmem:$0x12100] =	vst v63  }
0xe7: {  	s21 =	simm.s32 $0x7100  }
0xe8: {  	[tilespmem:s21], [sflag:$0x3] =	stream.indirect_vreg.gather [hbm4b:s7+s3], $0x80, v4, vm0, $0xb8;
	[tilespmem:$0x12100] =	vst v63  }
0xe9: {  	v3 =	vperm.xlane v3, v2  }
0xea: {  	[tilespmem:s22], [sflag:$0x3] =	stream.indirect_vreg.gather [hbm4b:s8+s3], $0x80, v4, vm0, $0xb8;
	[tilespmem:$0x12100] =	vst v63  }
0xeb: {  	v3 =	vadd.s32 v1, v3  }
0xec: {  	[tilespmem:s23], [sflag:$0x3] =	stream.indirect_vreg.gather [hbm4b:s9+s3], $0x80, v4, vm0, $0xb8;
	[tilespmem:$0x12100] =	vst v63  }
0xed: {  	_ = 	snop  }
0xee: {  	[tilespmem:s24], [sflag:$0x3] =	stream.indirect_vreg.gather [hbm4b:s10+s3], $0x80, v4, vm0, $0xb8;
	[tilespmem:$0x12100] =	vst v63  }
0xef: {  	_ = 	snop  }
0xf0: {  	[tilespmem:s25], [sflag:$0x3] =	stream.indirect_vreg.gather [hbm4b:s5+s3], $0x80, v3, vm0, $0xb8;
	[tilespmem:$0x12100] =	vst v63  }
0xf1: {  	_ = 	snop  }
0xf2: {  	[tilespmem:s26], [sflag:$0x3] =	stream.indirect_vreg.gather [hbm4b:s6+s3], $0x80, v3, vm0, $0xb8;
	[tilespmem:$0x12100] =	vst v63  }
0xf3: {  	_ = 	snop  }
0xf4: {  	[tilespmem:s29], [sflag:$0x3] =	stream.indirect_vreg.gather [hbm4b:s7+s3], $0x80, v3, vm0, $0xb8;
	[tilespmem:$0x12100] =	vst v63  }
0xf5: {  	_ = 	snop  }
0xf6: {  	[tilespmem:s30], [sflag:$0x3] =	stream.indirect_vreg.gather [hbm4b:s8+s3], $0x80, v3, vm0, $0xb8;
	[tilespmem:$0x12100] =	vst v63  }
0xf7: {  	_ = 	snop  }
0xf8: {  	[tilespmem:s31], [sflag:$0x3] =	stream.indirect_vreg.gather [hbm4b:s9+s3], $0x80, v3, vm0, $0xb8;
	[tilespmem:$0x12100] =	vst v63  }
0xf9: {  	s21 =	simm.s32 $0xB900  }
0xfa: {  	[tilespmem:s21], [sflag:$0x3] =	stream.indirect_vreg.gather [hbm4b:s10+s3], $0x80, v3, vm0, $0xb8;
	[tilespmem:$0x12100] =	vst v63  }
0xfb: {  	v3 =	vld [tilespmem:$0x80];
	_ =	sdelay $0x4  }
0xfc: {  	v61 =	vshrl.u32 v3, $0x3  }
0xfd: {  	v4 =	vmul.u32 $0x30, v61  }
0xfe: {  	v3 =	vand.u32 $0x7, v3  }
0xff: {  	v3 =	vor.u32 v3, v4  }
0x100: {  	v4 =	vperm.xlane v3, v0;
	_ =	sdelay $0x1  }
0x101: {  	v4 =	vadd.s32 v1, v4;
	_ =	sdelay $0x3  }
0x102: {  	v3 =	vperm.xlane v3, v2  }
0x103: {  	[tilespmem:s20], [sflag:$0x4] =	stream.indirect_vreg.gather [hbm4b:s15+s3], $0x80, v4, vm0, $0xb8;
	[tilespmem:$0x12100] =	vst v63  }
0x104: {  	s21 =	simm.s32 $0xF900;
	v3 =	vadd.s32 v1, v3  }
0x105: {  	[tilespmem:s21], [sflag:$0x4] =	stream.indirect_vreg.gather [hbm4b:s11+s3], $0x80, v4, vm0, $0xb8;
	[tilespmem:$0x12100] =	vst v63  }
0x106: {  	s21 =	simm.s32 $0x10100  }
0x107: {  	[tilespmem:s21], [sflag:$0x4] =	stream.indirect_vreg.gather [hbm4b:s12+s3], $0x80, v4, vm0, $0xb8;
	[tilespmem:$0x12100] =	vst v63  }
0x108: {  	s21 =	simm.s32 $0x10900  }
0x109: {  	[tilespmem:s21], [sflag:$0x4] =	stream.indirect_vreg.gather [hbm4b:s15+s3], $0x80, v3, vm0, $0xb8;
	[tilespmem:$0x12100] =	vst v63  }
0x10a: {  	s21 =	simm.s32 $0x11100  }
0x10b: {  	[tilespmem:s21], [sflag:$0x4] =	stream.indirect_vreg.gather [hbm4b:s11+s3], $0x80, v3, vm0, $0xb8;
	[tilespmem:$0x12100] =	vst v63  }
0x10c: {  	s21 =	simm.s32 $0x11900  }
0x10d: {  	[tilespmem:s21], [sflag:$0x4] =	stream.indirect_vreg.gather [hbm4b:s12+s3], $0x80, v3, vm0, $0xb8;
	[tilespmem:$0x12100] =	vst v63  }
0x10e: {  	_ =	swait.ge [sflag:s17], $0x6000  }
0x10f: {  	[sflag:s17] =	ssyncset.done $0x0  }
0x110: {  	[sflag:s17] =	ssyncadd.s32 $0xFFFFA000  }
0x111: {  	_ =	swait.ge [sflag:s18], $0x3000  }
0x112: {  	[sflag:s18] =	ssyncset.done $0x0  }
0x113: {  	s2 =	rddreg [dreg:$0xb];
	[sflag:s18] =	ssyncadd.s32 $0xFFFFD000  }
0x114: {  	[hbm4b:s2+s3] =	stream.linear.scatter [tilespmem:s4], [sflag:$0x5], $0x6000, $0x38;
	[tilespmem:$0x12100] =	vst v63  }
0x115: {  	_ =	swait.ge [sflag:s14], $0x6000  }
0x116: {  	[sflag:s14] =	ssyncset.done $0x0  }
0x117: {  	s2 =	rddreg [dreg:$0xc];
	[sflag:s14] =	ssyncadd.s32 $0xFFFFA000  }
0x118: {  	[hbm4b:s2+s3] =	stream.linear.scatter [tilespmem:s19], [sflag:$0x5], $0x3000, $0x38;
	[tilespmem:$0x12100] =	vst v63  }
0x119: {  	_ =	swait.ge [sflag:s14], $0x3000  }
0x11a: {  	[sflag:s14] =	ssyncset.done $0x0  }
0x11b: {  	s2 =	rddreg [dreg:$0xd];
	[sflag:s14] =	ssyncadd.s32 $0xFFFFD000  }
0x11c: {  	[tilespmem:s3], [sflag:$0x5] =	stream.linear.gather [hbm4b:s2+s3], $0x10, $0x38;
	[tilespmem:$0x12100] =	vst v63  }
0x11d: {  	_ =	swait.ge [sflag:s14], $0x10  }
0x11e: {  	[sflag:s14] =	ssyncset.done $0x0  }
0x11f: {  	[sflag:s14] =	ssyncadd.s32 $0xFFFFFFF0  }
0x120: {  	v3 =	vld [tilespmem:$0x0];
	_ =	sdelay $0x4  }
0x121: {  	v62 =	vshrl.u32 v3, $0x3  }
0x122: {  	v4 =	vmul.u32 $0x60, v62  }
0x123: {  	v3 =	vand.u32 $0x7, v3  }
0x124: {  	v3 =	vor.u32 v3, v4  }
0x125: {  	v4 =	vperm.xlane v3, v0;
	_ =	sdelay $0x1  }
0x126: {  	v4 =	vadd.s32 v1, v4;
	_ =	sdelay $0x4  }
0x127: {  	[tilespmem:s4], [sflag:$0x1] =	stream.indirect_vreg.gather [hbm4b:s5+s3], $0x80, v4, vm0, $0xb8;
	[tilespmem:$0x12100] =	vst v63  }
0x128: {  	s21 =	simm.s32 $0x900  }
0x129: {  	[tilespmem:s21], [sflag:$0x1] =	stream.indirect_vreg.gather [hbm4b:s6+s3], $0x80, v4, vm0, $0xb8;
	[tilespmem:$0x12100] =	vst v63  }
0x12a: {  	s21 =	simm.s32 $0x1100  }
0x12b: {  	[tilespmem:s21], [sflag:$0x1] =	stream.indirect_vreg.gather [hbm4b:s7+s3], $0x80, v4, vm0, $0xb8;
	[tilespmem:$0x12100] =	vst v63  }
0x12c: {  	v3 =	vperm.xlane v3, v2;
	s21 =	simm.s32 $0x1900  }
0x12d: {  	[tilespmem:s21], [sflag:$0x1] =	stream.indirect_vreg.gather [hbm4b:s8+s3], $0x80, v4, vm0, $0xb8;
	[tilespmem:$0x12100] =	vst v63  }
0x12e: {  	v3 =	vadd.s32 v1, v3;
	s21 =	simm.s32 $0x2100  }
0x12f: {  	[tilespmem:s21], [sflag:$0x1] =	stream.indirect_vreg.gather [hbm4b:s9+s3], $0x80, v4, vm0, $0xb8;
	[tilespmem:$0x12100] =	vst v63  }
0x130: {  	s21 =	simm.s32 $0x2900  }
0x131: {  	[tilespmem:s21], [sflag:$0x1] =	stream.indirect_vreg.gather [hbm4b:s10+s3], $0x80, v4, vm0, $0xb8;
	[tilespmem:$0x12100] =	vst v63  }
0x132: {  	s21 =	simm.s32 $0x3100  }
0x133: {  	[tilespmem:s21], [sflag:$0x1] =	stream.indirect_vreg.gather [hbm4b:s5+s3], $0x80, v3, vm0, $0xb8;
	[tilespmem:$0x12100] =	vst v63  }
0x134: {  	s21 =	simm.s32 $0x3900  }
0x135: {  	[tilespmem:s21], [sflag:$0x1] =	stream.indirect_vreg.gather [hbm4b:s6+s3], $0x80, v3, vm0, $0xb8;
	[tilespmem:$0x12100] =	vst v63  }
0x136: {  	s21 =	simm.s32 $0x4100  }
0x137: {  	[tilespmem:s21], [sflag:$0x1] =	stream.indirect_vreg.gather [hbm4b:s7+s3], $0x80, v3, vm0, $0xb8;
	[tilespmem:$0x12100] =	vst v63  }
0x138: {  	s21 =	simm.s32 $0x4900  }
0x139: {  	[tilespmem:s21], [sflag:$0x1] =	stream.indirect_vreg.gather [hbm4b:s8+s3], $0x80, v3, vm0, $0xb8;
	[tilespmem:$0x12100] =	vst v63  }
0x13a: {  	s21 =	simm.s32 $0x5100  }
0x13b: {  	[tilespmem:s21], [sflag:$0x1] =	stream.indirect_vreg.gather [hbm4b:s9+s3], $0x80, v3, vm0, $0xb8;
	[tilespmem:$0x12100] =	vst v63  }
0x13c: {  	s21 =	simm.s32 $0x5900  }
0x13d: {  	[tilespmem:s21], [sflag:$0x1] =	stream.indirect_vreg.gather [hbm4b:s10+s3], $0x80, v3, vm0, $0xb8;
	[tilespmem:$0x12100] =	vst v63  }
0x13e: {  	v3 =	vld [tilespmem:$0x0];
	_ =	sdelay $0x4  }
0x13f: {  	v63 =	vshrl.u32 v3, $0x3  }
0x140: {  	v4 =	vmul.u32 $0x30, v63  }
0x141: {  	v3 =	vand.u32 $0x7, v3  }
0x142: {  	v3 =	vor.u32 v3, v4  }
0x143: {  	v4 =	vperm.xlane v3, v0;
	_ =	sdelay $0x1  }
0x144: {  	v4 =	vadd.s32 v1, v4;
	_ =	sdelay $0x3  }
0x145: {  	v3 =	vperm.xlane v3, v2  }
0x146: {  	[tilespmem:s19], [sflag:$0x2] =	stream.indirect_vreg.gather [hbm4b:s15+s3], $0x80, v4, vm0, $0xb8;
	[tilespmem:$0x12100] =	vst v63  }
0x147: {  	s21 =	simm.s32 $0xC900;
	v3 =	vadd.s32 v1, v3  }
0x148: {  	[tilespmem:s21], [sflag:$0x2] =	stream.indirect_vreg.gather [hbm4b:s11+s3], $0x80, v4, vm0, $0xb8;
	[tilespmem:$0x12100] =	vst v63  }
0x149: {  	s21 =	simm.s32 $0xD100  }
0x14a: {  	[tilespmem:s21], [sflag:$0x2] =	stream.indirect_vreg.gather [hbm4b:s12+s3], $0x80, v4, vm0, $0xb8;
	[tilespmem:$0x12100] =	vst v63  }
0x14b: {  	s21 =	simm.s32 $0xD900  }
0x14c: {  	[tilespmem:s21], [sflag:$0x2] =	stream.indirect_vreg.gather [hbm4b:s15+s3], $0x80, v3, vm0, $0xb8;
	[tilespmem:$0x12100] =	vst v63  }
0x14d: {  	s21 =	simm.s32 $0xE100  }
0x14e: {  	[tilespmem:s21], [sflag:$0x2] =	stream.indirect_vreg.gather [hbm4b:s11+s3], $0x80, v3, vm0, $0xb8;
	[tilespmem:$0x12100] =	vst v63  }
0x14f: {  	s21 =	simm.s32 $0xE900  }
0x150: {  	[tilespmem:s21], [sflag:$0x2] =	stream.indirect_vreg.gather [hbm4b:s12+s3], $0x80, v3, vm0, $0xb8;
	[tilespmem:$0x12100] =	vst v63  }
0x151: {  	_ =	swait.ge [sflag:s0], $0x6000  }
0x152: {  	[sflag:s0] =	ssyncset.done $0x0  }
0x153: {  	[sflag:s0] =	ssyncadd.s32 $0xFFFFA000  }
0x154: {  	_ =	swait.ge [sflag:s1], $0x3000  }
0x155: {  	[sflag:s1] =	ssyncset.done $0x0  }
0x156: {  	s16 =	simm.s32 $0x6100;
	s0 =	rddreg [dreg:$0xe];
	[sflag:s1] =	ssyncadd.s32 $0xFFFFD000  }
0x157: {  	[hbm4b:s0+s3] =	stream.linear.scatter [tilespmem:s16], [sflag:$0x5], $0x6000, $0x38;
	[tilespmem:$0x12100] =	vst v63  }
0x158: {  	_ =	swait.ge [sflag:s14], $0x6000  }
0x159: {  	[sflag:s14] =	ssyncset.done $0x0  }
0x15a: {  	s1 =	rddreg [dreg:$0xf];
	[sflag:s14] =	ssyncadd.s32 $0xFFFFA000  }
0x15b: {  	[hbm4b:s1+s3] =	stream.linear.scatter [tilespmem:s20], [sflag:$0x5], $0x3000, $0x38;
	[tilespmem:$0x12100] =	vst v63  }
0x15c: {  	_ =	swait.ge [sflag:s14], $0x3000  }
0x15d: {  	[sflag:s14] =	ssyncset.done $0x0  }
0x15e: {  	[sflag:s14] =	ssyncadd.s32 $0xFFFFD000  }
0x15f: {  	_ =	swait.ge [sflag:s17], $0x6000  }
0x160: {  	[sflag:s17] =	ssyncset.done $0x0  }
0x161: {  	[sflag:s17] =	ssyncadd.s32 $0xFFFFA000  }
0x162: {  	_ =	swait.ge [sflag:s18], $0x3000  }
0x163: {  	[sflag:s18] =	ssyncset.done $0x0  }
0x164: {  	s2 =	rddreg [dreg:$0x10];
	[sflag:s18] =	ssyncadd.s32 $0xFFFFD000  }
0x165: {  	[hbm4b:s2+s3] =	stream.linear.scatter [tilespmem:s4], [sflag:$0x5], $0x6000, $0x38;
	[tilespmem:$0x12100] =	vst v63  }
0x166: {  	_ =	swait.ge [sflag:s14], $0x6000  }
0x167: {  	p0 =	sne.s32 s13, $0x1;
	[sflag:s14] =	ssyncset.done $0x0  }
.Ltmp0:
0x168: {  	s16 =	rddreg [dreg:$0x11];
	[sflag:s14] =	ssyncadd.s32 $0xFFFFA000;
	(pc) =	sbr.rel @p0 .LBB2_1-.Ltmp0, $4  }
0x169: {  	[hbm4b:s16+s3] =	stream.linear.scatter [tilespmem:s19], [sflag:$0x5], $0x3000, $0x38;
	[tilespmem:$0x12100] =	vst v63  }
0x16a: {  	_ =	swait.ge [sflag:s14], $0x3000  }
0x16b: {  	[sflag:s14] =	ssyncset.done $0x0  }
0x16c: {  	s13 =	sadd.s32 $0xFFFFFFFF, s13;
	[sflag:s14] =	ssyncadd.s32 $0xFFFFD000  }
0x16d: {  	_ =	sfence.sel $0x180000  }
0x16e: {  	[bflag:$0x0] =	sbarrier.arrive $0xFFFF  }
0x16f: {  	_ =	strace $0x90000047  }
0x170: {  	s0 =	stileid.u32;
	[bflag:$0x2] =	sbarrier.arrive $0xFFFF  }
0x171: {  	p0 =	sne.s32 s0, $0x0;
	s0 =	rddreg [dreg:$0x3]  }
0x172: {  	s0 =	sadd.s32 @!p0 $0x100000, s0  }
0x173: {  	[sflag:s0] =	ssyncadd.tile.s32 @!p0 $0x1;
	_ =	shalt  }
.Lfunc_end2:
_tile_overlayer_lowered:
.L_overlay_start_2:
0x174: {  	(tag) =	ssettag $0x2  }
0x175: {  	s0 =	rddreg [dreg:$0x0];
	s2 =	stileid.u32  }
0x176: {  	s1 =	rddreg [dreg:$0x1];
	p0 =	sne.s32 s2, $0x0  }
0x177: {  	s3 =	rddreg [dreg:$0x2];
	[bflag:$0x3] =	sbarrier.arrive $0xFFFF;
	s2 =	simm.s32 @!p0 $0x1C05  }
0x178: {  	[timem:s3], [sflag:s2] =	dma.local @!p0 [hbm:s0], s1  }
0x179: {  	s0 =	simm.s32 @!p0 $0x5  }
0x17a: {  	_ =	swait.ge @!p0 [sflag:s0], s1  }
0x17b: {  	s1 =	ssub.s32 @!p0 $0x0, s1;
	[sflag:s0] =	ssyncset.done @!p0 $0x0  }
0x17c: {  	[sflag:s0] =	ssyncadd.s32 @!p0 s1  }
0x17d: {  	[bflag:$0x3] =	sbarrier.arrive $0xFFFF  }
0x17e: {  	_ =	shalt  }

</sc_bundles>
